<compile_context>
chip_gen: v7x
topology: tpu7x:2x2x1
jax: 0.10.2.dev20260603
libtpu: 0.0.44.dev20260713+nightly
codegen_flags: <defaults>
</compile_context>

<pallas_src>
import jax
import jax.numpy as jnp
from jax import lax
from jax.experimental import pallas as pl
from jax.experimental.pallas import tpu as pltpu
from jax.experimental.pallas import tpu_sc as plsc

N = 10000
N_PAD = 10240
E = 320000
D_IN = 128
D_HID = 128
N_CLS = 40
D_CLS_PAD = 48

NC = 2
NS = 16
ROWS_PER_SUB = N_PAD // NS
E_PER_CORE = E // NC
E_PER_TILE = E_PER_CORE // NS
CHUNK = 128
TILE_CHUNKS = 80
NGRP = 2
GRP = TILE_CHUNKS // NGRP
E_PAD = NC * NS * CHUNK * TILE_CHUNKS
PAD_IDX = N_PAD - 1
IDX_ROWS = E_PAD // CHUNK

_R = 2048
_GRID = N_PAD // _R


def _sc_mesh():
  return plsc.VectorSubcoreMesh(core_axis_name="c", subcore_axis_name="s")


def _deg_body(src2_hbm, dst2_hbm, zeros_hbm, ones_hbm, out_hbm,
              isrc_v, idst_v, ones_v, degd_sh, degs_sh):
  c = lax.axis_index("c")
  s = lax.axis_index("s")
  r0 = s * ROWS_PER_SUB
  rows = pl.ds(r0, ROWS_PER_SUB)
  pltpu.sync_copy(zeros_hbm, degd_sh.at[rows])
  pltpu.sync_copy(zeros_hbm, degs_sh.at[rows])
  pltpu.sync_copy(ones_hbm, ones_v)
  row0 = (c * NS + s) * TILE_CHUNKS
  pltpu.sync_copy(src2_hbm.at[pl.ds(row0, TILE_CHUNKS)], isrc_v)
  pltpu.sync_copy(dst2_hbm.at[pl.ds(row0, TILE_CHUNKS)], idst_v)
  plsc.subcore_barrier()

  def step(i, carry):
    pltpu.sync_copy(ones_v, degd_sh.at[idst_v.at[i]], add=True)
    pltpu.sync_copy(ones_v, degs_sh.at[isrc_v.at[i]], add=True)
    return carry

  lax.fori_loop(0, TILE_CHUNKS, step, 0)
  plsc.subcore_barrier()
  pltpu.sync_copy(degd_sh.at[rows], out_hbm.at[c, 0, rows])
  pltpu.sync_copy(degs_sh.at[rows], out_hbm.at[c, 1, rows])


def _deg_call(src2, dst2):
  zeros = jnp.zeros((ROWS_PER_SUB, 16), jnp.float32)
  ones = jnp.ones((CHUNK, 16), jnp.float32)
  fn = pl.kernel(
      _deg_body,
      out_type=jax.ShapeDtypeStruct((NC, 2, N_PAD, 16), jnp.float32),
      mesh=_sc_mesh(),
      compiler_params=pltpu.CompilerParams(use_tc_tiling_on_sc=False),
      scratch_types=[
          pltpu.VMEM((TILE_CHUNKS, CHUNK), jnp.int32),
          pltpu.VMEM((TILE_CHUNKS, CHUNK), jnp.int32),
          pltpu.VMEM((CHUNK, 16), jnp.float32),
          pltpu.VMEM_SHARED((N_PAD, 16), jnp.float32),
          pltpu.VMEM_SHARED((N_PAD, 16), jnp.float32),
      ],
  )
  return fn(src2, dst2, zeros, ones)


def _agg_body(h_hbm, src2_hbm, dst2_hbm, zeros_hbm, out_hbm,
              isrc_v, idst_v, rows_a, rows_b, acc_sh, sem_a, sem_b):
  c = lax.axis_index("c")
  s = lax.axis_index("s")
  r0 = s * ROWS_PER_SUB
  rows = pl.ds(r0, ROWS_PER_SUB)
  with jax.named_scope("agg_init"):
    pltpu.sync_copy(zeros_hbm, acc_sh.at[rows])
    tile_row0 = (c * NS + s) * TILE_CHUNKS
    plsc.subcore_barrier()

  for g in range(NGRP):
    row0 = tile_row0 + g * GRP
    pltpu.sync_copy(src2_hbm.at[pl.ds(row0, GRP)], isrc_v)
    pltpu.sync_copy(dst2_hbm.at[pl.ds(row0, GRP)], idst_v)
    pltpu.async_copy(h_hbm.at[isrc_v.at[0]], rows_a, sem_a)
    pltpu.async_copy(h_hbm.at[isrc_v.at[1]], rows_b, sem_b)

    def step(i, carry):
      ja = 2 * i
      jb = ja + 1
      pltpu.make_async_copy(h_hbm.at[isrc_v.at[ja]], rows_a, sem_a).wait()
      pltpu.sync_copy(rows_a, acc_sh.at[idst_v.at[ja]], add=True)
      pltpu.async_copy(h_hbm.at[isrc_v.at[ja + 2]], rows_a, sem_a)
      pltpu.make_async_copy(h_hbm.at[isrc_v.at[jb]], rows_b, sem_b).wait()
      pltpu.sync_copy(rows_b, acc_sh.at[idst_v.at[jb]], add=True)
      pltpu.async_copy(h_hbm.at[isrc_v.at[jb + 2]], rows_b, sem_b)
      return carry

    with jax.named_scope("agg_loop"):
      lax.fori_loop(0, GRP // 2 - 1, step, 0)
    last = GRP - 2
    pltpu.make_async_copy(h_hbm.at[isrc_v.at[last]], rows_a, sem_a).wait()
    pltpu.sync_copy(rows_a, acc_sh.at[idst_v.at[last]], add=True)
    pltpu.make_async_copy(h_hbm.at[isrc_v.at[last + 1]], rows_b, sem_b).wait()
    pltpu.sync_copy(rows_b, acc_sh.at[idst_v.at[last + 1]], add=True)

  with jax.named_scope("agg_wb"):
    plsc.subcore_barrier()
    pltpu.sync_copy(acc_sh.at[rows], out_hbm.at[c, rows])


def _make_agg(d):
  params = pltpu.CompilerParams(use_tc_tiling_on_sc=False)
  return pl.kernel(
      _agg_body,
      out_type=jax.ShapeDtypeStruct((NC, N_PAD, d), jnp.float32),
      mesh=_sc_mesh(),
      compiler_params=params,
      scratch_types=[
          pltpu.VMEM((GRP, CHUNK), jnp.int32),
          pltpu.VMEM((GRP, CHUNK), jnp.int32),
          pltpu.VMEM((CHUNK, d), jnp.float32),
          pltpu.VMEM((CHUNK, d), jnp.float32),
          pltpu.VMEM_SHARED((N_PAD, d), jnp.float32),
          pltpu.SemaphoreType.DMA,
          pltpu.SemaphoreType.DMA,
      ],
  )


def _agg(h, src2, dst2):
  d = h.shape[1]
  zeros = jnp.zeros((ROWS_PER_SUB, d), jnp.float32)
  return _make_agg(d)(h, src2, dst2, zeros)


def _row_keep():
  rid = pl.program_id(0) * _R + lax.broadcasted_iota(jnp.int32, (_R, 1), 0)
  return rid < N


def _pre_body(degp_ref, x_ref, hs_ref, nd_ref, ns_ref):
  dd = degp_ref[0, 0] + degp_ref[1, 0]
  dsr = degp_ref[0, 1] + degp_ref[1, 1]
  nd = lax.rsqrt(jnp.where(dd > 0.0, dd, 1.0))
  ns = lax.rsqrt(jnp.where(dsr > 0.0, dsr, 1.0))
  nd_ref[...] = nd
  ns_ref[...] = ns
  hs_ref[...] = jnp.where(_row_keep(), x_ref[...] * ns[:, 0:1], 0.0)


def _pre_call(degp, x):
  return pl.pallas_call(
      _pre_body,
      grid=(_GRID,),
      in_specs=[
          pl.BlockSpec((NC, 2, _R, 16), lambda i: (0, 0, i, 0)),
          pl.BlockSpec((_R, D_IN), lambda i: (i, 0)),
      ],
      out_specs=[
          pl.BlockSpec((_R, D_IN), lambda i: (i, 0)),
          pl.BlockSpec((_R, 16), lambda i: (i, 0)),
          pl.BlockSpec((_R, 16), lambda i: (i, 0)),
      ],
      out_shape=[
          jax.ShapeDtypeStruct((N_PAD, D_IN), jnp.float32),
          jax.ShapeDtypeStruct((N_PAD, 16), jnp.float32),
          jax.ShapeDtypeStruct((N_PAD, 16), jnp.float32),
      ],
  )(degp, x)


def _mid_body(p_ref, nd_ref, ns_ref, w_ref, b_ref, o_ref):
  agg = (p_ref[0] + p_ref[1]) * nd_ref[:, 0:1]
  z = jnp.dot(agg, w_ref[...], preferred_element_type=jnp.float32) + b_ref[...]
  o_ref[...] = jnp.where(_row_keep(), jnp.maximum(z, 0.0) * ns_ref[:, 0:1], 0.0)


def _mid_call(p, nd, ns, w, b):
  return pl.pallas_call(
      _mid_body,
      grid=(_GRID,),
      in_specs=[
          pl.BlockSpec((NC, _R, D_HID), lambda i: (0, i, 0)),
          pl.BlockSpec((_R, 16), lambda i: (i, 0)),
          pl.BlockSpec((_R, 16), lambda i: (i, 0)),
          pl.BlockSpec((D_HID, D_HID), lambda i: (0, 0)),
          pl.BlockSpec((1, D_HID), lambda i: (0, 0)),
      ],
      out_specs=pl.BlockSpec((_R, D_HID), lambda i: (i, 0)),
      out_shape=jax.ShapeDtypeStruct((N_PAD, D_HID), jnp.float32),
  )(p, nd, ns, w, b.reshape(1, -1))


def _mid3_body(p_ref, nd_ref, ns_ref, w_ref, b_ref, w3_ref, o_ref):
  agg = (p_ref[0] + p_ref[1]) * nd_ref[:, 0:1]
  z = jnp.dot(agg, w_ref[...], preferred_element_type=jnp.float32) + b_ref[...]
  h = jnp.maximum(z, 0.0) * ns_ref[:, 0:1]
  m = jnp.dot(h, w3_ref[...], preferred_element_type=jnp.float32)
  o_ref[...] = jnp.where(_row_keep(), m, 0.0)


def _mid3_call(p, nd, ns, w, b, w3p):
  return pl.pallas_call(
      _mid3_body,
      grid=(_GRID,),
      in_specs=[
          pl.BlockSpec((NC, _R, D_HID), lambda i: (0, i, 0)),
          pl.BlockSpec((_R, 16), lambda i: (i, 0)),
          pl.BlockSpec((_R, 16), lambda i: (i, 0)),
          pl.BlockSpec((D_HID, D_HID), lambda i: (0, 0)),
          pl.BlockSpec((1, D_HID), lambda i: (0, 0)),
          pl.BlockSpec((D_HID, D_CLS_PAD), lambda i: (0, 0)),
      ],
      out_specs=pl.BlockSpec((_R, D_CLS_PAD), lambda i: (i, 0)),
      out_shape=jax.ShapeDtypeStruct((N_PAD, D_CLS_PAD), jnp.float32),
  )(p, nd, ns, w, b.reshape(1, -1), w3p)


def _fin_body(p_ref, nd_ref, b_ref, o_ref):
  agg = (p_ref[0] + p_ref[1]) * nd_ref[:, 0:1]
  o_ref[...] = (agg + b_ref[...])[:, :N_CLS]


def _fin_call(p, nd, b3p):
  return pl.pallas_call(
      _fin_body,
      grid=(_GRID,),
      in_specs=[
          pl.BlockSpec((NC, _R, D_CLS_PAD), lambda i: (0, i, 0)),
          pl.BlockSpec((_R, 16), lambda i: (i, 0)),
          pl.BlockSpec((1, D_CLS_PAD), lambda i: (0, 0)),
      ],
      out_specs=pl.BlockSpec((_R, N_CLS), lambda i: (i, 0)),
      out_shape=jax.ShapeDtypeStruct((N, N_CLS), jnp.float32),
  )(p, nd, b3p)


def kernel(x, edge_index, W1, b1, W2, b2, W3, b3):
  npad = E_PAD - E
  pad = jnp.full((npad,), PAD_IDX, jnp.int32)
  spread = (jnp.arange(npad, dtype=jnp.int32) * 7919) % N
  zrows = N + jnp.arange(npad, dtype=jnp.int32) % (N_PAD - N)
  src2 = jnp.concatenate([edge_index[0], zrows]).reshape(IDX_ROWS, CHUNK)
  dst2a = jnp.concatenate([edge_index[1], spread]).reshape(IDX_ROWS, CHUNK)
  dst2d = jnp.concatenate([edge_index[1], pad]).reshape(IDX_ROWS, CHUNK)
  w3p = jnp.pad(W3, ((0, 0), (0, D_CLS_PAD - N_CLS)))
  b3p = jnp.pad(b3, (0, D_CLS_PAD - N_CLS)).reshape(1, -1)

  degp = _deg_call(src2, dst2d)
  hs, nd, ns = _pre_call(degp, x)
  p1 = _agg(hs, src2, dst2a)
  h2s = _mid_call(p1, nd, ns, W1, b1)
  p2 = _agg(h2s, src2, dst2a)
  m3 = _mid3_call(p2, nd, ns, W2, b2, w3p)
  p3 = _agg(m3, src2, dst2a)
  return _fin_call(p3, nd, b3p)

# --- scband reference (transcript-rebuilt; emitter-appended) ---
"""Pipeline reference for scband-gcn-1090921693479 (READ-ONLY COPY).

The authoritative reference and input builder live on the scoring server;
editing this copy changes nothing except your own understanding.
"""

import jax, jax.numpy as jnp
import numpy as np

N = 10000
E = 320000
D_IN = 128
D_HID = 128
N_CLS = 40


def setup_inputs(seed: int = 0) -> dict:
    key = jax.random.key(seed)
    ks = jax.random.split(key, 9)
    x = jax.random.normal(ks[0], (N, D_IN), dtype=jnp.float32)
    edge_index = jax.random.randint(ks[1], (2, E), 0, N, dtype=jnp.int32)
    s1 = 1.0 / np.sqrt(D_IN)
    s2 = 1.0 / np.sqrt(D_HID)
    W1 = jax.random.uniform(ks[2], (D_IN, D_HID), dtype=jnp.float32, minval=-s1, maxval=s1)
    b1 = jnp.zeros((D_HID,), dtype=jnp.float32)
    W2 = jax.random.uniform(ks[3], (D_HID, D_HID), dtype=jnp.float32, minval=-s2, maxval=s2)
    b2 = jnp.zeros((D_HID,), dtype=jnp.float32)
    W3 = jax.random.uniform(ks[4], (D_HID, N_CLS), dtype=jnp.float32, minval=-s2, maxval=s2)
    b3 = jnp.zeros((N_CLS,), dtype=jnp.float32)
    return {"x": x, "edge_index": edge_index, "W1": W1, "b1": b1, "W2": W2, "b2": b2, "W3": W3, "b3": b3}


def _gcn_layer(h, src, dst, W, b):
    # DGL GraphConv with norm='both': D_out^{-1/2} on src side, aggregate-sum, D_in^{-1/2} on dst side, then linear.
    e = src.shape[0]
    ones = jnp.ones((e,), dtype=jnp.float32)
    deg_out = jax.ops.segment_sum(ones, src, num_segments=N)
    deg_in = jax.ops.segment_sum(ones, dst, num_segments=N)
    norm_src = jnp.where(deg_out > 0, deg_out, 1.0) ** -0.5
    norm_dst = jnp.where(deg_in > 0, deg_in, 1.0) ** -0.5
    h = h * norm_src[:, None]
    msg = jnp.take(h, src, axis=0)
    agg = jax.ops.segment_sum(msg, dst, num_segments=N)
    h = agg * norm_dst[:, None]
    return h @ W + b


def reference(x, edge_index, W1, b1, W2, b2, W3, b3):
    src = edge_index[0]
    dst = edge_index[1]
    h = jax.nn.relu(_gcn_layer(x, src, dst, W1, b1))
    h = jax.nn.relu(_gcn_layer(h, src, dst, W2, b2))
    h = _gcn_layer(h, src, dst, W3, b3)
    return h

if __name__ == "__main__":
    import jax
    _d = setup_inputs()
    print(jax.jit(kernel)(*tuple(_d.values())))

</pallas_src>

<mosaic_0001>
#map = affine_map<(d0, d1) -> (0, 0)>
#map1 = affine_map<(d0, d1) -> (0, 0, 0)>
module attributes {stable_mosaic.version = 14 : i64} {
  func.func @_agg_body(%arg0: i32, %arg1: i32, %arg2: memref<10240x128xf32, #tpu.memory_space<hbm>>, %arg3: memref<2560x128xi32, #tpu.memory_space<hbm>>, %arg4: memref<2560x128xi32, #tpu.memory_space<hbm>>, %arg5: memref<640x128xf32, #tpu.memory_space<hbm>>, %arg6: memref<2x10240x128xf32, #tpu.memory_space<hbm>>, %arg7: memref<40x128xi32, #tpu.memory_space<vmem>>, %arg8: memref<40x128xi32, #tpu.memory_space<vmem>>, %arg9: memref<128x128xf32, #tpu.memory_space<vmem>>, %arg10: memref<128x128xf32, #tpu.memory_space<vmem>>, %arg11: memref<10240x128xf32, #tpu.memory_space<vmem_shared>>, %arg12: memref<!tpu.dma_semaphore, #tpu.memory_space<semaphore_mem>>, %arg13: memref<!tpu.dma_semaphore, #tpu.memory_space<semaphore_mem>>) attributes {dimension_semantics = [#tpu.dimension_semantics<core_parallel>, #tpu.dimension_semantics<subcore_parallel>], iteration_bounds = array<i64: 2, 16>, scalar_prefetch = 0 : i64, scratch_operands = 7 : i64, tpu.core_type = #tpu.core_type<sc_vector_subcore>, window_params = [{transform_indices = #map}, {transform_indices = #map}, {transform_indices = #map}, {transform_indices = #map}, {transform_indices = #map1}]} {
    %mul3A = arith.constant 640 : i32
    %mul3A_0 = arith.muli %arg1, %mul3A : i32
    "tpu.trace_start"() <{level = 10 : i32, message = "agg_init"}> : () -> ()
    "tpu.region"() ({
      %run_scoped3A_78 = tpu.sem_alloc : memref<!tpu.dma_semaphore, #tpu.memory_space<semaphore_mem>>
      %dma_start3A_79 = arith.constant 0 : i32
      %dma_start3A_80 = tpu.memref_slice %arg11[%mul3A_0, %dma_start3A_79] : memref<10240x128xf32, #tpu.memory_space<vmem_shared>> -> memref<640x128xf32, #tpu.memory_space<vmem_shared>>
      tpu.enqueue_dma source(%arg5 : memref<640x128xf32, #tpu.memory_space<hbm>>) target(%dma_start3A_80 : memref<640x128xf32, #tpu.memory_space<vmem_shared>>) target_semaphore(%run_scoped3A_78 : memref<!tpu.dma_semaphore, #tpu.memory_space<semaphore_mem>>)
      %dma_wait3A_81 = arith.constant 0 : i32
      %dma_wait3A_82 = tpu.memref_slice %arg11[%mul3A_0, %dma_wait3A_81] : memref<10240x128xf32, #tpu.memory_space<vmem_shared>> -> memref<640x128xf32, #tpu.memory_space<vmem_shared>>
      tpu.wait_dma2 semaphore(%run_scoped3A_78 : memref<!tpu.dma_semaphore, #tpu.memory_space<semaphore_mem>>) src(%arg5 : memref<640x128xf32, #tpu.memory_space<hbm>>) dst(%dma_wait3A_82 : memref<640x128xf32, #tpu.memory_space<vmem_shared>>)
      tpu.yield
    }) : () -> ()
    %mul3A_1 = arith.constant 16 : i32
    %mul3A_2 = arith.muli %arg0, %mul3A_1 : i32
    %add3A = arith.addi %mul3A_2, %arg1 : i32
    %mul3A_3 = arith.constant 80 : i32
    %mul3A_4 = arith.muli %add3A, %mul3A_3 : i32
    %barrier3A = arith.constant 0 : index
    tpu.barrier barrier_id(%barrier3A)
    "tpu.trace_stop"() : () -> ()
    %add3A_5 = arith.constant 0 : i32
    %add3A_6 = arith.addi %mul3A_4, %add3A_5 : i32
    "tpu.region"() ({
      %run_scoped3A_78 = tpu.sem_alloc : memref<!tpu.dma_semaphore, #tpu.memory_space<semaphore_mem>>
      %dma_start3A_79 = arith.constant 0 : i32
      %dma_start3A_80 = tpu.memref_slice %arg3[%add3A_6, %dma_start3A_79] : memref<2560x128xi32, #tpu.memory_space<hbm>> -> memref<40x128xi32, #tpu.memory_space<hbm>>
      %dma_start3A_81 = arith.constant 0 : i32
      %dma_start3A_82 = tpu.memref_slice %arg3[%add3A_6, %dma_start3A_81] : memref<2560x128xi32, #tpu.memory_space<hbm>> -> memref<40x128xi32, #tpu.memory_space<hbm>>
      tpu.enqueue_dma source(%dma_start3A_82 : memref<40x128xi32, #tpu.memory_space<hbm>>) target(%arg7 : memref<40x128xi32, #tpu.memory_space<vmem>>) target_semaphore(%run_scoped3A_78 : memref<!tpu.dma_semaphore, #tpu.memory_space<semaphore_mem>>)
      %dma_wait3A_83 = arith.constant 0 : i32
      %dma_wait3A_84 = tpu.memref_slice %arg3[%add3A_6, %dma_wait3A_83] : memref<2560x128xi32, #tpu.memory_space<hbm>> -> memref<40x128xi32, #tpu.memory_space<hbm>>
      %dma_wait3A_85 = arith.constant 0 : i32
      %dma_wait3A_86 = tpu.memref_slice %arg3[%add3A_6, %dma_wait3A_85] : memref<2560x128xi32, #tpu.memory_space<hbm>> -> memref<40x128xi32, #tpu.memory_space<hbm>>
      tpu.wait_dma2 semaphore(%run_scoped3A_78 : memref<!tpu.dma_semaphore, #tpu.memory_space<semaphore_mem>>) src(%dma_wait3A_86 : memref<40x128xi32, #tpu.memory_space<hbm>>) dst(%arg7 : memref<40x128xi32, #tpu.memory_space<vmem>>)
      tpu.yield
    }) : () -> ()
    "tpu.region"() ({
      %run_scoped3A_78 = tpu.sem_alloc : memref<!tpu.dma_semaphore, #tpu.memory_space<semaphore_mem>>
      %dma_start3A_79 = arith.constant 0 : i32
      %dma_start3A_80 = tpu.memref_slice %arg4[%add3A_6, %dma_start3A_79] : memref<2560x128xi32, #tpu.memory_space<hbm>> -> memref<40x128xi32, #tpu.memory_space<hbm>>
      %dma_start3A_81 = arith.constant 0 : i32
      %dma_start3A_82 = tpu.memref_slice %arg4[%add3A_6, %dma_start3A_81] : memref<2560x128xi32, #tpu.memory_space<hbm>> -> memref<40x128xi32, #tpu.memory_space<hbm>>
      tpu.enqueue_dma source(%dma_start3A_82 : memref<40x128xi32, #tpu.memory_space<hbm>>) target(%arg8 : memref<40x128xi32, #tpu.memory_space<vmem>>) target_semaphore(%run_scoped3A_78 : memref<!tpu.dma_semaphore, #tpu.memory_space<semaphore_mem>>)
      %dma_wait3A_83 = arith.constant 0 : i32
      %dma_wait3A_84 = tpu.memref_slice %arg4[%add3A_6, %dma_wait3A_83] : memref<2560x128xi32, #tpu.memory_space<hbm>> -> memref<40x128xi32, #tpu.memory_space<hbm>>
      %dma_wait3A_85 = arith.constant 0 : i32
      %dma_wait3A_86 = tpu.memref_slice %arg4[%add3A_6, %dma_wait3A_85] : memref<2560x128xi32, #tpu.memory_space<hbm>> -> memref<40x128xi32, #tpu.memory_space<hbm>>
      tpu.wait_dma2 semaphore(%run_scoped3A_78 : memref<!tpu.dma_semaphore, #tpu.memory_space<semaphore_mem>>) src(%dma_wait3A_86 : memref<40x128xi32, #tpu.memory_space<hbm>>) dst(%arg8 : memref<40x128xi32, #tpu.memory_space<vmem>>)
      tpu.yield
    }) : () -> ()
    %dma_start3A = arith.constant 0 : i32
    %dma_start3A_7 = arith.constant 0 : i32
    %dma_start3A_8 = tpu.memref_slice %arg7[%dma_start3A, %dma_start3A_7] : memref<40x128xi32, #tpu.memory_space<vmem>> -> memref<1x128xi32, #tpu.memory_space<vmem>>
    %dma_start3A_9 = tpu.memref_squeeze %dma_start3A_8 : memref<1x128xi32, #tpu.memory_space<vmem>> -> memref<128xi32, #tpu.memory_space<vmem>>
    %dma_start3A_10 = arith.constant 0 : i32
    %dma_start3A_11 = arith.constant 0 : i32
    %dma_start3A_12 = tpu.memref_slice %arg2[%dma_start3A_10, %dma_start3A_11] : memref<10240x128xf32, #tpu.memory_space<hbm>> -> memref<10240x128xf32, #tpu.memory_space<hbm>>
    tpu.enqueue_indirect_dma source(%dma_start3A_12 : memref<10240x128xf32, #tpu.memory_space<hbm>>) target(%arg9 : memref<128x128xf32, #tpu.memory_space<vmem>>) offsets(%dma_start3A_9 : memref<128xi32, #tpu.memory_space<vmem>>) semaphore(%arg12 : memref<!tpu.dma_semaphore, #tpu.memory_space<semaphore_mem>>)
    %dma_start3A_13 = arith.constant 1 : i32
    %dma_start3A_14 = arith.constant 0 : i32
    %dma_start3A_15 = tpu.memref_slice %arg7[%dma_start3A_13, %dma_start3A_14] : memref<40x128xi32, #tpu.memory_space<vmem>> -> memref<1x128xi32, #tpu.memory_space<vmem>>
    %dma_start3A_16 = tpu.memref_squeeze %dma_start3A_15 : memref<1x128xi32, #tpu.memory_space<vmem>> -> memref<128xi32, #tpu.memory_space<vmem>>
    %dma_start3A_17 = arith.constant 0 : i32
    %dma_start3A_18 = arith.constant 0 : i32
    %dma_start3A_19 = tpu.memref_slice %arg2[%dma_start3A_17, %dma_start3A_18] : memref<10240x128xf32, #tpu.memory_space<hbm>> -> memref<10240x128xf32, #tpu.memory_space<hbm>>
    tpu.enqueue_indirect_dma source(%dma_start3A_19 : memref<10240x128xf32, #tpu.memory_space<hbm>>) target(%arg10 : memref<128x128xf32, #tpu.memory_space<vmem>>) offsets(%dma_start3A_16 : memref<128xi32, #tpu.memory_space<vmem>>) semaphore(%arg13 : memref<!tpu.dma_semaphore, #tpu.memory_space<semaphore_mem>>)
    "tpu.trace_start"() <{level = 10 : i32, message = "agg_loop"}> : () -> ()
    %scan3A = arith.constant 0 : i32
    %scan3A_20 = arith.constant 0 : i32
    %scan3A_21 = arith.constant 19 : i32
    %scan3A_22 = arith.addi %scan3A_20, %scan3A_21 : i32
    %scan3A_23 = arith.constant 1 : i32
    scf.for %scan3A_78 = %scan3A_20 to %scan3A_22 step %scan3A_23  : i32 {
      %mul3A_79 = arith.constant 2 : i32
      %mul3A_80 = arith.muli %mul3A_79, %scan3A_78 : i32
      %add3A_81 = arith.constant 1 : i32
      %add3A_82 = arith.addi %mul3A_80, %add3A_81 : i32
      %dma_wait3A_83 = arith.constant 0 : i32
      %dma_wait3A_84 = tpu.memref_slice %arg7[%mul3A_80, %dma_wait3A_83] : memref<40x128xi32, #tpu.memory_space<vmem>> -> memref<1x128xi32, #tpu.memory_space<vmem>>
      %dma_wait3A_85 = tpu.memref_squeeze %dma_wait3A_84 : memref<1x128xi32, #tpu.memory_space<vmem>> -> memref<128xi32, #tpu.memory_space<vmem>>
      %dma_wait3A_86 = arith.constant 0 : i32
      %dma_wait3A_87 = arith.constant 0 : i32
      %dma_wait3A_88 = tpu.memref_slice %arg2[%dma_wait3A_86, %dma_wait3A_87] : memref<10240x128xf32, #tpu.memory_space<hbm>> -> memref<10240x128xf32, #tpu.memory_space<hbm>>
      tpu.wait_indirect_dma semaphore(%arg12 : memref<!tpu.dma_semaphore, #tpu.memory_space<semaphore_mem>>) src(%dma_wait3A_88 : memref<10240x128xf32, #tpu.memory_space<hbm>>) dst(%arg9 : memref<128x128xf32, #tpu.memory_space<vmem>>)
      "tpu.region"() ({
        %run_scoped3A_111 = tpu.sem_alloc : memref<!tpu.dma_semaphore, #tpu.memory_space<semaphore_mem>>
        %dma_start3A_112 = arith.constant 0 : i32
        %dma_start3A_113 = tpu.memref_slice %arg8[%mul3A_80, %dma_start3A_112] : memref<40x128xi32, #tpu.memory_space<vmem>> -> memref<1x128xi32, #tpu.memory_space<vmem>>
        %dma_start3A_114 = tpu.memref_squeeze %dma_start3A_113 : memref<1x128xi32, #tpu.memory_space<vmem>> -> memref<128xi32, #tpu.memory_space<vmem>>
        %dma_start3A_115 = arith.constant 0 : i32
        %dma_start3A_116 = arith.constant 0 : i32
        %dma_start3A_117 = tpu.memref_slice %arg11[%dma_start3A_115, %dma_start3A_116] : memref<10240x128xf32, #tpu.memory_space<vmem_shared>> -> memref<10240x128xf32, #tpu.memory_space<vmem_shared>>
        tpu.enqueue_indirect_dma source(%arg9 : memref<128x128xf32, #tpu.memory_space<vmem>>) target(%dma_start3A_117 : memref<10240x128xf32, #tpu.memory_space<vmem_shared>>) offsets(%dma_start3A_114 : memref<128xi32, #tpu.memory_space<vmem>>) semaphore(%run_scoped3A_111 : memref<!tpu.dma_semaphore, #tpu.memory_space<semaphore_mem>>) {add = true}
        %dma_wait3A_118 = arith.constant 0 : i32
        %dma_wait3A_119 = tpu.memref_slice %arg8[%mul3A_80, %dma_wait3A_118] : memref<40x128xi32, #tpu.memory_space<vmem>> -> memref<1x128xi32, #tpu.memory_space<vmem>>
        %dma_wait3A_120 = tpu.memref_squeeze %dma_wait3A_119 : memref<1x128xi32, #tpu.memory_space<vmem>> -> memref<128xi32, #tpu.memory_space<vmem>>
        %dma_wait3A_121 = arith.constant 0 : i32
        %dma_wait3A_122 = arith.constant 0 : i32
        %dma_wait3A_123 = tpu.memref_slice %arg11[%dma_wait3A_121, %dma_wait3A_122] : memref<10240x128xf32, #tpu.memory_space<vmem_shared>> -> memref<10240x128xf32, #tpu.memory_space<vmem_shared>>
        tpu.wait_indirect_dma semaphore(%run_scoped3A_111 : memref<!tpu.dma_semaphore, #tpu.memory_space<semaphore_mem>>) src(%arg9 : memref<128x128xf32, #tpu.memory_space<vmem>>) dst(%dma_wait3A_123 : memref<10240x128xf32, #tpu.memory_space<vmem_shared>>)
        tpu.yield
      }) : () -> ()
      %add3A_89 = arith.constant 2 : i32
      %add3A_90 = arith.addi %mul3A_80, %add3A_89 : i32
      %dma_start3A_91 = arith.constant 0 : i32
      %dma_start3A_92 = tpu.memref_slice %arg7[%add3A_90, %dma_start3A_91] : memref<40x128xi32, #tpu.memory_space<vmem>> -> memref<1x128xi32, #tpu.memory_space<vmem>>
      %dma_start3A_93 = tpu.memref_squeeze %dma_start3A_92 : memref<1x128xi32, #tpu.memory_space<vmem>> -> memref<128xi32, #tpu.memory_space<vmem>>
      %dma_start3A_94 = arith.constant 0 : i32
      %dma_start3A_95 = arith.constant 0 : i32
      %dma_start3A_96 = tpu.memref_slice %arg2[%dma_start3A_94, %dma_start3A_95] : memref<10240x128xf32, #tpu.memory_space<hbm>> -> memref<10240x128xf32, #tpu.memory_space<hbm>>
      tpu.enqueue_indirect_dma source(%dma_start3A_96 : memref<10240x128xf32, #tpu.memory_space<hbm>>) target(%arg9 : memref<128x128xf32, #tpu.memory_space<vmem>>) offsets(%dma_start3A_93 : memref<128xi32, #tpu.memory_space<vmem>>) semaphore(%arg12 : memref<!tpu.dma_semaphore, #tpu.memory_space<semaphore_mem>>)
      %dma_wait3A_97 = arith.constant 0 : i32
      %dma_wait3A_98 = tpu.memref_slice %arg7[%add3A_82, %dma_wait3A_97] : memref<40x128xi32, #tpu.memory_space<vmem>> -> memref<1x128xi32, #tpu.memory_space<vmem>>
      %dma_wait3A_99 = tpu.memref_squeeze %dma_wait3A_98 : memref<1x128xi32, #tpu.memory_space<vmem>> -> memref<128xi32, #tpu.memory_space<vmem>>
      %dma_wait3A_100 = arith.constant 0 : i32
      %dma_wait3A_101 = arith.constant 0 : i32
      %dma_wait3A_102 = tpu.memref_slice %arg2[%dma_wait3A_100, %dma_wait3A_101] : memref<10240x128xf32, #tpu.memory_space<hbm>> -> memref<10240x128xf32, #tpu.memory_space<hbm>>
      tpu.wait_indirect_dma semaphore(%arg13 : memref<!tpu.dma_semaphore, #tpu.memory_space<semaphore_mem>>) src(%dma_wait3A_102 : memref<10240x128xf32, #tpu.memory_space<hbm>>) dst(%arg10 : memref<128x128xf32, #tpu.memory_space<vmem>>)
      "tpu.region"() ({
        %run_scoped3A_111 = tpu.sem_alloc : memref<!tpu.dma_semaphore, #tpu.memory_space<semaphore_mem>>
        %dma_start3A_112 = arith.constant 0 : i32
        %dma_start3A_113 = tpu.memref_slice %arg8[%add3A_82, %dma_start3A_112] : memref<40x128xi32, #tpu.memory_space<vmem>> -> memref<1x128xi32, #tpu.memory_space<vmem>>
        %dma_start3A_114 = tpu.memref_squeeze %dma_start3A_113 : memref<1x128xi32, #tpu.memory_space<vmem>> -> memref<128xi32, #tpu.memory_space<vmem>>
        %dma_start3A_115 = arith.constant 0 : i32
        %dma_start3A_116 = arith.constant 0 : i32
        %dma_start3A_117 = tpu.memref_slice %arg11[%dma_start3A_115, %dma_start3A_116] : memref<10240x128xf32, #tpu.memory_space<vmem_shared>> -> memref<10240x128xf32, #tpu.memory_space<vmem_shared>>
        tpu.enqueue_indirect_dma source(%arg10 : memref<128x128xf32, #tpu.memory_space<vmem>>) target(%dma_start3A_117 : memref<10240x128xf32, #tpu.memory_space<vmem_shared>>) offsets(%dma_start3A_114 : memref<128xi32, #tpu.memory_space<vmem>>) semaphore(%run_scoped3A_111 : memref<!tpu.dma_semaphore, #tpu.memory_space<semaphore_mem>>) {add = true}
        %dma_wait3A_118 = arith.constant 0 : i32
        %dma_wait3A_119 = tpu.memref_slice %arg8[%add3A_82, %dma_wait3A_118] : memref<40x128xi32, #tpu.memory_space<vmem>> -> memref<1x128xi32, #tpu.memory_space<vmem>>
        %dma_wait3A_120 = tpu.memref_squeeze %dma_wait3A_119 : memref<1x128xi32, #tpu.memory_space<vmem>> -> memref<128xi32, #tpu.memory_space<vmem>>
        %dma_wait3A_121 = arith.constant 0 : i32
        %dma_wait3A_122 = arith.constant 0 : i32
        %dma_wait3A_123 = tpu.memref_slice %arg11[%dma_wait3A_121, %dma_wait3A_122] : memref<10240x128xf32, #tpu.memory_space<vmem_shared>> -> memref<10240x128xf32, #tpu.memory_space<vmem_shared>>
        tpu.wait_indirect_dma semaphore(%run_scoped3A_111 : memref<!tpu.dma_semaphore, #tpu.memory_space<semaphore_mem>>) src(%arg10 : memref<128x128xf32, #tpu.memory_space<vmem>>) dst(%dma_wait3A_123 : memref<10240x128xf32, #tpu.memory_space<vmem_shared>>)
        tpu.yield
      }) : () -> ()
      %add3A_103 = arith.constant 2 : i32
      %add3A_104 = arith.addi %add3A_82, %add3A_103 : i32
      %dma_start3A_105 = arith.constant 0 : i32
      %dma_start3A_106 = tpu.memref_slice %arg7[%add3A_104, %dma_start3A_105] : memref<40x128xi32, #tpu.memory_space<vmem>> -> memref<1x128xi32, #tpu.memory_space<vmem>>
      %dma_start3A_107 = tpu.memref_squeeze %dma_start3A_106 : memref<1x128xi32, #tpu.memory_space<vmem>> -> memref<128xi32, #tpu.memory_space<vmem>>
      %dma_start3A_108 = arith.constant 0 : i32
      %dma_start3A_109 = arith.constant 0 : i32
      %dma_start3A_110 = tpu.memref_slice %arg2[%dma_start3A_108, %dma_start3A_109] : memref<10240x128xf32, #tpu.memory_space<hbm>> -> memref<10240x128xf32, #tpu.memory_space<hbm>>
      tpu.enqueue_indirect_dma source(%dma_start3A_110 : memref<10240x128xf32, #tpu.memory_space<hbm>>) target(%arg10 : memref<128x128xf32, #tpu.memory_space<vmem>>) offsets(%dma_start3A_107 : memref<128xi32, #tpu.memory_space<vmem>>) semaphore(%arg13 : memref<!tpu.dma_semaphore, #tpu.memory_space<semaphore_mem>>)
    }
    %scan3A_24 = arith.constant 19 : i32
    %dma_wait3A = arith.constant 38 : i32
    "tpu.trace_stop"() : () -> ()
    %dma_wait3A_25 = arith.constant 0 : i32
    %dma_wait3A_26 = tpu.memref_slice %arg7[%dma_wait3A, %dma_wait3A_25] : memref<40x128xi32, #tpu.memory_space<vmem>> -> memref<1x128xi32, #tpu.memory_space<vmem>>
    %dma_wait3A_27 = tpu.memref_squeeze %dma_wait3A_26 : memref<1x128xi32, #tpu.memory_space<vmem>> -> memref<128xi32, #tpu.memory_space<vmem>>
    %dma_wait3A_28 = arith.constant 0 : i32
    %dma_wait3A_29 = arith.constant 0 : i32
    %dma_wait3A_30 = tpu.memref_slice %arg2[%dma_wait3A_28, %dma_wait3A_29] : memref<10240x128xf32, #tpu.memory_space<hbm>> -> memref<10240x128xf32, #tpu.memory_space<hbm>>
    tpu.wait_indirect_dma semaphore(%arg12 : memref<!tpu.dma_semaphore, #tpu.memory_space<semaphore_mem>>) src(%dma_wait3A_30 : memref<10240x128xf32, #tpu.memory_space<hbm>>) dst(%arg9 : memref<128x128xf32, #tpu.memory_space<vmem>>)
    %run_scoped3A = arith.constant 38 : i32
    "tpu.region"() ({
      %run_scoped3A_78 = tpu.sem_alloc : memref<!tpu.dma_semaphore, #tpu.memory_space<semaphore_mem>>
      %dma_start3A_79 = arith.constant 0 : i32
      %dma_start3A_80 = tpu.memref_slice %arg8[%run_scoped3A, %dma_start3A_79] : memref<40x128xi32, #tpu.memory_space<vmem>> -> memref<1x128xi32, #tpu.memory_space<vmem>>
      %dma_start3A_81 = tpu.memref_squeeze %dma_start3A_80 : memref<1x128xi32, #tpu.memory_space<vmem>> -> memref<128xi32, #tpu.memory_space<vmem>>
      %dma_start3A_82 = arith.constant 0 : i32
      %dma_start3A_83 = arith.constant 0 : i32
      %dma_start3A_84 = tpu.memref_slice %arg11[%dma_start3A_82, %dma_start3A_83] : memref<10240x128xf32, #tpu.memory_space<vmem_shared>> -> memref<10240x128xf32, #tpu.memory_space<vmem_shared>>
      tpu.enqueue_indirect_dma source(%arg9 : memref<128x128xf32, #tpu.memory_space<vmem>>) target(%dma_start3A_84 : memref<10240x128xf32, #tpu.memory_space<vmem_shared>>) offsets(%dma_start3A_81 : memref<128xi32, #tpu.memory_space<vmem>>) semaphore(%run_scoped3A_78 : memref<!tpu.dma_semaphore, #tpu.memory_space<semaphore_mem>>) {add = true}
      %dma_wait3A_85 = arith.constant 0 : i32
      %dma_wait3A_86 = tpu.memref_slice %arg8[%run_scoped3A, %dma_wait3A_85] : memref<40x128xi32, #tpu.memory_space<vmem>> -> memref<1x128xi32, #tpu.memory_space<vmem>>
      %dma_wait3A_87 = tpu.memref_squeeze %dma_wait3A_86 : memref<1x128xi32, #tpu.memory_space<vmem>> -> memref<128xi32, #tpu.memory_space<vmem>>
      %dma_wait3A_88 = arith.constant 0 : i32
      %dma_wait3A_89 = arith.constant 0 : i32
      %dma_wait3A_90 = tpu.memref_slice %arg11[%dma_wait3A_88, %dma_wait3A_89] : memref<10240x128xf32, #tpu.memory_space<vmem_shared>> -> memref<10240x128xf32, #tpu.memory_space<vmem_shared>>
      tpu.wait_indirect_dma semaphore(%run_scoped3A_78 : memref<!tpu.dma_semaphore, #tpu.memory_space<semaphore_mem>>) src(%arg9 : memref<128x128xf32, #tpu.memory_space<vmem>>) dst(%dma_wait3A_90 : memref<10240x128xf32, #tpu.memory_space<vmem_shared>>)
      tpu.yield
    }) : () -> ()
    %dma_wait3A_31 = arith.constant 39 : i32
    %dma_wait3A_32 = arith.constant 0 : i32
    %dma_wait3A_33 = tpu.memref_slice %arg7[%dma_wait3A_31, %dma_wait3A_32] : memref<40x128xi32, #tpu.memory_space<vmem>> -> memref<1x128xi32, #tpu.memory_space<vmem>>
    %dma_wait3A_34 = tpu.memref_squeeze %dma_wait3A_33 : memref<1x128xi32, #tpu.memory_space<vmem>> -> memref<128xi32, #tpu.memory_space<vmem>>
    %dma_wait3A_35 = arith.constant 0 : i32
    %dma_wait3A_36 = arith.constant 0 : i32
    %dma_wait3A_37 = tpu.memref_slice %arg2[%dma_wait3A_35, %dma_wait3A_36] : memref<10240x128xf32, #tpu.memory_space<hbm>> -> memref<10240x128xf32, #tpu.memory_space<hbm>>
    tpu.wait_indirect_dma semaphore(%arg13 : memref<!tpu.dma_semaphore, #tpu.memory_space<semaphore_mem>>) src(%dma_wait3A_37 : memref<10240x128xf32, #tpu.memory_space<hbm>>) dst(%arg10 : memref<128x128xf32, #tpu.memory_space<vmem>>)
    %run_scoped3A_38 = arith.constant 39 : i32
    "tpu.region"() ({
      %run_scoped3A_78 = tpu.sem_alloc : memref<!tpu.dma_semaphore, #tpu.memory_space<semaphore_mem>>
      %dma_start3A_79 = arith.constant 0 : i32
      %dma_start3A_80 = tpu.memref_slice %arg8[%run_scoped3A_38, %dma_start3A_79] : memref<40x128xi32, #tpu.memory_space<vmem>> -> memref<1x128xi32, #tpu.memory_space<vmem>>
      %dma_start3A_81 = tpu.memref_squeeze %dma_start3A_80 : memref<1x128xi32, #tpu.memory_space<vmem>> -> memref<128xi32, #tpu.memory_space<vmem>>
      %dma_start3A_82 = arith.constant 0 : i32
      %dma_start3A_83 = arith.constant 0 : i32
      %dma_start3A_84 = tpu.memref_slice %arg11[%dma_start3A_82, %dma_start3A_83] : memref<10240x128xf32, #tpu.memory_space<vmem_shared>> -> memref<10240x128xf32, #tpu.memory_space<vmem_shared>>
      tpu.enqueue_indirect_dma source(%arg10 : memref<128x128xf32, #tpu.memory_space<vmem>>) target(%dma_start3A_84 : memref<10240x128xf32, #tpu.memory_space<vmem_shared>>) offsets(%dma_start3A_81 : memref<128xi32, #tpu.memory_space<vmem>>) semaphore(%run_scoped3A_78 : memref<!tpu.dma_semaphore, #tpu.memory_space<semaphore_mem>>) {add = true}
      %dma_wait3A_85 = arith.constant 0 : i32
      %dma_wait3A_86 = tpu.memref_slice %arg8[%run_scoped3A_38, %dma_wait3A_85] : memref<40x128xi32, #tpu.memory_space<vmem>> -> memref<1x128xi32, #tpu.memory_space<vmem>>
      %dma_wait3A_87 = tpu.memref_squeeze %dma_wait3A_86 : memref<1x128xi32, #tpu.memory_space<vmem>> -> memref<128xi32, #tpu.memory_space<vmem>>
      %dma_wait3A_88 = arith.constant 0 : i32
      %dma_wait3A_89 = arith.constant 0 : i32
      %dma_wait3A_90 = tpu.memref_slice %arg11[%dma_wait3A_88, %dma_wait3A_89] : memref<10240x128xf32, #tpu.memory_space<vmem_shared>> -> memref<10240x128xf32, #tpu.memory_space<vmem_shared>>
      tpu.wait_indirect_dma semaphore(%run_scoped3A_78 : memref<!tpu.dma_semaphore, #tpu.memory_space<semaphore_mem>>) src(%arg10 : memref<128x128xf32, #tpu.memory_space<vmem>>) dst(%dma_wait3A_90 : memref<10240x128xf32, #tpu.memory_space<vmem_shared>>)
      tpu.yield
    }) : () -> ()
    %add3A_39 = arith.constant 40 : i32
    %add3A_40 = arith.addi %mul3A_4, %add3A_39 : i32
    "tpu.region"() ({
      %run_scoped3A_78 = tpu.sem_alloc : memref<!tpu.dma_semaphore, #tpu.memory_space<semaphore_mem>>
      %dma_start3A_79 = arith.constant 0 : i32
      %dma_start3A_80 = tpu.memref_slice %arg3[%add3A_40, %dma_start3A_79] : memref<2560x128xi32, #tpu.memory_space<hbm>> -> memref<40x128xi32, #tpu.memory_space<hbm>>
      %dma_start3A_81 = arith.constant 0 : i32
      %dma_start3A_82 = tpu.memref_slice %arg3[%add3A_40, %dma_start3A_81] : memref<2560x128xi32, #tpu.memory_space<hbm>> -> memref<40x128xi32, #tpu.memory_space<hbm>>
      tpu.enqueue_dma source(%dma_start3A_82 : memref<40x128xi32, #tpu.memory_space<hbm>>) target(%arg7 : memref<40x128xi32, #tpu.memory_space<vmem>>) target_semaphore(%run_scoped3A_78 : memref<!tpu.dma_semaphore, #tpu.memory_space<semaphore_mem>>)
      %dma_wait3A_83 = arith.constant 0 : i32
      %dma_wait3A_84 = tpu.memref_slice %arg3[%add3A_40, %dma_wait3A_83] : memref<2560x128xi32, #tpu.memory_space<hbm>> -> memref<40x128xi32, #tpu.memory_space<hbm>>
      %dma_wait3A_85 = arith.constant 0 : i32
      %dma_wait3A_86 = tpu.memref_slice %arg3[%add3A_40, %dma_wait3A_85] : memref<2560x128xi32, #tpu.memory_space<hbm>> -> memref<40x128xi32, #tpu.memory_space<hbm>>
      tpu.wait_dma2 semaphore(%run_scoped3A_78 : memref<!tpu.dma_semaphore, #tpu.memory_space<semaphore_mem>>) src(%dma_wait3A_86 : memref<40x128xi32, #tpu.memory_space<hbm>>) dst(%arg7 : memref<40x128xi32, #tpu.memory_space<vmem>>)
      tpu.yield
    }) : () -> ()
    "tpu.region"() ({
      %run_scoped3A_78 = tpu.sem_alloc : memref<!tpu.dma_semaphore, #tpu.memory_space<semaphore_mem>>
      %dma_start3A_79 = arith.constant 0 : i32
      %dma_start3A_80 = tpu.memref_slice %arg4[%add3A_40, %dma_start3A_79] : memref<2560x128xi32, #tpu.memory_space<hbm>> -> memref<40x128xi32, #tpu.memory_space<hbm>>
      %dma_start3A_81 = arith.constant 0 : i32
      %dma_start3A_82 = tpu.memref_slice %arg4[%add3A_40, %dma_start3A_81] : memref<2560x128xi32, #tpu.memory_space<hbm>> -> memref<40x128xi32, #tpu.memory_space<hbm>>
      tpu.enqueue_dma source(%dma_start3A_82 : memref<40x128xi32, #tpu.memory_space<hbm>>) target(%arg8 : memref<40x128xi32, #tpu.memory_space<vmem>>) target_semaphore(%run_scoped3A_78 : memref<!tpu.dma_semaphore, #tpu.memory_space<semaphore_mem>>)
      %dma_wait3A_83 = arith.constant 0 : i32
      %dma_wait3A_84 = tpu.memref_slice %arg4[%add3A_40, %dma_wait3A_83] : memref<2560x128xi32, #tpu.memory_space<hbm>> -> memref<40x128xi32, #tpu.memory_space<hbm>>
      %dma_wait3A_85 = arith.constant 0 : i32
      %dma_wait3A_86 = tpu.memref_slice %arg4[%add3A_40, %dma_wait3A_85] : memref<2560x128xi32, #tpu.memory_space<hbm>> -> memref<40x128xi32, #tpu.memory_space<hbm>>
      tpu.wait_dma2 semaphore(%run_scoped3A_78 : memref<!tpu.dma_semaphore, #tpu.memory_space<semaphore_mem>>) src(%dma_wait3A_86 : memref<40x128xi32, #tpu.memory_space<hbm>>) dst(%arg8 : memref<40x128xi32, #tpu.memory_space<vmem>>)
      tpu.yield
    }) : () -> ()
    %dma_start3A_41 = arith.constant 0 : i32
    %dma_start3A_42 = arith.constant 0 : i32
    %dma_start3A_43 = tpu.memref_slice %arg7[%dma_start3A_41, %dma_start3A_42] : memref<40x128xi32, #tpu.memory_space<vmem>> -> memref<1x128xi32, #tpu.memory_space<vmem>>
    %dma_start3A_44 = tpu.memref_squeeze %dma_start3A_43 : memref<1x128xi32, #tpu.memory_space<vmem>> -> memref<128xi32, #tpu.memory_space<vmem>>
    %dma_start3A_45 = arith.constant 0 : i32
    %dma_start3A_46 = arith.constant 0 : i32
    %dma_start3A_47 = tpu.memref_slice %arg2[%dma_start3A_45, %dma_start3A_46] : memref<10240x128xf32, #tpu.memory_space<hbm>> -> memref<10240x128xf32, #tpu.memory_space<hbm>>
    tpu.enqueue_indirect_dma source(%dma_start3A_47 : memref<10240x128xf32, #tpu.memory_space<hbm>>) target(%arg9 : memref<128x128xf32, #tpu.memory_space<vmem>>) offsets(%dma_start3A_44 : memref<128xi32, #tpu.memory_space<vmem>>) semaphore(%arg12 : memref<!tpu.dma_semaphore, #tpu.memory_space<semaphore_mem>>)
    %dma_start3A_48 = arith.constant 1 : i32
    %dma_start3A_49 = arith.constant 0 : i32
    %dma_start3A_50 = tpu.memref_slice %arg7[%dma_start3A_48, %dma_start3A_49] : memref<40x128xi32, #tpu.memory_space<vmem>> -> memref<1x128xi32, #tpu.memory_space<vmem>>
    %dma_start3A_51 = tpu.memref_squeeze %dma_start3A_50 : memref<1x128xi32, #tpu.memory_space<vmem>> -> memref<128xi32, #tpu.memory_space<vmem>>
    %dma_start3A_52 = arith.constant 0 : i32
    %dma_start3A_53 = arith.constant 0 : i32
    %dma_start3A_54 = tpu.memref_slice %arg2[%dma_start3A_52, %dma_start3A_53] : memref<10240x128xf32, #tpu.memory_space<hbm>> -> memref<10240x128xf32, #tpu.memory_space<hbm>>
    tpu.enqueue_indirect_dma source(%dma_start3A_54 : memref<10240x128xf32, #tpu.memory_space<hbm>>) target(%arg10 : memref<128x128xf32, #tpu.memory_space<vmem>>) offsets(%dma_start3A_51 : memref<128xi32, #tpu.memory_space<vmem>>) semaphore(%arg13 : memref<!tpu.dma_semaphore, #tpu.memory_space<semaphore_mem>>)
    "tpu.trace_start"() <{level = 10 : i32, message = "agg_loop"}> : () -> ()
    %scan3A_55 = arith.constant 0 : i32
    %scan3A_56 = arith.constant 0 : i32
    %scan3A_57 = arith.constant 19 : i32
    %scan3A_58 = arith.addi %scan3A_56, %scan3A_57 : i32
    %scan3A_59 = arith.constant 1 : i32
    scf.for %scan3A_78 = %scan3A_56 to %scan3A_58 step %scan3A_59  : i32 {
      %mul3A_79 = arith.constant 2 : i32
      %mul3A_80 = arith.muli %mul3A_79, %scan3A_78 : i32
      %add3A_81 = arith.constant 1 : i32
      %add3A_82 = arith.addi %mul3A_80, %add3A_81 : i32
      %dma_wait3A_83 = arith.constant 0 : i32
      %dma_wait3A_84 = tpu.memref_slice %arg7[%mul3A_80, %dma_wait3A_83] : memref<40x128xi32, #tpu.memory_space<vmem>> -> memref<1x128xi32, #tpu.memory_space<vmem>>
      %dma_wait3A_85 = tpu.memref_squeeze %dma_wait3A_84 : memref<1x128xi32, #tpu.memory_space<vmem>> -> memref<128xi32, #tpu.memory_space<vmem>>
      %dma_wait3A_86 = arith.constant 0 : i32
      %dma_wait3A_87 = arith.constant 0 : i32
      %dma_wait3A_88 = tpu.memref_slice %arg2[%dma_wait3A_86, %dma_wait3A_87] : memref<10240x128xf32, #tpu.memory_space<hbm>> -> memref<10240x128xf32, #tpu.memory_space<hbm>>
      tpu.wait_indirect_dma semaphore(%arg12 : memref<!tpu.dma_semaphore, #tpu.memory_space<semaphore_mem>>) src(%dma_wait3A_88 : memref<10240x128xf32, #tpu.memory_space<hbm>>) dst(%arg9 : memref<128x128xf32, #tpu.memory_space<vmem>>)
      "tpu.region"() ({
        %run_scoped3A_111 = tpu.sem_alloc : memref<!tpu.dma_semaphore, #tpu.memory_space<semaphore_mem>>
        %dma_start3A_112 = arith.constant 0 : i32
        %dma_start3A_113 = tpu.memref_slice %arg8[%mul3A_80, %dma_start3A_112] : memref<40x128xi32, #tpu.memory_space<vmem>> -> memref<1x128xi32, #tpu.memory_space<vmem>>
        %dma_start3A_114 = tpu.memref_squeeze %dma_start3A_113 : memref<1x128xi32, #tpu.memory_space<vmem>> -> memref<128xi32, #tpu.memory_space<vmem>>
        %dma_start3A_115 = arith.constant 0 : i32
        %dma_start3A_116 = arith.constant 0 : i32
        %dma_start3A_117 = tpu.memref_slice %arg11[%dma_start3A_115, %dma_start3A_116] : memref<10240x128xf32, #tpu.memory_space<vmem_shared>> -> memref<10240x128xf32, #tpu.memory_space<vmem_shared>>
        tpu.enqueue_indirect_dma source(%arg9 : memref<128x128xf32, #tpu.memory_space<vmem>>) target(%dma_start3A_117 : memref<10240x128xf32, #tpu.memory_space<vmem_shared>>) offsets(%dma_start3A_114 : memref<128xi32, #tpu.memory_space<vmem>>) semaphore(%run_scoped3A_111 : memref<!tpu.dma_semaphore, #tpu.memory_space<semaphore_mem>>) {add = true}
        %dma_wait3A_118 = arith.constant 0 : i32
        %dma_wait3A_119 = tpu.memref_slice %arg8[%mul3A_80, %dma_wait3A_118] : memref<40x128xi32, #tpu.memory_space<vmem>> -> memref<1x128xi32, #tpu.memory_space<vmem>>
        %dma_wait3A_120 = tpu.memref_squeeze %dma_wait3A_119 : memref<1x128xi32, #tpu.memory_space<vmem>> -> memref<128xi32, #tpu.memory_space<vmem>>
        %dma_wait3A_121 = arith.constant 0 : i32
        %dma_wait3A_122 = arith.constant 0 : i32
        %dma_wait3A_123 = tpu.memref_slice %arg11[%dma_wait3A_121, %dma_wait3A_122] : memref<10240x128xf32, #tpu.memory_space<vmem_shared>> -> memref<10240x128xf32, #tpu.memory_space<vmem_shared>>
        tpu.wait_indirect_dma semaphore(%run_scoped3A_111 : memref<!tpu.dma_semaphore, #tpu.memory_space<semaphore_mem>>) src(%arg9 : memref<128x128xf32, #tpu.memory_space<vmem>>) dst(%dma_wait3A_123 : memref<10240x128xf32, #tpu.memory_space<vmem_shared>>)
        tpu.yield
      }) : () -> ()
      %add3A_89 = arith.constant 2 : i32
      %add3A_90 = arith.addi %mul3A_80, %add3A_89 : i32
      %dma_start3A_91 = arith.constant 0 : i32
      %dma_start3A_92 = tpu.memref_slice %arg7[%add3A_90, %dma_start3A_91] : memref<40x128xi32, #tpu.memory_space<vmem>> -> memref<1x128xi32, #tpu.memory_space<vmem>>
      %dma_start3A_93 = tpu.memref_squeeze %dma_start3A_92 : memref<1x128xi32, #tpu.memory_space<vmem>> -> memref<128xi32, #tpu.memory_space<vmem>>
      %dma_start3A_94 = arith.constant 0 : i32
      %dma_start3A_95 = arith.constant 0 : i32
      %dma_start3A_96 = tpu.memref_slice %arg2[%dma_start3A_94, %dma_start3A_95] : memref<10240x128xf32, #tpu.memory_space<hbm>> -> memref<10240x128xf32, #tpu.memory_space<hbm>>
      tpu.enqueue_indirect_dma source(%dma_start3A_96 : memref<10240x128xf32, #tpu.memory_space<hbm>>) target(%arg9 : memref<128x128xf32, #tpu.memory_space<vmem>>) offsets(%dma_start3A_93 : memref<128xi32, #tpu.memory_space<vmem>>) semaphore(%arg12 : memref<!tpu.dma_semaphore, #tpu.memory_space<semaphore_mem>>)
      %dma_wait3A_97 = arith.constant 0 : i32
      %dma_wait3A_98 = tpu.memref_slice %arg7[%add3A_82, %dma_wait3A_97] : memref<40x128xi32, #tpu.memory_space<vmem>> -> memref<1x128xi32, #tpu.memory_space<vmem>>
      %dma_wait3A_99 = tpu.memref_squeeze %dma_wait3A_98 : memref<1x128xi32, #tpu.memory_space<vmem>> -> memref<128xi32, #tpu.memory_space<vmem>>
      %dma_wait3A_100 = arith.constant 0 : i32
      %dma_wait3A_101 = arith.constant 0 : i32
      %dma_wait3A_102 = tpu.memref_slice %arg2[%dma_wait3A_100, %dma_wait3A_101] : memref<10240x128xf32, #tpu.memory_space<hbm>> -> memref<10240x128xf32, #tpu.memory_space<hbm>>
      tpu.wait_indirect_dma semaphore(%arg13 : memref<!tpu.dma_semaphore, #tpu.memory_space<semaphore_mem>>) src(%dma_wait3A_102 : memref<10240x128xf32, #tpu.memory_space<hbm>>) dst(%arg10 : memref<128x128xf32, #tpu.memory_space<vmem>>)
      "tpu.region"() ({
        %run_scoped3A_111 = tpu.sem_alloc : memref<!tpu.dma_semaphore, #tpu.memory_space<semaphore_mem>>
        %dma_start3A_112 = arith.constant 0 : i32
        %dma_start3A_113 = tpu.memref_slice %arg8[%add3A_82, %dma_start3A_112] : memref<40x128xi32, #tpu.memory_space<vmem>> -> memref<1x128xi32, #tpu.memory_space<vmem>>
        %dma_start3A_114 = tpu.memref_squeeze %dma_start3A_113 : memref<1x128xi32, #tpu.memory_space<vmem>> -> memref<128xi32, #tpu.memory_space<vmem>>
        %dma_start3A_115 = arith.constant 0 : i32
        %dma_start3A_116 = arith.constant 0 : i32
        %dma_start3A_117 = tpu.memref_slice %arg11[%dma_start3A_115, %dma_start3A_116] : memref<10240x128xf32, #tpu.memory_space<vmem_shared>> -> memref<10240x128xf32, #tpu.memory_space<vmem_shared>>
        tpu.enqueue_indirect_dma source(%arg10 : memref<128x128xf32, #tpu.memory_space<vmem>>) target(%dma_start3A_117 : memref<10240x128xf32, #tpu.memory_space<vmem_shared>>) offsets(%dma_start3A_114 : memref<128xi32, #tpu.memory_space<vmem>>) semaphore(%run_scoped3A_111 : memref<!tpu.dma_semaphore, #tpu.memory_space<semaphore_mem>>) {add = true}
        %dma_wait3A_118 = arith.constant 0 : i32
        %dma_wait3A_119 = tpu.memref_slice %arg8[%add3A_82, %dma_wait3A_118] : memref<40x128xi32, #tpu.memory_space<vmem>> -> memref<1x128xi32, #tpu.memory_space<vmem>>
        %dma_wait3A_120 = tpu.memref_squeeze %dma_wait3A_119 : memref<1x128xi32, #tpu.memory_space<vmem>> -> memref<128xi32, #tpu.memory_space<vmem>>
        %dma_wait3A_121 = arith.constant 0 : i32
        %dma_wait3A_122 = arith.constant 0 : i32
        %dma_wait3A_123 = tpu.memref_slice %arg11[%dma_wait3A_121, %dma_wait3A_122] : memref<10240x128xf32, #tpu.memory_space<vmem_shared>> -> memref<10240x128xf32, #tpu.memory_space<vmem_shared>>
        tpu.wait_indirect_dma semaphore(%run_scoped3A_111 : memref<!tpu.dma_semaphore, #tpu.memory_space<semaphore_mem>>) src(%arg10 : memref<128x128xf32, #tpu.memory_space<vmem>>) dst(%dma_wait3A_123 : memref<10240x128xf32, #tpu.memory_space<vmem_shared>>)
        tpu.yield
      }) : () -> ()
      %add3A_103 = arith.constant 2 : i32
      %add3A_104 = arith.addi %add3A_82, %add3A_103 : i32
      %dma_start3A_105 = arith.constant 0 : i32
      %dma_start3A_106 = tpu.memref_slice %arg7[%add3A_104, %dma_start3A_105] : memref<40x128xi32, #tpu.memory_space<vmem>> -> memref<1x128xi32, #tpu.memory_space<vmem>>
      %dma_start3A_107 = tpu.memref_squeeze %dma_start3A_106 : memref<1x128xi32, #tpu.memory_space<vmem>> -> memref<128xi32, #tpu.memory_space<vmem>>
      %dma_start3A_108 = arith.constant 0 : i32
      %dma_start3A_109 = arith.constant 0 : i32
      %dma_start3A_110 = tpu.memref_slice %arg2[%dma_start3A_108, %dma_start3A_109] : memref<10240x128xf32, #tpu.memory_space<hbm>> -> memref<10240x128xf32, #tpu.memory_space<hbm>>
      tpu.enqueue_indirect_dma source(%dma_start3A_110 : memref<10240x128xf32, #tpu.memory_space<hbm>>) target(%arg10 : memref<128x128xf32, #tpu.memory_space<vmem>>) offsets(%dma_start3A_107 : memref<128xi32, #tpu.memory_space<vmem>>) semaphore(%arg13 : memref<!tpu.dma_semaphore, #tpu.memory_space<semaphore_mem>>)
    }
    %scan3A_60 = arith.constant 19 : i32
    %dma_wait3A_61 = arith.constant 38 : i32
    "tpu.trace_stop"() : () -> ()
    %dma_wait3A_62 = arith.constant 0 : i32
    %dma_wait3A_63 = tpu.memref_slice %arg7[%dma_wait3A_61, %dma_wait3A_62] : memref<40x128xi32, #tpu.memory_space<vmem>> -> memref<1x128xi32, #tpu.memory_space<vmem>>
    %dma_wait3A_64 = tpu.memref_squeeze %dma_wait3A_63 : memref<1x128xi32, #tpu.memory_space<vmem>> -> memref<128xi32, #tpu.memory_space<vmem>>
    %dma_wait3A_65 = arith.constant 0 : i32
    %dma_wait3A_66 = arith.constant 0 : i32
    %dma_wait3A_67 = tpu.memref_slice %arg2[%dma_wait3A_65, %dma_wait3A_66] : memref<10240x128xf32, #tpu.memory_space<hbm>> -> memref<10240x128xf32, #tpu.memory_space<hbm>>
    tpu.wait_indirect_dma semaphore(%arg12 : memref<!tpu.dma_semaphore, #tpu.memory_space<semaphore_mem>>) src(%dma_wait3A_67 : memref<10240x128xf32, #tpu.memory_space<hbm>>) dst(%arg9 : memref<128x128xf32, #tpu.memory_space<vmem>>)
    %run_scoped3A_68 = arith.constant 38 : i32
    "tpu.region"() ({
      %run_scoped3A_78 = tpu.sem_alloc : memref<!tpu.dma_semaphore, #tpu.memory_space<semaphore_mem>>
      %dma_start3A_79 = arith.constant 0 : i32
      %dma_start3A_80 = tpu.memref_slice %arg8[%run_scoped3A_68, %dma_start3A_79] : memref<40x128xi32, #tpu.memory_space<vmem>> -> memref<1x128xi32, #tpu.memory_space<vmem>>
      %dma_start3A_81 = tpu.memref_squeeze %dma_start3A_80 : memref<1x128xi32, #tpu.memory_space<vmem>> -> memref<128xi32, #tpu.memory_space<vmem>>
      %dma_start3A_82 = arith.constant 0 : i32
      %dma_start3A_83 = arith.constant 0 : i32
      %dma_start3A_84 = tpu.memref_slice %arg11[%dma_start3A_82, %dma_start3A_83] : memref<10240x128xf32, #tpu.memory_space<vmem_shared>> -> memref<10240x128xf32, #tpu.memory_space<vmem_shared>>
      tpu.enqueue_indirect_dma source(%arg9 : memref<128x128xf32, #tpu.memory_space<vmem>>) target(%dma_start3A_84 : memref<10240x128xf32, #tpu.memory_space<vmem_shared>>) offsets(%dma_start3A_81 : memref<128xi32, #tpu.memory_space<vmem>>) semaphore(%run_scoped3A_78 : memref<!tpu.dma_semaphore, #tpu.memory_space<semaphore_mem>>) {add = true}
      %dma_wait3A_85 = arith.constant 0 : i32
      %dma_wait3A_86 = tpu.memref_slice %arg8[%run_scoped3A_68, %dma_wait3A_85] : memref<40x128xi32, #tpu.memory_space<vmem>> -> memref<1x128xi32, #tpu.memory_space<vmem>>
      %dma_wait3A_87 = tpu.memref_squeeze %dma_wait3A_86 : memref<1x128xi32, #tpu.memory_space<vmem>> -> memref<128xi32, #tpu.memory_space<vmem>>
      %dma_wait3A_88 = arith.constant 0 : i32
      %dma_wait3A_89 = arith.constant 0 : i32
      %dma_wait3A_90 = tpu.memref_slice %arg11[%dma_wait3A_88, %dma_wait3A_89] : memref<10240x128xf32, #tpu.memory_space<vmem_shared>> -> memref<10240x128xf32, #tpu.memory_space<vmem_shared>>
      tpu.wait_indirect_dma semaphore(%run_scoped3A_78 : memref<!tpu.dma_semaphore, #tpu.memory_space<semaphore_mem>>) src(%arg9 : memref<128x128xf32, #tpu.memory_space<vmem>>) dst(%dma_wait3A_90 : memref<10240x128xf32, #tpu.memory_space<vmem_shared>>)
      tpu.yield
    }) : () -> ()
    %dma_wait3A_69 = arith.constant 39 : i32
    %dma_wait3A_70 = arith.constant 0 : i32
    %dma_wait3A_71 = tpu.memref_slice %arg7[%dma_wait3A_69, %dma_wait3A_70] : memref<40x128xi32, #tpu.memory_space<vmem>> -> memref<1x128xi32, #tpu.memory_space<vmem>>
    %dma_wait3A_72 = tpu.memref_squeeze %dma_wait3A_71 : memref<1x128xi32, #tpu.memory_space<vmem>> -> memref<128xi32, #tpu.memory_space<vmem>>
    %dma_wait3A_73 = arith.constant 0 : i32
    %dma_wait3A_74 = arith.constant 0 : i32
    %dma_wait3A_75 = tpu.memref_slice %arg2[%dma_wait3A_73, %dma_wait3A_74] : memref<10240x128xf32, #tpu.memory_space<hbm>> -> memref<10240x128xf32, #tpu.memory_space<hbm>>
    tpu.wait_indirect_dma semaphore(%arg13 : memref<!tpu.dma_semaphore, #tpu.memory_space<semaphore_mem>>) src(%dma_wait3A_75 : memref<10240x128xf32, #tpu.memory_space<hbm>>) dst(%arg10 : memref<128x128xf32, #tpu.memory_space<vmem>>)
    %run_scoped3A_76 = arith.constant 39 : i32
    "tpu.region"() ({
      %run_scoped3A_78 = tpu.sem_alloc : memref<!tpu.dma_semaphore, #tpu.memory_space<semaphore_mem>>
      %dma_start3A_79 = arith.constant 0 : i32
      %dma_start3A_80 = tpu.memref_slice %arg8[%run_scoped3A_76, %dma_start3A_79] : memref<40x128xi32, #tpu.memory_space<vmem>> -> memref<1x128xi32, #tpu.memory_space<vmem>>
      %dma_start3A_81 = tpu.memref_squeeze %dma_start3A_80 : memref<1x128xi32, #tpu.memory_space<vmem>> -> memref<128xi32, #tpu.memory_space<vmem>>
      %dma_start3A_82 = arith.constant 0 : i32
      %dma_start3A_83 = arith.constant 0 : i32
      %dma_start3A_84 = tpu.memref_slice %arg11[%dma_start3A_82, %dma_start3A_83] : memref<10240x128xf32, #tpu.memory_space<vmem_shared>> -> memref<10240x128xf32, #tpu.memory_space<vmem_shared>>
      tpu.enqueue_indirect_dma source(%arg10 : memref<128x128xf32, #tpu.memory_space<vmem>>) target(%dma_start3A_84 : memref<10240x128xf32, #tpu.memory_space<vmem_shared>>) offsets(%dma_start3A_81 : memref<128xi32, #tpu.memory_space<vmem>>) semaphore(%run_scoped3A_78 : memref<!tpu.dma_semaphore, #tpu.memory_space<semaphore_mem>>) {add = true}
      %dma_wait3A_85 = arith.constant 0 : i32
      %dma_wait3A_86 = tpu.memref_slice %arg8[%run_scoped3A_76, %dma_wait3A_85] : memref<40x128xi32, #tpu.memory_space<vmem>> -> memref<1x128xi32, #tpu.memory_space<vmem>>
      %dma_wait3A_87 = tpu.memref_squeeze %dma_wait3A_86 : memref<1x128xi32, #tpu.memory_space<vmem>> -> memref<128xi32, #tpu.memory_space<vmem>>
      %dma_wait3A_88 = arith.constant 0 : i32
      %dma_wait3A_89 = arith.constant 0 : i32
      %dma_wait3A_90 = tpu.memref_slice %arg11[%dma_wait3A_88, %dma_wait3A_89] : memref<10240x128xf32, #tpu.memory_space<vmem_shared>> -> memref<10240x128xf32, #tpu.memory_space<vmem_shared>>
      tpu.wait_indirect_dma semaphore(%run_scoped3A_78 : memref<!tpu.dma_semaphore, #tpu.memory_space<semaphore_mem>>) src(%arg10 : memref<128x128xf32, #tpu.memory_space<vmem>>) dst(%dma_wait3A_90 : memref<10240x128xf32, #tpu.memory_space<vmem_shared>>)
      tpu.yield
    }) : () -> ()
    "tpu.trace_start"() <{level = 10 : i32, message = "agg_wb"}> : () -> ()
    %barrier3A_77 = arith.constant 0 : index
    tpu.barrier barrier_id(%barrier3A_77)
    "tpu.region"() ({
      %run_scoped3A_78 = tpu.sem_alloc : memref<!tpu.dma_semaphore, #tpu.memory_space<semaphore_mem>>
      %dma_start3A_79 = arith.constant 0 : i32
      %dma_start3A_80 = tpu.memref_slice %arg6[%arg0, %mul3A_0, %dma_start3A_79] : memref<2x10240x128xf32, #tpu.memory_space<hbm>> -> memref<1x640x128xf32, #tpu.memory_space<hbm>>
      %dma_start3A_81 = tpu.memref_squeeze %dma_start3A_80 : memref<1x640x128xf32, #tpu.memory_space<hbm>> -> memref<640x128xf32, #tpu.memory_space<hbm>>
      %dma_start3A_82 = arith.constant 0 : i32
      %dma_start3A_83 = tpu.memref_slice %arg11[%mul3A_0, %dma_start3A_82] : memref<10240x128xf32, #tpu.memory_space<vmem_shared>> -> memref<640x128xf32, #tpu.memory_space<vmem_shared>>
      tpu.enqueue_dma source(%dma_start3A_83 : memref<640x128xf32, #tpu.memory_space<vmem_shared>>) target(%dma_start3A_81 : memref<640x128xf32, #tpu.memory_space<hbm>>) target_semaphore(%run_scoped3A_78 : memref<!tpu.dma_semaphore, #tpu.memory_space<semaphore_mem>>)
      %dma_wait3A_84 = arith.constant 0 : i32
      %dma_wait3A_85 = tpu.memref_slice %arg6[%arg0, %mul3A_0, %dma_wait3A_84] : memref<2x10240x128xf32, #tpu.memory_space<hbm>> -> memref<1x640x128xf32, #tpu.memory_space<hbm>>
      %dma_wait3A_86 = tpu.memref_squeeze %dma_wait3A_85 : memref<1x640x128xf32, #tpu.memory_space<hbm>> -> memref<640x128xf32, #tpu.memory_space<hbm>>
      %dma_wait3A_87 = arith.constant 0 : i32
      %dma_wait3A_88 = tpu.memref_slice %arg11[%mul3A_0, %dma_wait3A_87] : memref<10240x128xf32, #tpu.memory_space<vmem_shared>> -> memref<640x128xf32, #tpu.memory_space<vmem_shared>>
      tpu.wait_dma2 semaphore(%run_scoped3A_78 : memref<!tpu.dma_semaphore, #tpu.memory_space<semaphore_mem>>) src(%dma_wait3A_88 : memref<640x128xf32, #tpu.memory_space<vmem_shared>>) dst(%dma_wait3A_86 : memref<640x128xf32, #tpu.memory_space<hbm>>)
      tpu.yield
    }) : () -> ()
    "tpu.trace_stop"() : () -> ()
    return
  }
}

#map = affine_map<(d0, d1) -> (0, 0)>
#map1 = affine_map<(d0, d1) -> (0, 0, 0, 0)>
module attributes {stable_mosaic.version = 14 : i64} {
  func.func @_deg_body(%arg0: i32, %arg1: i32, %arg2: memref<2560x128xi32, #tpu.memory_space<hbm>>, %arg3: memref<2560x128xi32, #tpu.memory_space<hbm>>, %arg4: memref<640x16xf32, #tpu.memory_space<hbm>>, %arg5: memref<128x16xf32, #tpu.memory_space<hbm>>, %arg6: memref<2x2x10240x16xf32, #tpu.memory_space<hbm>>, %arg7: memref<80x128xi32, #tpu.memory_space<vmem>>, %arg8: memref<80x128xi32, #tpu.memory_space<vmem>>, %arg9: memref<128x16xf32, #tpu.memory_space<vmem>>, %arg10: memref<10240x16xf32, #tpu.memory_space<vmem_shared>>, %arg11: memref<10240x16xf32, #tpu.memory_space<vmem_shared>>) attributes {dimension_semantics = [#tpu.dimension_semantics<core_parallel>, #tpu.dimension_semantics<subcore_parallel>], iteration_bounds = array<i64: 2, 16>, scalar_prefetch = 0 : i64, scratch_operands = 5 : i64, tpu.core_type = #tpu.core_type<sc_vector_subcore>, window_params = [{transform_indices = #map}, {transform_indices = #map}, {transform_indices = #map}, {transform_indices = #map}, {transform_indices = #map1}]} {
    %mul3A = arith.constant 640 : i32
    %mul3A_0 = arith.muli %arg1, %mul3A : i32
    "tpu.region"() ({
      %run_scoped3A_12 = tpu.sem_alloc : memref<!tpu.dma_semaphore, #tpu.memory_space<semaphore_mem>>
      %dma_start3A = arith.constant 0 : i32
      %dma_start3A_13 = tpu.memref_slice %arg10[%mul3A_0, %dma_start3A] : memref<10240x16xf32, #tpu.memory_space<vmem_shared>> -> memref<640x16xf32, #tpu.memory_space<vmem_shared>>
      tpu.enqueue_dma source(%arg4 : memref<640x16xf32, #tpu.memory_space<hbm>>) target(%dma_start3A_13 : memref<640x16xf32, #tpu.memory_space<vmem_shared>>) target_semaphore(%run_scoped3A_12 : memref<!tpu.dma_semaphore, #tpu.memory_space<semaphore_mem>>)
      %dma_wait3A = arith.constant 0 : i32
      %dma_wait3A_14 = tpu.memref_slice %arg10[%mul3A_0, %dma_wait3A] : memref<10240x16xf32, #tpu.memory_space<vmem_shared>> -> memref<640x16xf32, #tpu.memory_space<vmem_shared>>
      tpu.wait_dma2 semaphore(%run_scoped3A_12 : memref<!tpu.dma_semaphore, #tpu.memory_space<semaphore_mem>>) src(%arg4 : memref<640x16xf32, #tpu.memory_space<hbm>>) dst(%dma_wait3A_14 : memref<640x16xf32, #tpu.memory_space<vmem_shared>>)
      tpu.yield
    }) : () -> ()
    "tpu.region"() ({
      %run_scoped3A_12 = tpu.sem_alloc : memref<!tpu.dma_semaphore, #tpu.memory_space<semaphore_mem>>
      %dma_start3A = arith.constant 0 : i32
      %dma_start3A_13 = tpu.memref_slice %arg11[%mul3A_0, %dma_start3A] : memref<10240x16xf32, #tpu.memory_space<vmem_shared>> -> memref<640x16xf32, #tpu.memory_space<vmem_shared>>
      tpu.enqueue_dma source(%arg4 : memref<640x16xf32, #tpu.memory_space<hbm>>) target(%dma_start3A_13 : memref<640x16xf32, #tpu.memory_space<vmem_shared>>) target_semaphore(%run_scoped3A_12 : memref<!tpu.dma_semaphore, #tpu.memory_space<semaphore_mem>>)
      %dma_wait3A = arith.constant 0 : i32
      %dma_wait3A_14 = tpu.memref_slice %arg11[%mul3A_0, %dma_wait3A] : memref<10240x16xf32, #tpu.memory_space<vmem_shared>> -> memref<640x16xf32, #tpu.memory_space<vmem_shared>>
      tpu.wait_dma2 semaphore(%run_scoped3A_12 : memref<!tpu.dma_semaphore, #tpu.memory_space<semaphore_mem>>) src(%arg4 : memref<640x16xf32, #tpu.memory_space<hbm>>) dst(%dma_wait3A_14 : memref<640x16xf32, #tpu.memory_space<vmem_shared>>)
      tpu.yield
    }) : () -> ()
    "tpu.region"() ({
      %run_scoped3A_12 = tpu.sem_alloc : memref<!tpu.dma_semaphore, #tpu.memory_space<semaphore_mem>>
      tpu.enqueue_dma source(%arg5 : memref<128x16xf32, #tpu.memory_space<hbm>>) target(%arg9 : memref<128x16xf32, #tpu.memory_space<vmem>>) target_semaphore(%run_scoped3A_12 : memref<!tpu.dma_semaphore, #tpu.memory_space<semaphore_mem>>)
      tpu.wait_dma2 semaphore(%run_scoped3A_12 : memref<!tpu.dma_semaphore, #tpu.memory_space<semaphore_mem>>) src(%arg5 : memref<128x16xf32, #tpu.memory_space<hbm>>) dst(%arg9 : memref<128x16xf32, #tpu.memory_space<vmem>>)
      tpu.yield
    }) : () -> ()
    %mul3A_1 = arith.constant 16 : i32
    %mul3A_2 = arith.muli %arg0, %mul3A_1 : i32
    %add3A = arith.addi %mul3A_2, %arg1 : i32
    %mul3A_3 = arith.constant 80 : i32
    %mul3A_4 = arith.muli %add3A, %mul3A_3 : i32
    "tpu.region"() ({
      %run_scoped3A_12 = tpu.sem_alloc : memref<!tpu.dma_semaphore, #tpu.memory_space<semaphore_mem>>
      %dma_start3A = arith.constant 0 : i32
      %dma_start3A_13 = tpu.memref_slice %arg2[%mul3A_4, %dma_start3A] : memref<2560x128xi32, #tpu.memory_space<hbm>> -> memref<80x128xi32, #tpu.memory_space<hbm>>
      %dma_start3A_14 = arith.constant 0 : i32
      %dma_start3A_15 = tpu.memref_slice %arg2[%mul3A_4, %dma_start3A_14] : memref<2560x128xi32, #tpu.memory_space<hbm>> -> memref<80x128xi32, #tpu.memory_space<hbm>>
      tpu.enqueue_dma source(%dma_start3A_15 : memref<80x128xi32, #tpu.memory_space<hbm>>) target(%arg7 : memref<80x128xi32, #tpu.memory_space<vmem>>) target_semaphore(%run_scoped3A_12 : memref<!tpu.dma_semaphore, #tpu.memory_space<semaphore_mem>>)
      %dma_wait3A = arith.constant 0 : i32
      %dma_wait3A_16 = tpu.memref_slice %arg2[%mul3A_4, %dma_wait3A] : memref<2560x128xi32, #tpu.memory_space<hbm>> -> memref<80x128xi32, #tpu.memory_space<hbm>>
      %dma_wait3A_17 = arith.constant 0 : i32
      %dma_wait3A_18 = tpu.memref_slice %arg2[%mul3A_4, %dma_wait3A_17] : memref<2560x128xi32, #tpu.memory_space<hbm>> -> memref<80x128xi32, #tpu.memory_space<hbm>>
      tpu.wait_dma2 semaphore(%run_scoped3A_12 : memref<!tpu.dma_semaphore, #tpu.memory_space<semaphore_mem>>) src(%dma_wait3A_18 : memref<80x128xi32, #tpu.memory_space<hbm>>) dst(%arg7 : memref<80x128xi32, #tpu.memory_space<vmem>>)
      tpu.yield
    }) : () -> ()
    "tpu.region"() ({
      %run_scoped3A_12 = tpu.sem_alloc : memref<!tpu.dma_semaphore, #tpu.memory_space<semaphore_mem>>
      %dma_start3A = arith.constant 0 : i32
      %dma_start3A_13 = tpu.memref_slice %arg3[%mul3A_4, %dma_start3A] : memref<2560x128xi32, #tpu.memory_space<hbm>> -> memref<80x128xi32, #tpu.memory_space<hbm>>
      %dma_start3A_14 = arith.constant 0 : i32
      %dma_start3A_15 = tpu.memref_slice %arg3[%mul3A_4, %dma_start3A_14] : memref<2560x128xi32, #tpu.memory_space<hbm>> -> memref<80x128xi32, #tpu.memory_space<hbm>>
      tpu.enqueue_dma source(%dma_start3A_15 : memref<80x128xi32, #tpu.memory_space<hbm>>) target(%arg8 : memref<80x128xi32, #tpu.memory_space<vmem>>) target_semaphore(%run_scoped3A_12 : memref<!tpu.dma_semaphore, #tpu.memory_space<semaphore_mem>>)
      %dma_wait3A = arith.constant 0 : i32
      %dma_wait3A_16 = tpu.memref_slice %arg3[%mul3A_4, %dma_wait3A] : memref<2560x128xi32, #tpu.memory_space<hbm>> -> memref<80x128xi32, #tpu.memory_space<hbm>>
      %dma_wait3A_17 = arith.constant 0 : i32
      %dma_wait3A_18 = tpu.memref_slice %arg3[%mul3A_4, %dma_wait3A_17] : memref<2560x128xi32, #tpu.memory_space<hbm>> -> memref<80x128xi32, #tpu.memory_space<hbm>>
      tpu.wait_dma2 semaphore(%run_scoped3A_12 : memref<!tpu.dma_semaphore, #tpu.memory_space<semaphore_mem>>) src(%dma_wait3A_18 : memref<80x128xi32, #tpu.memory_space<hbm>>) dst(%arg8 : memref<80x128xi32, #tpu.memory_space<vmem>>)
      tpu.yield
    }) : () -> ()
    %barrier3A = arith.constant 0 : index
    tpu.barrier barrier_id(%barrier3A)
    %scan3A = arith.constant 0 : i32
    %scan3A_5 = arith.constant 0 : i32
    %scan3A_6 = arith.constant 80 : i32
    %scan3A_7 = arith.addi %scan3A_5, %scan3A_6 : i32
    %scan3A_8 = arith.constant 1 : i32
    scf.for %scan3A_12 = %scan3A_5 to %scan3A_7 step %scan3A_8  : i32 {
      "tpu.region"() ({
        %run_scoped3A_13 = tpu.sem_alloc : memref<!tpu.dma_semaphore, #tpu.memory_space<semaphore_mem>>
        %dma_start3A = arith.constant 0 : i32
        %dma_start3A_14 = tpu.memref_slice %arg8[%scan3A_12, %dma_start3A] : memref<80x128xi32, #tpu.memory_space<vmem>> -> memref<1x128xi32, #tpu.memory_space<vmem>>
        %dma_start3A_15 = tpu.memref_squeeze %dma_start3A_14 : memref<1x128xi32, #tpu.memory_space<vmem>> -> memref<128xi32, #tpu.memory_space<vmem>>
        %dma_start3A_16 = arith.constant 0 : i32
        %dma_start3A_17 = arith.constant 0 : i32
        %dma_start3A_18 = tpu.memref_slice %arg10[%dma_start3A_16, %dma_start3A_17] : memref<10240x16xf32, #tpu.memory_space<vmem_shared>> -> memref<10240x16xf32, #tpu.memory_space<vmem_shared>>
        tpu.enqueue_indirect_dma source(%arg9 : memref<128x16xf32, #tpu.memory_space<vmem>>) target(%dma_start3A_18 : memref<10240x16xf32, #tpu.memory_space<vmem_shared>>) offsets(%dma_start3A_15 : memref<128xi32, #tpu.memory_space<vmem>>) semaphore(%run_scoped3A_13 : memref<!tpu.dma_semaphore, #tpu.memory_space<semaphore_mem>>) {add = true}
        %dma_wait3A = arith.constant 0 : i32
        %dma_wait3A_19 = tpu.memref_slice %arg8[%scan3A_12, %dma_wait3A] : memref<80x128xi32, #tpu.memory_space<vmem>> -> memref<1x128xi32, #tpu.memory_space<vmem>>
        %dma_wait3A_20 = tpu.memref_squeeze %dma_wait3A_19 : memref<1x128xi32, #tpu.memory_space<vmem>> -> memref<128xi32, #tpu.memory_space<vmem>>
        %dma_wait3A_21 = arith.constant 0 : i32
        %dma_wait3A_22 = arith.constant 0 : i32
        %dma_wait3A_23 = tpu.memref_slice %arg10[%dma_wait3A_21, %dma_wait3A_22] : memref<10240x16xf32, #tpu.memory_space<vmem_shared>> -> memref<10240x16xf32, #tpu.memory_space<vmem_shared>>
        tpu.wait_indirect_dma semaphore(%run_scoped3A_13 : memref<!tpu.dma_semaphore, #tpu.memory_space<semaphore_mem>>) src(%arg9 : memref<128x16xf32, #tpu.memory_space<vmem>>) dst(%dma_wait3A_23 : memref<10240x16xf32, #tpu.memory_space<vmem_shared>>)
        tpu.yield
      }) : () -> ()
      "tpu.region"() ({
        %run_scoped3A_13 = tpu.sem_alloc : memref<!tpu.dma_semaphore, #tpu.memory_space<semaphore_mem>>
        %dma_start3A = arith.constant 0 : i32
        %dma_start3A_14 = tpu.memref_slice %arg7[%scan3A_12, %dma_start3A] : memref<80x128xi32, #tpu.memory_space<vmem>> -> memref<1x128xi32, #tpu.memory_space<vmem>>
        %dma_start3A_15 = tpu.memref_squeeze %dma_start3A_14 : memref<1x128xi32, #tpu.memory_space<vmem>> -> memref<128xi32, #tpu.memory_space<vmem>>
        %dma_start3A_16 = arith.constant 0 : i32
        %dma_start3A_17 = arith.constant 0 : i32
        %dma_start3A_18 = tpu.memref_slice %arg11[%dma_start3A_16, %dma_start3A_17] : memref<10240x16xf32, #tpu.memory_space<vmem_shared>> -> memref<10240x16xf32, #tpu.memory_space<vmem_shared>>
        tpu.enqueue_indirect_dma source(%arg9 : memref<128x16xf32, #tpu.memory_space<vmem>>) target(%dma_start3A_18 : memref<10240x16xf32, #tpu.memory_space<vmem_shared>>) offsets(%dma_start3A_15 : memref<128xi32, #tpu.memory_space<vmem>>) semaphore(%run_scoped3A_13 : memref<!tpu.dma_semaphore, #tpu.memory_space<semaphore_mem>>) {add = true}
        %dma_wait3A = arith.constant 0 : i32
        %dma_wait3A_19 = tpu.memref_slice %arg7[%scan3A_12, %dma_wait3A] : memref<80x128xi32, #tpu.memory_space<vmem>> -> memref<1x128xi32, #tpu.memory_space<vmem>>
        %dma_wait3A_20 = tpu.memref_squeeze %dma_wait3A_19 : memref<1x128xi32, #tpu.memory_space<vmem>> -> memref<128xi32, #tpu.memory_space<vmem>>
        %dma_wait3A_21 = arith.constant 0 : i32
        %dma_wait3A_22 = arith.constant 0 : i32
        %dma_wait3A_23 = tpu.memref_slice %arg11[%dma_wait3A_21, %dma_wait3A_22] : memref<10240x16xf32, #tpu.memory_space<vmem_shared>> -> memref<10240x16xf32, #tpu.memory_space<vmem_shared>>
        tpu.wait_indirect_dma semaphore(%run_scoped3A_13 : memref<!tpu.dma_semaphore, #tpu.memory_space<semaphore_mem>>) src(%arg9 : memref<128x16xf32, #tpu.memory_space<vmem>>) dst(%dma_wait3A_23 : memref<10240x16xf32, #tpu.memory_space<vmem_shared>>)
        tpu.yield
      }) : () -> ()
    }
    %scan3A_9 = arith.constant 80 : i32
    %barrier3A_10 = arith.constant 0 : index
    tpu.barrier barrier_id(%barrier3A_10)
    %run_scoped3A = arith.constant 0 : i32
    "tpu.region"() ({
      %run_scoped3A_12 = tpu.sem_alloc : memref<!tpu.dma_semaphore, #tpu.memory_space<semaphore_mem>>
      %dma_start3A = arith.constant 0 : i32
      %dma_start3A_13 = tpu.memref_slice %arg6[%arg0, %run_scoped3A, %mul3A_0, %dma_start3A] : memref<2x2x10240x16xf32, #tpu.memory_space<hbm>> -> memref<1x1x640x16xf32, #tpu.memory_space<hbm>>
      %dma_start3A_14 = tpu.memref_squeeze %dma_start3A_13 : memref<1x1x640x16xf32, #tpu.memory_space<hbm>> -> memref<640x16xf32, #tpu.memory_space<hbm>>
      %dma_start3A_15 = arith.constant 0 : i32
      %dma_start3A_16 = tpu.memref_slice %arg10[%mul3A_0, %dma_start3A_15] : memref<10240x16xf32, #tpu.memory_space<vmem_shared>> -> memref<640x16xf32, #tpu.memory_space<vmem_shared>>
      tpu.enqueue_dma source(%dma_start3A_16 : memref<640x16xf32, #tpu.memory_space<vmem_shared>>) target(%dma_start3A_14 : memref<640x16xf32, #tpu.memory_space<hbm>>) target_semaphore(%run_scoped3A_12 : memref<!tpu.dma_semaphore, #tpu.memory_space<semaphore_mem>>)
      %dma_wait3A = arith.constant 0 : i32
      %dma_wait3A_17 = tpu.memref_slice %arg6[%arg0, %run_scoped3A, %mul3A_0, %dma_wait3A] : memref<2x2x10240x16xf32, #tpu.memory_space<hbm>> -> memref<1x1x640x16xf32, #tpu.memory_space<hbm>>
      %dma_wait3A_18 = tpu.memref_squeeze %dma_wait3A_17 : memref<1x1x640x16xf32, #tpu.memory_space<hbm>> -> memref<640x16xf32, #tpu.memory_space<hbm>>
      %dma_wait3A_19 = arith.constant 0 : i32
      %dma_wait3A_20 = tpu.memref_slice %arg10[%mul3A_0, %dma_wait3A_19] : memref<10240x16xf32, #tpu.memory_space<vmem_shared>> -> memref<640x16xf32, #tpu.memory_space<vmem_shared>>
      tpu.wait_dma2 semaphore(%run_scoped3A_12 : memref<!tpu.dma_semaphore, #tpu.memory_space<semaphore_mem>>) src(%dma_wait3A_20 : memref<640x16xf32, #tpu.memory_space<vmem_shared>>) dst(%dma_wait3A_18 : memref<640x16xf32, #tpu.memory_space<hbm>>)
      tpu.yield
    }) : () -> ()
    %run_scoped3A_11 = arith.constant 1 : i32
    "tpu.region"() ({
      %run_scoped3A_12 = tpu.sem_alloc : memref<!tpu.dma_semaphore, #tpu.memory_space<semaphore_mem>>
      %dma_start3A = arith.constant 0 : i32
      %dma_start3A_13 = tpu.memref_slice %arg6[%arg0, %run_scoped3A_11, %mul3A_0, %dma_start3A] : memref<2x2x10240x16xf32, #tpu.memory_space<hbm>> -> memref<1x1x640x16xf32, #tpu.memory_space<hbm>>
      %dma_start3A_14 = tpu.memref_squeeze %dma_start3A_13 : memref<1x1x640x16xf32, #tpu.memory_space<hbm>> -> memref<640x16xf32, #tpu.memory_space<hbm>>
      %dma_start3A_15 = arith.constant 0 : i32
      %dma_start3A_16 = tpu.memref_slice %arg11[%mul3A_0, %dma_start3A_15] : memref<10240x16xf32, #tpu.memory_space<vmem_shared>> -> memref<640x16xf32, #tpu.memory_space<vmem_shared>>
      tpu.enqueue_dma source(%dma_start3A_16 : memref<640x16xf32, #tpu.memory_space<vmem_shared>>) target(%dma_start3A_14 : memref<640x16xf32, #tpu.memory_space<hbm>>) target_semaphore(%run_scoped3A_12 : memref<!tpu.dma_semaphore, #tpu.memory_space<semaphore_mem>>)
      %dma_wait3A = arith.constant 0 : i32
      %dma_wait3A_17 = tpu.memref_slice %arg6[%arg0, %run_scoped3A_11, %mul3A_0, %dma_wait3A] : memref<2x2x10240x16xf32, #tpu.memory_space<hbm>> -> memref<1x1x640x16xf32, #tpu.memory_space<hbm>>
      %dma_wait3A_18 = tpu.memref_squeeze %dma_wait3A_17 : memref<1x1x640x16xf32, #tpu.memory_space<hbm>> -> memref<640x16xf32, #tpu.memory_space<hbm>>
      %dma_wait3A_19 = arith.constant 0 : i32
      %dma_wait3A_20 = tpu.memref_slice %arg11[%mul3A_0, %dma_wait3A_19] : memref<10240x16xf32, #tpu.memory_space<vmem_shared>> -> memref<640x16xf32, #tpu.memory_space<vmem_shared>>
      tpu.wait_dma2 semaphore(%run_scoped3A_12 : memref<!tpu.dma_semaphore, #tpu.memory_space<semaphore_mem>>) src(%dma_wait3A_20 : memref<640x16xf32, #tpu.memory_space<vmem_shared>>) dst(%dma_wait3A_18 : memref<640x16xf32, #tpu.memory_space<hbm>>)
      tpu.yield
    }) : () -> ()
    return
  }
}

#map = affine_map<(d0, d1) -> (0, 0)>
#map1 = affine_map<(d0, d1) -> (0, 0, 0)>
module attributes {stable_mosaic.version = 14 : i64} {
  func.func @_agg_body(%arg0: i32, %arg1: i32, %arg2: memref<10240x48xf32, #tpu.memory_space<hbm>>, %arg3: memref<2560x128xi32, #tpu.memory_space<hbm>>, %arg4: memref<2560x128xi32, #tpu.memory_space<hbm>>, %arg5: memref<640x48xf32, #tpu.memory_space<hbm>>, %arg6: memref<2x10240x48xf32, #tpu.memory_space<hbm>>, %arg7: memref<40x128xi32, #tpu.memory_space<vmem>>, %arg8: memref<40x128xi32, #tpu.memory_space<vmem>>, %arg9: memref<128x48xf32, #tpu.memory_space<vmem>>, %arg10: memref<128x48xf32, #tpu.memory_space<vmem>>, %arg11: memref<10240x48xf32, #tpu.memory_space<vmem_shared>>, %arg12: memref<!tpu.dma_semaphore, #tpu.memory_space<semaphore_mem>>, %arg13: memref<!tpu.dma_semaphore, #tpu.memory_space<semaphore_mem>>) attributes {dimension_semantics = [#tpu.dimension_semantics<core_parallel>, #tpu.dimension_semantics<subcore_parallel>], iteration_bounds = array<i64: 2, 16>, scalar_prefetch = 0 : i64, scratch_operands = 7 : i64, tpu.core_type = #tpu.core_type<sc_vector_subcore>, window_params = [{transform_indices = #map}, {transform_indices = #map}, {transform_indices = #map}, {transform_indices = #map}, {transform_indices = #map1}]} {
    %mul3A = arith.constant 640 : i32
    %mul3A_0 = arith.muli %arg1, %mul3A : i32
    "tpu.trace_start"() <{level = 10 : i32, message = "agg_init"}> : () -> ()
    "tpu.region"() ({
      %run_scoped3A_78 = tpu.sem_alloc : memref<!tpu.dma_semaphore, #tpu.memory_space<semaphore_mem>>
      %dma_start3A_79 = arith.constant 0 : i32
      %dma_start3A_80 = tpu.memref_slice %arg11[%mul3A_0, %dma_start3A_79] : memref<10240x48xf32, #tpu.memory_space<vmem_shared>> -> memref<640x48xf32, #tpu.memory_space<vmem_shared>>
      tpu.enqueue_dma source(%arg5 : memref<640x48xf32, #tpu.memory_space<hbm>>) target(%dma_start3A_80 : memref<640x48xf32, #tpu.memory_space<vmem_shared>>) target_semaphore(%run_scoped3A_78 : memref<!tpu.dma_semaphore, #tpu.memory_space<semaphore_mem>>)
      %dma_wait3A_81 = arith.constant 0 : i32
      %dma_wait3A_82 = tpu.memref_slice %arg11[%mul3A_0, %dma_wait3A_81] : memref<10240x48xf32, #tpu.memory_space<vmem_shared>> -> memref<640x48xf32, #tpu.memory_space<vmem_shared>>
      tpu.wait_dma2 semaphore(%run_scoped3A_78 : memref<!tpu.dma_semaphore, #tpu.memory_space<semaphore_mem>>) src(%arg5 : memref<640x48xf32, #tpu.memory_space<hbm>>) dst(%dma_wait3A_82 : memref<640x48xf32, #tpu.memory_space<vmem_shared>>)
      tpu.yield
    }) : () -> ()
    %mul3A_1 = arith.constant 16 : i32
    %mul3A_2 = arith.muli %arg0, %mul3A_1 : i32
    %add3A = arith.addi %mul3A_2, %arg1 : i32
    %mul3A_3 = arith.constant 80 : i32
    %mul3A_4 = arith.muli %add3A, %mul3A_3 : i32
    %barrier3A = arith.constant 0 : index
    tpu.barrier barrier_id(%barrier3A)
    "tpu.trace_stop"() : () -> ()
    %add3A_5 = arith.constant 0 : i32
    %add3A_6 = arith.addi %mul3A_4, %add3A_5 : i32
    "tpu.region"() ({
      %run_scoped3A_78 = tpu.sem_alloc : memref<!tpu.dma_semaphore, #tpu.memory_space<semaphore_mem>>
      %dma_start3A_79 = arith.constant 0 : i32
      %dma_start3A_80 = tpu.memref_slice %arg3[%add3A_6, %dma_start3A_79] : memref<2560x128xi32, #tpu.memory_space<hbm>> -> memref<40x128xi32, #tpu.memory_space<hbm>>
      %dma_start3A_81 = arith.constant 0 : i32
      %dma_start3A_82 = tpu.memref_slice %arg3[%add3A_6, %dma_start3A_81] : memref<2560x128xi32, #tpu.memory_space<hbm>> -> memref<40x128xi32, #tpu.memory_space<hbm>>
      tpu.enqueue_dma source(%dma_start3A_82 : memref<40x128xi32, #tpu.memory_space<hbm>>) target(%arg7 : memref<40x128xi32, #tpu.memory_space<vmem>>) target_semaphore(%run_scoped3A_78 : memref<!tpu.dma_semaphore, #tpu.memory_space<semaphore_mem>>)
      %dma_wait3A_83 = arith.constant 0 : i32
      %dma_wait3A_84 = tpu.memref_slice %arg3[%add3A_6, %dma_wait3A_83] : memref<2560x128xi32, #tpu.memory_space<hbm>> -> memref<40x128xi32, #tpu.memory_space<hbm>>
      %dma_wait3A_85 = arith.constant 0 : i32
      %dma_wait3A_86 = tpu.memref_slice %arg3[%add3A_6, %dma_wait3A_85] : memref<2560x128xi32, #tpu.memory_space<hbm>> -> memref<40x128xi32, #tpu.memory_space<hbm>>
      tpu.wait_dma2 semaphore(%run_scoped3A_78 : memref<!tpu.dma_semaphore, #tpu.memory_space<semaphore_mem>>) src(%dma_wait3A_86 : memref<40x128xi32, #tpu.memory_space<hbm>>) dst(%arg7 : memref<40x128xi32, #tpu.memory_space<vmem>>)
      tpu.yield
    }) : () -> ()
    "tpu.region"() ({
      %run_scoped3A_78 = tpu.sem_alloc : memref<!tpu.dma_semaphore, #tpu.memory_space<semaphore_mem>>
      %dma_start3A_79 = arith.constant 0 : i32
      %dma_start3A_80 = tpu.memref_slice %arg4[%add3A_6, %dma_start3A_79] : memref<2560x128xi32, #tpu.memory_space<hbm>> -> memref<40x128xi32, #tpu.memory_space<hbm>>
      %dma_start3A_81 = arith.constant 0 : i32
      %dma_start3A_82 = tpu.memref_slice %arg4[%add3A_6, %dma_start3A_81] : memref<2560x128xi32, #tpu.memory_space<hbm>> -> memref<40x128xi32, #tpu.memory_space<hbm>>
      tpu.enqueue_dma source(%dma_start3A_82 : memref<40x128xi32, #tpu.memory_space<hbm>>) target(%arg8 : memref<40x128xi32, #tpu.memory_space<vmem>>) target_semaphore(%run_scoped3A_78 : memref<!tpu.dma_semaphore, #tpu.memory_space<semaphore_mem>>)
      %dma_wait3A_83 = arith.constant 0 : i32
      %dma_wait3A_84 = tpu.memref_slice %arg4[%add3A_6, %dma_wait3A_83] : memref<2560x128xi32, #tpu.memory_space<hbm>> -> memref<40x128xi32, #tpu.memory_space<hbm>>
      %dma_wait3A_85 = arith.constant 0 : i32
      %dma_wait3A_86 = tpu.memref_slice %arg4[%add3A_6, %dma_wait3A_85] : memref<2560x128xi32, #tpu.memory_space<hbm>> -> memref<40x128xi32, #tpu.memory_space<hbm>>
      tpu.wait_dma2 semaphore(%run_scoped3A_78 : memref<!tpu.dma_semaphore, #tpu.memory_space<semaphore_mem>>) src(%dma_wait3A_86 : memref<40x128xi32, #tpu.memory_space<hbm>>) dst(%arg8 : memref<40x128xi32, #tpu.memory_space<vmem>>)
      tpu.yield
    }) : () -> ()
    %dma_start3A = arith.constant 0 : i32
    %dma_start3A_7 = arith.constant 0 : i32
    %dma_start3A_8 = tpu.memref_slice %arg7[%dma_start3A, %dma_start3A_7] : memref<40x128xi32, #tpu.memory_space<vmem>> -> memref<1x128xi32, #tpu.memory_space<vmem>>
    %dma_start3A_9 = tpu.memref_squeeze %dma_start3A_8 : memref<1x128xi32, #tpu.memory_space<vmem>> -> memref<128xi32, #tpu.memory_space<vmem>>
    %dma_start3A_10 = arith.constant 0 : i32
    %dma_start3A_11 = arith.constant 0 : i32
    %dma_start3A_12 = tpu.memref_slice %arg2[%dma_start3A_10, %dma_start3A_11] : memref<10240x48xf32, #tpu.memory_space<hbm>> -> memref<10240x48xf32, #tpu.memory_space<hbm>>
    tpu.enqueue_indirect_dma source(%dma_start3A_12 : memref<10240x48xf32, #tpu.memory_space<hbm>>) target(%arg9 : memref<128x48xf32, #tpu.memory_space<vmem>>) offsets(%dma_start3A_9 : memref<128xi32, #tpu.memory_space<vmem>>) semaphore(%arg12 : memref<!tpu.dma_semaphore, #tpu.memory_space<semaphore_mem>>)
    %dma_start3A_13 = arith.constant 1 : i32
    %dma_start3A_14 = arith.constant 0 : i32
    %dma_start3A_15 = tpu.memref_slice %arg7[%dma_start3A_13, %dma_start3A_14] : memref<40x128xi32, #tpu.memory_space<vmem>> -> memref<1x128xi32, #tpu.memory_space<vmem>>
    %dma_start3A_16 = tpu.memref_squeeze %dma_start3A_15 : memref<1x128xi32, #tpu.memory_space<vmem>> -> memref<128xi32, #tpu.memory_space<vmem>>
    %dma_start3A_17 = arith.constant 0 : i32
    %dma_start3A_18 = arith.constant 0 : i32
    %dma_start3A_19 = tpu.memref_slice %arg2[%dma_start3A_17, %dma_start3A_18] : memref<10240x48xf32, #tpu.memory_space<hbm>> -> memref<10240x48xf32, #tpu.memory_space<hbm>>
    tpu.enqueue_indirect_dma source(%dma_start3A_19 : memref<10240x48xf32, #tpu.memory_space<hbm>>) target(%arg10 : memref<128x48xf32, #tpu.memory_space<vmem>>) offsets(%dma_start3A_16 : memref<128xi32, #tpu.memory_space<vmem>>) semaphore(%arg13 : memref<!tpu.dma_semaphore, #tpu.memory_space<semaphore_mem>>)
    "tpu.trace_start"() <{level = 10 : i32, message = "agg_loop"}> : () -> ()
    %scan3A = arith.constant 0 : i32
    %scan3A_20 = arith.constant 0 : i32
    %scan3A_21 = arith.constant 19 : i32
    %scan3A_22 = arith.addi %scan3A_20, %scan3A_21 : i32
    %scan3A_23 = arith.constant 1 : i32
    scf.for %scan3A_78 = %scan3A_20 to %scan3A_22 step %scan3A_23  : i32 {
      %mul3A_79 = arith.constant 2 : i32
      %mul3A_80 = arith.muli %mul3A_79, %scan3A_78 : i32
      %add3A_81 = arith.constant 1 : i32
      %add3A_82 = arith.addi %mul3A_80, %add3A_81 : i32
      %dma_wait3A_83 = arith.constant 0 : i32
      %dma_wait3A_84 = tpu.memref_slice %arg7[%mul3A_80, %dma_wait3A_83] : memref<40x128xi32, #tpu.memory_space<vmem>> -> memref<1x128xi32, #tpu.memory_space<vmem>>
      %dma_wait3A_85 = tpu.memref_squeeze %dma_wait3A_84 : memref<1x128xi32, #tpu.memory_space<vmem>> -> memref<128xi32, #tpu.memory_space<vmem>>
      %dma_wait3A_86 = arith.constant 0 : i32
      %dma_wait3A_87 = arith.constant 0 : i32
      %dma_wait3A_88 = tpu.memref_slice %arg2[%dma_wait3A_86, %dma_wait3A_87] : memref<10240x48xf32, #tpu.memory_space<hbm>> -> memref<10240x48xf32, #tpu.memory_space<hbm>>
      tpu.wait_indirect_dma semaphore(%arg12 : memref<!tpu.dma_semaphore, #tpu.memory_space<semaphore_mem>>) src(%dma_wait3A_88 : memref<10240x48xf32, #tpu.memory_space<hbm>>) dst(%arg9 : memref<128x48xf32, #tpu.memory_space<vmem>>)
      "tpu.region"() ({
        %run_scoped3A_111 = tpu.sem_alloc : memref<!tpu.dma_semaphore, #tpu.memory_space<semaphore_mem>>
        %dma_start3A_112 = arith.constant 0 : i32
        %dma_start3A_113 = tpu.memref_slice %arg8[%mul3A_80, %dma_start3A_112] : memref<40x128xi32, #tpu.memory_space<vmem>> -> memref<1x128xi32, #tpu.memory_space<vmem>>
        %dma_start3A_114 = tpu.memref_squeeze %dma_start3A_113 : memref<1x128xi32, #tpu.memory_space<vmem>> -> memref<128xi32, #tpu.memory_space<vmem>>
        %dma_start3A_115 = arith.constant 0 : i32
        %dma_start3A_116 = arith.constant 0 : i32
        %dma_start3A_117 = tpu.memref_slice %arg11[%dma_start3A_115, %dma_start3A_116] : memref<10240x48xf32, #tpu.memory_space<vmem_shared>> -> memref<10240x48xf32, #tpu.memory_space<vmem_shared>>
        tpu.enqueue_indirect_dma source(%arg9 : memref<128x48xf32, #tpu.memory_space<vmem>>) target(%dma_start3A_117 : memref<10240x48xf32, #tpu.memory_space<vmem_shared>>) offsets(%dma_start3A_114 : memref<128xi32, #tpu.memory_space<vmem>>) semaphore(%run_scoped3A_111 : memref<!tpu.dma_semaphore, #tpu.memory_space<semaphore_mem>>) {add = true}
        %dma_wait3A_118 = arith.constant 0 : i32
        %dma_wait3A_119 = tpu.memref_slice %arg8[%mul3A_80, %dma_wait3A_118] : memref<40x128xi32, #tpu.memory_space<vmem>> -> memref<1x128xi32, #tpu.memory_space<vmem>>
        %dma_wait3A_120 = tpu.memref_squeeze %dma_wait3A_119 : memref<1x128xi32, #tpu.memory_space<vmem>> -> memref<128xi32, #tpu.memory_space<vmem>>
        %dma_wait3A_121 = arith.constant 0 : i32
        %dma_wait3A_122 = arith.constant 0 : i32
        %dma_wait3A_123 = tpu.memref_slice %arg11[%dma_wait3A_121, %dma_wait3A_122] : memref<10240x48xf32, #tpu.memory_space<vmem_shared>> -> memref<10240x48xf32, #tpu.memory_space<vmem_shared>>
        tpu.wait_indirect_dma semaphore(%run_scoped3A_111 : memref<!tpu.dma_semaphore, #tpu.memory_space<semaphore_mem>>) src(%arg9 : memref<128x48xf32, #tpu.memory_space<vmem>>) dst(%dma_wait3A_123 : memref<10240x48xf32, #tpu.memory_space<vmem_shared>>)
        tpu.yield
      }) : () -> ()
      %add3A_89 = arith.constant 2 : i32
      %add3A_90 = arith.addi %mul3A_80, %add3A_89 : i32
      %dma_start3A_91 = arith.constant 0 : i32
      %dma_start3A_92 = tpu.memref_slice %arg7[%add3A_90, %dma_start3A_91] : memref<40x128xi32, #tpu.memory_space<vmem>> -> memref<1x128xi32, #tpu.memory_space<vmem>>
      %dma_start3A_93 = tpu.memref_squeeze %dma_start3A_92 : memref<1x128xi32, #tpu.memory_space<vmem>> -> memref<128xi32, #tpu.memory_space<vmem>>
      %dma_start3A_94 = arith.constant 0 : i32
      %dma_start3A_95 = arith.constant 0 : i32
      %dma_start3A_96 = tpu.memref_slice %arg2[%dma_start3A_94, %dma_start3A_95] : memref<10240x48xf32, #tpu.memory_space<hbm>> -> memref<10240x48xf32, #tpu.memory_space<hbm>>
      tpu.enqueue_indirect_dma source(%dma_start3A_96 : memref<10240x48xf32, #tpu.memory_space<hbm>>) target(%arg9 : memref<128x48xf32, #tpu.memory_space<vmem>>) offsets(%dma_start3A_93 : memref<128xi32, #tpu.memory_space<vmem>>) semaphore(%arg12 : memref<!tpu.dma_semaphore, #tpu.memory_space<semaphore_mem>>)
      %dma_wait3A_97 = arith.constant 0 : i32
      %dma_wait3A_98 = tpu.memref_slice %arg7[%add3A_82, %dma_wait3A_97] : memref<40x128xi32, #tpu.memory_space<vmem>> -> memref<1x128xi32, #tpu.memory_space<vmem>>
      %dma_wait3A_99 = tpu.memref_squeeze %dma_wait3A_98 : memref<1x128xi32, #tpu.memory_space<vmem>> -> memref<128xi32, #tpu.memory_space<vmem>>
      %dma_wait3A_100 = arith.constant 0 : i32
      %dma_wait3A_101 = arith.constant 0 : i32
      %dma_wait3A_102 = tpu.memref_slice %arg2[%dma_wait3A_100, %dma_wait3A_101] : memref<10240x48xf32, #tpu.memory_space<hbm>> -> memref<10240x48xf32, #tpu.memory_space<hbm>>
      tpu.wait_indirect_dma semaphore(%arg13 : memref<!tpu.dma_semaphore, #tpu.memory_space<semaphore_mem>>) src(%dma_wait3A_102 : memref<10240x48xf32, #tpu.memory_space<hbm>>) dst(%arg10 : memref<128x48xf32, #tpu.memory_space<vmem>>)
      "tpu.region"() ({
        %run_scoped3A_111 = tpu.sem_alloc : memref<!tpu.dma_semaphore, #tpu.memory_space<semaphore_mem>>
        %dma_start3A_112 = arith.constant 0 : i32
        %dma_start3A_113 = tpu.memref_slice %arg8[%add3A_82, %dma_start3A_112] : memref<40x128xi32, #tpu.memory_space<vmem>> -> memref<1x128xi32, #tpu.memory_space<vmem>>
        %dma_start3A_114 = tpu.memref_squeeze %dma_start3A_113 : memref<1x128xi32, #tpu.memory_space<vmem>> -> memref<128xi32, #tpu.memory_space<vmem>>
        %dma_start3A_115 = arith.constant 0 : i32
        %dma_start3A_116 = arith.constant 0 : i32
        %dma_start3A_117 = tpu.memref_slice %arg11[%dma_start3A_115, %dma_start3A_116] : memref<10240x48xf32, #tpu.memory_space<vmem_shared>> -> memref<10240x48xf32, #tpu.memory_space<vmem_shared>>
        tpu.enqueue_indirect_dma source(%arg10 : memref<128x48xf32, #tpu.memory_space<vmem>>) target(%dma_start3A_117 : memref<10240x48xf32, #tpu.memory_space<vmem_shared>>) offsets(%dma_start3A_114 : memref<128xi32, #tpu.memory_space<vmem>>) semaphore(%run_scoped3A_111 : memref<!tpu.dma_semaphore, #tpu.memory_space<semaphore_mem>>) {add = true}
        %dma_wait3A_118 = arith.constant 0 : i32
        %dma_wait3A_119 = tpu.memref_slice %arg8[%add3A_82, %dma_wait3A_118] : memref<40x128xi32, #tpu.memory_space<vmem>> -> memref<1x128xi32, #tpu.memory_space<vmem>>
        %dma_wait3A_120 = tpu.memref_squeeze %dma_wait3A_119 : memref<1x128xi32, #tpu.memory_space<vmem>> -> memref<128xi32, #tpu.memory_space<vmem>>
        %dma_wait3A_121 = arith.constant 0 : i32
        %dma_wait3A_122 = arith.constant 0 : i32
        %dma_wait3A_123 = tpu.memref_slice %arg11[%dma_wait3A_121, %dma_wait3A_122] : memref<10240x48xf32, #tpu.memory_space<vmem_shared>> -> memref<10240x48xf32, #tpu.memory_space<vmem_shared>>
        tpu.wait_indirect_dma semaphore(%run_scoped3A_111 : memref<!tpu.dma_semaphore, #tpu.memory_space<semaphore_mem>>) src(%arg10 : memref<128x48xf32, #tpu.memory_space<vmem>>) dst(%dma_wait3A_123 : memref<10240x48xf32, #tpu.memory_space<vmem_shared>>)
        tpu.yield
      }) : () -> ()
      %add3A_103 = arith.constant 2 : i32
      %add3A_104 = arith.addi %add3A_82, %add3A_103 : i32
      %dma_start3A_105 = arith.constant 0 : i32
      %dma_start3A_106 = tpu.memref_slice %arg7[%add3A_104, %dma_start3A_105] : memref<40x128xi32, #tpu.memory_space<vmem>> -> memref<1x128xi32, #tpu.memory_space<vmem>>
      %dma_start3A_107 = tpu.memref_squeeze %dma_start3A_106 : memref<1x128xi32, #tpu.memory_space<vmem>> -> memref<128xi32, #tpu.memory_space<vmem>>
      %dma_start3A_108 = arith.constant 0 : i32
      %dma_start3A_109 = arith.constant 0 : i32
      %dma_start3A_110 = tpu.memref_slice %arg2[%dma_start3A_108, %dma_start3A_109] : memref<10240x48xf32, #tpu.memory_space<hbm>> -> memref<10240x48xf32, #tpu.memory_space<hbm>>
      tpu.enqueue_indirect_dma source(%dma_start3A_110 : memref<10240x48xf32, #tpu.memory_space<hbm>>) target(%arg10 : memref<128x48xf32, #tpu.memory_space<vmem>>) offsets(%dma_start3A_107 : memref<128xi32, #tpu.memory_space<vmem>>) semaphore(%arg13 : memref<!tpu.dma_semaphore, #tpu.memory_space<semaphore_mem>>)
    }
    %scan3A_24 = arith.constant 19 : i32
    %dma_wait3A = arith.constant 38 : i32
    "tpu.trace_stop"() : () -> ()
    %dma_wait3A_25 = arith.constant 0 : i32
    %dma_wait3A_26 = tpu.memref_slice %arg7[%dma_wait3A, %dma_wait3A_25] : memref<40x128xi32, #tpu.memory_space<vmem>> -> memref<1x128xi32, #tpu.memory_space<vmem>>
    %dma_wait3A_27 = tpu.memref_squeeze %dma_wait3A_26 : memref<1x128xi32, #tpu.memory_space<vmem>> -> memref<128xi32, #tpu.memory_space<vmem>>
    %dma_wait3A_28 = arith.constant 0 : i32
    %dma_wait3A_29 = arith.constant 0 : i32
    %dma_wait3A_30 = tpu.memref_slice %arg2[%dma_wait3A_28, %dma_wait3A_29] : memref<10240x48xf32, #tpu.memory_space<hbm>> -> memref<10240x48xf32, #tpu.memory_space<hbm>>
    tpu.wait_indirect_dma semaphore(%arg12 : memref<!tpu.dma_semaphore, #tpu.memory_space<semaphore_mem>>) src(%dma_wait3A_30 : memref<10240x48xf32, #tpu.memory_space<hbm>>) dst(%arg9 : memref<128x48xf32, #tpu.memory_space<vmem>>)
    %run_scoped3A = arith.constant 38 : i32
    "tpu.region"() ({
      %run_scoped3A_78 = tpu.sem_alloc : memref<!tpu.dma_semaphore, #tpu.memory_space<semaphore_mem>>
      %dma_start3A_79 = arith.constant 0 : i32
      %dma_start3A_80 = tpu.memref_slice %arg8[%run_scoped3A, %dma_start3A_79] : memref<40x128xi32, #tpu.memory_space<vmem>> -> memref<1x128xi32, #tpu.memory_space<vmem>>
      %dma_start3A_81 = tpu.memref_squeeze %dma_start3A_80 : memref<1x128xi32, #tpu.memory_space<vmem>> -> memref<128xi32, #tpu.memory_space<vmem>>
      %dma_start3A_82 = arith.constant 0 : i32
      %dma_start3A_83 = arith.constant 0 : i32
      %dma_start3A_84 = tpu.memref_slice %arg11[%dma_start3A_82, %dma_start3A_83] : memref<10240x48xf32, #tpu.memory_space<vmem_shared>> -> memref<10240x48xf32, #tpu.memory_space<vmem_shared>>
      tpu.enqueue_indirect_dma source(%arg9 : memref<128x48xf32, #tpu.memory_space<vmem>>) target(%dma_start3A_84 : memref<10240x48xf32, #tpu.memory_space<vmem_shared>>) offsets(%dma_start3A_81 : memref<128xi32, #tpu.memory_space<vmem>>) semaphore(%run_scoped3A_78 : memref<!tpu.dma_semaphore, #tpu.memory_space<semaphore_mem>>) {add = true}
      %dma_wait3A_85 = arith.constant 0 : i32
      %dma_wait3A_86 = tpu.memref_slice %arg8[%run_scoped3A, %dma_wait3A_85] : memref<40x128xi32, #tpu.memory_space<vmem>> -> memref<1x128xi32, #tpu.memory_space<vmem>>
      %dma_wait3A_87 = tpu.memref_squeeze %dma_wait3A_86 : memref<1x128xi32, #tpu.memory_space<vmem>> -> memref<128xi32, #tpu.memory_space<vmem>>
      %dma_wait3A_88 = arith.constant 0 : i32
      %dma_wait3A_89 = arith.constant 0 : i32
      %dma_wait3A_90 = tpu.memref_slice %arg11[%dma_wait3A_88, %dma_wait3A_89] : memref<10240x48xf32, #tpu.memory_space<vmem_shared>> -> memref<10240x48xf32, #tpu.memory_space<vmem_shared>>
      tpu.wait_indirect_dma semaphore(%run_scoped3A_78 : memref<!tpu.dma_semaphore, #tpu.memory_space<semaphore_mem>>) src(%arg9 : memref<128x48xf32, #tpu.memory_space<vmem>>) dst(%dma_wait3A_90 : memref<10240x48xf32, #tpu.memory_space<vmem_shared>>)
      tpu.yield
    }) : () -> ()
    %dma_wait3A_31 = arith.constant 39 : i32
    %dma_wait3A_32 = arith.constant 0 : i32
    %dma_wait3A_33 = tpu.memref_slice %arg7[%dma_wait3A_31, %dma_wait3A_32] : memref<40x128xi32, #tpu.memory_space<vmem>> -> memref<1x128xi32, #tpu.memory_space<vmem>>
    %dma_wait3A_34 = tpu.memref_squeeze %dma_wait3A_33 : memref<1x128xi32, #tpu.memory_space<vmem>> -> memref<128xi32, #tpu.memory_space<vmem>>
    %dma_wait3A_35 = arith.constant 0 : i32
    %dma_wait3A_36 = arith.constant 0 : i32
    %dma_wait3A_37 = tpu.memref_slice %arg2[%dma_wait3A_35, %dma_wait3A_36] : memref<10240x48xf32, #tpu.memory_space<hbm>> -> memref<10240x48xf32, #tpu.memory_space<hbm>>
    tpu.wait_indirect_dma semaphore(%arg13 : memref<!tpu.dma_semaphore, #tpu.memory_space<semaphore_mem>>) src(%dma_wait3A_37 : memref<10240x48xf32, #tpu.memory_space<hbm>>) dst(%arg10 : memref<128x48xf32, #tpu.memory_space<vmem>>)
    %run_scoped3A_38 = arith.constant 39 : i32
    "tpu.region"() ({
      %run_scoped3A_78 = tpu.sem_alloc : memref<!tpu.dma_semaphore, #tpu.memory_space<semaphore_mem>>
      %dma_start3A_79 = arith.constant 0 : i32
      %dma_start3A_80 = tpu.memref_slice %arg8[%run_scoped3A_38, %dma_start3A_79] : memref<40x128xi32, #tpu.memory_space<vmem>> -> memref<1x128xi32, #tpu.memory_space<vmem>>
      %dma_start3A_81 = tpu.memref_squeeze %dma_start3A_80 : memref<1x128xi32, #tpu.memory_space<vmem>> -> memref<128xi32, #tpu.memory_space<vmem>>
      %dma_start3A_82 = arith.constant 0 : i32
      %dma_start3A_83 = arith.constant 0 : i32
      %dma_start3A_84 = tpu.memref_slice %arg11[%dma_start3A_82, %dma_start3A_83] : memref<10240x48xf32, #tpu.memory_space<vmem_shared>> -> memref<10240x48xf32, #tpu.memory_space<vmem_shared>>
      tpu.enqueue_indirect_dma source(%arg10 : memref<128x48xf32, #tpu.memory_space<vmem>>) target(%dma_start3A_84 : memref<10240x48xf32, #tpu.memory_space<vmem_shared>>) offsets(%dma_start3A_81 : memref<128xi32, #tpu.memory_space<vmem>>) semaphore(%run_scoped3A_78 : memref<!tpu.dma_semaphore, #tpu.memory_space<semaphore_mem>>) {add = true}
      %dma_wait3A_85 = arith.constant 0 : i32
      %dma_wait3A_86 = tpu.memref_slice %arg8[%run_scoped3A_38, %dma_wait3A_85] : memref<40x128xi32, #tpu.memory_space<vmem>> -> memref<1x128xi32, #tpu.memory_space<vmem>>
      %dma_wait3A_87 = tpu.memref_squeeze %dma_wait3A_86 : memref<1x128xi32, #tpu.memory_space<vmem>> -> memref<128xi32, #tpu.memory_space<vmem>>
      %dma_wait3A_88 = arith.constant 0 : i32
      %dma_wait3A_89 = arith.constant 0 : i32
      %dma_wait3A_90 = tpu.memref_slice %arg11[%dma_wait3A_88, %dma_wait3A_89] : memref<10240x48xf32, #tpu.memory_space<vmem_shared>> -> memref<10240x48xf32, #tpu.memory_space<vmem_shared>>
      tpu.wait_indirect_dma semaphore(%run_scoped3A_78 : memref<!tpu.dma_semaphore, #tpu.memory_space<semaphore_mem>>) src(%arg10 : memref<128x48xf32, #tpu.memory_space<vmem>>) dst(%dma_wait3A_90 : memref<10240x48xf32, #tpu.memory_space<vmem_shared>>)
      tpu.yield
    }) : () -> ()
    %add3A_39 = arith.constant 40 : i32
    %add3A_40 = arith.addi %mul3A_4, %add3A_39 : i32
    "tpu.region"() ({
      %run_scoped3A_78 = tpu.sem_alloc : memref<!tpu.dma_semaphore, #tpu.memory_space<semaphore_mem>>
      %dma_start3A_79 = arith.constant 0 : i32
      %dma_start3A_80 = tpu.memref_slice %arg3[%add3A_40, %dma_start3A_79] : memref<2560x128xi32, #tpu.memory_space<hbm>> -> memref<40x128xi32, #tpu.memory_space<hbm>>
      %dma_start3A_81 = arith.constant 0 : i32
      %dma_start3A_82 = tpu.memref_slice %arg3[%add3A_40, %dma_start3A_81] : memref<2560x128xi32, #tpu.memory_space<hbm>> -> memref<40x128xi32, #tpu.memory_space<hbm>>
      tpu.enqueue_dma source(%dma_start3A_82 : memref<40x128xi32, #tpu.memory_space<hbm>>) target(%arg7 : memref<40x128xi32, #tpu.memory_space<vmem>>) target_semaphore(%run_scoped3A_78 : memref<!tpu.dma_semaphore, #tpu.memory_space<semaphore_mem>>)
      %dma_wait3A_83 = arith.constant 0 : i32
      %dma_wait3A_84 = tpu.memref_slice %arg3[%add3A_40, %dma_wait3A_83] : memref<2560x128xi32, #tpu.memory_space<hbm>> -> memref<40x128xi32, #tpu.memory_space<hbm>>
      %dma_wait3A_85 = arith.constant 0 : i32
      %dma_wait3A_86 = tpu.memref_slice %arg3[%add3A_40, %dma_wait3A_85] : memref<2560x128xi32, #tpu.memory_space<hbm>> -> memref<40x128xi32, #tpu.memory_space<hbm>>
      tpu.wait_dma2 semaphore(%run_scoped3A_78 : memref<!tpu.dma_semaphore, #tpu.memory_space<semaphore_mem>>) src(%dma_wait3A_86 : memref<40x128xi32, #tpu.memory_space<hbm>>) dst(%arg7 : memref<40x128xi32, #tpu.memory_space<vmem>>)
      tpu.yield
    }) : () -> ()
    "tpu.region"() ({
      %run_scoped3A_78 = tpu.sem_alloc : memref<!tpu.dma_semaphore, #tpu.memory_space<semaphore_mem>>
      %dma_start3A_79 = arith.constant 0 : i32
      %dma_start3A_80 = tpu.memref_slice %arg4[%add3A_40, %dma_start3A_79] : memref<2560x128xi32, #tpu.memory_space<hbm>> -> memref<40x128xi32, #tpu.memory_space<hbm>>
      %dma_start3A_81 = arith.constant 0 : i32
      %dma_start3A_82 = tpu.memref_slice %arg4[%add3A_40, %dma_start3A_81] : memref<2560x128xi32, #tpu.memory_space<hbm>> -> memref<40x128xi32, #tpu.memory_space<hbm>>
      tpu.enqueue_dma source(%dma_start3A_82 : memref<40x128xi32, #tpu.memory_space<hbm>>) target(%arg8 : memref<40x128xi32, #tpu.memory_space<vmem>>) target_semaphore(%run_scoped3A_78 : memref<!tpu.dma_semaphore, #tpu.memory_space<semaphore_mem>>)
      %dma_wait3A_83 = arith.constant 0 : i32
      %dma_wait3A_84 = tpu.memref_slice %arg4[%add3A_40, %dma_wait3A_83] : memref<2560x128xi32, #tpu.memory_space<hbm>> -> memref<40x128xi32, #tpu.memory_space<hbm>>
      %dma_wait3A_85 = arith.constant 0 : i32
      %dma_wait3A_86 = tpu.memref_slice %arg4[%add3A_40, %dma_wait3A_85] : memref<2560x128xi32, #tpu.memory_space<hbm>> -> memref<40x128xi32, #tpu.memory_space<hbm>>
      tpu.wait_dma2 semaphore(%run_scoped3A_78 : memref<!tpu.dma_semaphore, #tpu.memory_space<semaphore_mem>>) src(%dma_wait3A_86 : memref<40x128xi32, #tpu.memory_space<hbm>>) dst(%arg8 : memref<40x128xi32, #tpu.memory_space<vmem>>)
      tpu.yield
    }) : () -> ()
    %dma_start3A_41 = arith.constant 0 : i32
    %dma_start3A_42 = arith.constant 0 : i32
    %dma_start3A_43 = tpu.memref_slice %arg7[%dma_start3A_41, %dma_start3A_42] : memref<40x128xi32, #tpu.memory_space<vmem>> -> memref<1x128xi32, #tpu.memory_space<vmem>>
    %dma_start3A_44 = tpu.memref_squeeze %dma_start3A_43 : memref<1x128xi32, #tpu.memory_space<vmem>> -> memref<128xi32, #tpu.memory_space<vmem>>
    %dma_start3A_45 = arith.constant 0 : i32
    %dma_start3A_46 = arith.constant 0 : i32
    %dma_start3A_47 = tpu.memref_slice %arg2[%dma_start3A_45, %dma_start3A_46] : memref<10240x48xf32, #tpu.memory_space<hbm>> -> memref<10240x48xf32, #tpu.memory_space<hbm>>
    tpu.enqueue_indirect_dma source(%dma_start3A_47 : memref<10240x48xf32, #tpu.memory_space<hbm>>) target(%arg9 : memref<128x48xf32, #tpu.memory_space<vmem>>) offsets(%dma_start3A_44 : memref<128xi32, #tpu.memory_space<vmem>>) semaphore(%arg12 : memref<!tpu.dma_semaphore, #tpu.memory_space<semaphore_mem>>)
    %dma_start3A_48 = arith.constant 1 : i32
    %dma_start3A_49 = arith.constant 0 : i32
    %dma_start3A_50 = tpu.memref_slice %arg7[%dma_start3A_48, %dma_start3A_49] : memref<40x128xi32, #tpu.memory_space<vmem>> -> memref<1x128xi32, #tpu.memory_space<vmem>>
    %dma_start3A_51 = tpu.memref_squeeze %dma_start3A_50 : memref<1x128xi32, #tpu.memory_space<vmem>> -> memref<128xi32, #tpu.memory_space<vmem>>
    %dma_start3A_52 = arith.constant 0 : i32
    %dma_start3A_53 = arith.constant 0 : i32
    %dma_start3A_54 = tpu.memref_slice %arg2[%dma_start3A_52, %dma_start3A_53] : memref<10240x48xf32, #tpu.memory_space<hbm>> -> memref<10240x48xf32, #tpu.memory_space<hbm>>
    tpu.enqueue_indirect_dma source(%dma_start3A_54 : memref<10240x48xf32, #tpu.memory_space<hbm>>) target(%arg10 : memref<128x48xf32, #tpu.memory_space<vmem>>) offsets(%dma_start3A_51 : memref<128xi32, #tpu.memory_space<vmem>>) semaphore(%arg13 : memref<!tpu.dma_semaphore, #tpu.memory_space<semaphore_mem>>)
    "tpu.trace_start"() <{level = 10 : i32, message = "agg_loop"}> : () -> ()
    %scan3A_55 = arith.constant 0 : i32
    %scan3A_56 = arith.constant 0 : i32
    %scan3A_57 = arith.constant 19 : i32
    %scan3A_58 = arith.addi %scan3A_56, %scan3A_57 : i32
    %scan3A_59 = arith.constant 1 : i32
    scf.for %scan3A_78 = %scan3A_56 to %scan3A_58 step %scan3A_59  : i32 {
      %mul3A_79 = arith.constant 2 : i32
      %mul3A_80 = arith.muli %mul3A_79, %scan3A_78 : i32
      %add3A_81 = arith.constant 1 : i32
      %add3A_82 = arith.addi %mul3A_80, %add3A_81 : i32
      %dma_wait3A_83 = arith.constant 0 : i32
      %dma_wait3A_84 = tpu.memref_slice %arg7[%mul3A_80, %dma_wait3A_83] : memref<40x128xi32, #tpu.memory_space<vmem>> -> memref<1x128xi32, #tpu.memory_space<vmem>>
      %dma_wait3A_85 = tpu.memref_squeeze %dma_wait3A_84 : memref<1x128xi32, #tpu.memory_space<vmem>> -> memref<128xi32, #tpu.memory_space<vmem>>
      %dma_wait3A_86 = arith.constant 0 : i32
      %dma_wait3A_87 = arith.constant 0 : i32
      %dma_wait3A_88 = tpu.memref_slice %arg2[%dma_wait3A_86, %dma_wait3A_87] : memref<10240x48xf32, #tpu.memory_space<hbm>> -> memref<10240x48xf32, #tpu.memory_space<hbm>>
      tpu.wait_indirect_dma semaphore(%arg12 : memref<!tpu.dma_semaphore, #tpu.memory_space<semaphore_mem>>) src(%dma_wait3A_88 : memref<10240x48xf32, #tpu.memory_space<hbm>>) dst(%arg9 : memref<128x48xf32, #tpu.memory_space<vmem>>)
      "tpu.region"() ({
        %run_scoped3A_111 = tpu.sem_alloc : memref<!tpu.dma_semaphore, #tpu.memory_space<semaphore_mem>>
        %dma_start3A_112 = arith.constant 0 : i32
        %dma_start3A_113 = tpu.memref_slice %arg8[%mul3A_80, %dma_start3A_112] : memref<40x128xi32, #tpu.memory_space<vmem>> -> memref<1x128xi32, #tpu.memory_space<vmem>>
        %dma_start3A_114 = tpu.memref_squeeze %dma_start3A_113 : memref<1x128xi32, #tpu.memory_space<vmem>> -> memref<128xi32, #tpu.memory_space<vmem>>
        %dma_start3A_115 = arith.constant 0 : i32
        %dma_start3A_116 = arith.constant 0 : i32
        %dma_start3A_117 = tpu.memref_slice %arg11[%dma_start3A_115, %dma_start3A_116] : memref<10240x48xf32, #tpu.memory_space<vmem_shared>> -> memref<10240x48xf32, #tpu.memory_space<vmem_shared>>
        tpu.enqueue_indirect_dma source(%arg9 : memref<128x48xf32, #tpu.memory_space<vmem>>) target(%dma_start3A_117 : memref<10240x48xf32, #tpu.memory_space<vmem_shared>>) offsets(%dma_start3A_114 : memref<128xi32, #tpu.memory_space<vmem>>) semaphore(%run_scoped3A_111 : memref<!tpu.dma_semaphore, #tpu.memory_space<semaphore_mem>>) {add = true}
        %dma_wait3A_118 = arith.constant 0 : i32
        %dma_wait3A_119 = tpu.memref_slice %arg8[%mul3A_80, %dma_wait3A_118] : memref<40x128xi32, #tpu.memory_space<vmem>> -> memref<1x128xi32, #tpu.memory_space<vmem>>
        %dma_wait3A_120 = tpu.memref_squeeze %dma_wait3A_119 : memref<1x128xi32, #tpu.memory_space<vmem>> -> memref<128xi32, #tpu.memory_space<vmem>>
        %dma_wait3A_121 = arith.constant 0 : i32
        %dma_wait3A_122 = arith.constant 0 : i32
        %dma_wait3A_123 = tpu.memref_slice %arg11[%dma_wait3A_121, %dma_wait3A_122] : memref<10240x48xf32, #tpu.memory_space<vmem_shared>> -> memref<10240x48xf32, #tpu.memory_space<vmem_shared>>
        tpu.wait_indirect_dma semaphore(%run_scoped3A_111 : memref<!tpu.dma_semaphore, #tpu.memory_space<semaphore_mem>>) src(%arg9 : memref<128x48xf32, #tpu.memory_space<vmem>>) dst(%dma_wait3A_123 : memref<10240x48xf32, #tpu.memory_space<vmem_shared>>)
        tpu.yield
      }) : () -> ()
      %add3A_89 = arith.constant 2 : i32
      %add3A_90 = arith.addi %mul3A_80, %add3A_89 : i32
      %dma_start3A_91 = arith.constant 0 : i32
      %dma_start3A_92 = tpu.memref_slice %arg7[%add3A_90, %dma_start3A_91] : memref<40x128xi32, #tpu.memory_space<vmem>> -> memref<1x128xi32, #tpu.memory_space<vmem>>
      %dma_start3A_93 = tpu.memref_squeeze %dma_start3A_92 : memref<1x128xi32, #tpu.memory_space<vmem>> -> memref<128xi32, #tpu.memory_space<vmem>>
      %dma_start3A_94 = arith.constant 0 : i32
      %dma_start3A_95 = arith.constant 0 : i32
      %dma_start3A_96 = tpu.memref_slice %arg2[%dma_start3A_94, %dma_start3A_95] : memref<10240x48xf32, #tpu.memory_space<hbm>> -> memref<10240x48xf32, #tpu.memory_space<hbm>>
      tpu.enqueue_indirect_dma source(%dma_start3A_96 : memref<10240x48xf32, #tpu.memory_space<hbm>>) target(%arg9 : memref<128x48xf32, #tpu.memory_space<vmem>>) offsets(%dma_start3A_93 : memref<128xi32, #tpu.memory_space<vmem>>) semaphore(%arg12 : memref<!tpu.dma_semaphore, #tpu.memory_space<semaphore_mem>>)
      %dma_wait3A_97 = arith.constant 0 : i32
      %dma_wait3A_98 = tpu.memref_slice %arg7[%add3A_82, %dma_wait3A_97] : memref<40x128xi32, #tpu.memory_space<vmem>> -> memref<1x128xi32, #tpu.memory_space<vmem>>
      %dma_wait3A_99 = tpu.memref_squeeze %dma_wait3A_98 : memref<1x128xi32, #tpu.memory_space<vmem>> -> memref<128xi32, #tpu.memory_space<vmem>>
      %dma_wait3A_100 = arith.constant 0 : i32
      %dma_wait3A_101 = arith.constant 0 : i32
      %dma_wait3A_102 = tpu.memref_slice %arg2[%dma_wait3A_100, %dma_wait3A_101] : memref<10240x48xf32, #tpu.memory_space<hbm>> -> memref<10240x48xf32, #tpu.memory_space<hbm>>
      tpu.wait_indirect_dma semaphore(%arg13 : memref<!tpu.dma_semaphore, #tpu.memory_space<semaphore_mem>>) src(%dma_wait3A_102 : memref<10240x48xf32, #tpu.memory_space<hbm>>) dst(%arg10 : memref<128x48xf32, #tpu.memory_space<vmem>>)
      "tpu.region"() ({
        %run_scoped3A_111 = tpu.sem_alloc : memref<!tpu.dma_semaphore, #tpu.memory_space<semaphore_mem>>
        %dma_start3A_112 = arith.constant 0 : i32
        %dma_start3A_113 = tpu.memref_slice %arg8[%add3A_82, %dma_start3A_112] : memref<40x128xi32, #tpu.memory_space<vmem>> -> memref<1x128xi32, #tpu.memory_space<vmem>>
        %dma_start3A_114 = tpu.memref_squeeze %dma_start3A_113 : memref<1x128xi32, #tpu.memory_space<vmem>> -> memref<128xi32, #tpu.memory_space<vmem>>
        %dma_start3A_115 = arith.constant 0 : i32
        %dma_start3A_116 = arith.constant 0 : i32
        %dma_start3A_117 = tpu.memref_slice %arg11[%dma_start3A_115, %dma_start3A_116] : memref<10240x48xf32, #tpu.memory_space<vmem_shared>> -> memref<10240x48xf32, #tpu.memory_space<vmem_shared>>
        tpu.enqueue_indirect_dma source(%arg10 : memref<128x48xf32, #tpu.memory_space<vmem>>) target(%dma_start3A_117 : memref<10240x48xf32, #tpu.memory_space<vmem_shared>>) offsets(%dma_start3A_114 : memref<128xi32, #tpu.memory_space<vmem>>) semaphore(%run_scoped3A_111 : memref<!tpu.dma_semaphore, #tpu.memory_space<semaphore_mem>>) {add = true}
        %dma_wait3A_118 = arith.constant 0 : i32
        %dma_wait3A_119 = tpu.memref_slice %arg8[%add3A_82, %dma_wait3A_118] : memref<40x128xi32, #tpu.memory_space<vmem>> -> memref<1x128xi32, #tpu.memory_space<vmem>>
        %dma_wait3A_120 = tpu.memref_squeeze %dma_wait3A_119 : memref<1x128xi32, #tpu.memory_space<vmem>> -> memref<128xi32, #tpu.memory_space<vmem>>
        %dma_wait3A_121 = arith.constant 0 : i32
        %dma_wait3A_122 = arith.constant 0 : i32
        %dma_wait3A_123 = tpu.memref_slice %arg11[%dma_wait3A_121, %dma_wait3A_122] : memref<10240x48xf32, #tpu.memory_space<vmem_shared>> -> memref<10240x48xf32, #tpu.memory_space<vmem_shared>>
        tpu.wait_indirect_dma semaphore(%run_scoped3A_111 : memref<!tpu.dma_semaphore, #tpu.memory_space<semaphore_mem>>) src(%arg10 : memref<128x48xf32, #tpu.memory_space<vmem>>) dst(%dma_wait3A_123 : memref<10240x48xf32, #tpu.memory_space<vmem_shared>>)
        tpu.yield
      }) : () -> ()
      %add3A_103 = arith.constant 2 : i32
      %add3A_104 = arith.addi %add3A_82, %add3A_103 : i32
      %dma_start3A_105 = arith.constant 0 : i32
      %dma_start3A_106 = tpu.memref_slice %arg7[%add3A_104, %dma_start3A_105] : memref<40x128xi32, #tpu.memory_space<vmem>> -> memref<1x128xi32, #tpu.memory_space<vmem>>
      %dma_start3A_107 = tpu.memref_squeeze %dma_start3A_106 : memref<1x128xi32, #tpu.memory_space<vmem>> -> memref<128xi32, #tpu.memory_space<vmem>>
      %dma_start3A_108 = arith.constant 0 : i32
      %dma_start3A_109 = arith.constant 0 : i32
      %dma_start3A_110 = tpu.memref_slice %arg2[%dma_start3A_108, %dma_start3A_109] : memref<10240x48xf32, #tpu.memory_space<hbm>> -> memref<10240x48xf32, #tpu.memory_space<hbm>>
      tpu.enqueue_indirect_dma source(%dma_start3A_110 : memref<10240x48xf32, #tpu.memory_space<hbm>>) target(%arg10 : memref<128x48xf32, #tpu.memory_space<vmem>>) offsets(%dma_start3A_107 : memref<128xi32, #tpu.memory_space<vmem>>) semaphore(%arg13 : memref<!tpu.dma_semaphore, #tpu.memory_space<semaphore_mem>>)
    }
    %scan3A_60 = arith.constant 19 : i32
    %dma_wait3A_61 = arith.constant 38 : i32
    "tpu.trace_stop"() : () -> ()
    %dma_wait3A_62 = arith.constant 0 : i32
    %dma_wait3A_63 = tpu.memref_slice %arg7[%dma_wait3A_61, %dma_wait3A_62] : memref<40x128xi32, #tpu.memory_space<vmem>> -> memref<1x128xi32, #tpu.memory_space<vmem>>
    %dma_wait3A_64 = tpu.memref_squeeze %dma_wait3A_63 : memref<1x128xi32, #tpu.memory_space<vmem>> -> memref<128xi32, #tpu.memory_space<vmem>>
    %dma_wait3A_65 = arith.constant 0 : i32
    %dma_wait3A_66 = arith.constant 0 : i32
    %dma_wait3A_67 = tpu.memref_slice %arg2[%dma_wait3A_65, %dma_wait3A_66] : memref<10240x48xf32, #tpu.memory_space<hbm>> -> memref<10240x48xf32, #tpu.memory_space<hbm>>
    tpu.wait_indirect_dma semaphore(%arg12 : memref<!tpu.dma_semaphore, #tpu.memory_space<semaphore_mem>>) src(%dma_wait3A_67 : memref<10240x48xf32, #tpu.memory_space<hbm>>) dst(%arg9 : memref<128x48xf32, #tpu.memory_space<vmem>>)
    %run_scoped3A_68 = arith.constant 38 : i32
    "tpu.region"() ({
      %run_scoped3A_78 = tpu.sem_alloc : memref<!tpu.dma_semaphore, #tpu.memory_space<semaphore_mem>>
      %dma_start3A_79 = arith.constant 0 : i32
      %dma_start3A_80 = tpu.memref_slice %arg8[%run_scoped3A_68, %dma_start3A_79] : memref<40x128xi32, #tpu.memory_space<vmem>> -> memref<1x128xi32, #tpu.memory_space<vmem>>
      %dma_start3A_81 = tpu.memref_squeeze %dma_start3A_80 : memref<1x128xi32, #tpu.memory_space<vmem>> -> memref<128xi32, #tpu.memory_space<vmem>>
      %dma_start3A_82 = arith.constant 0 : i32
      %dma_start3A_83 = arith.constant 0 : i32
      %dma_start3A_84 = tpu.memref_slice %arg11[%dma_start3A_82, %dma_start3A_83] : memref<10240x48xf32, #tpu.memory_space<vmem_shared>> -> memref<10240x48xf32, #tpu.memory_space<vmem_shared>>
      tpu.enqueue_indirect_dma source(%arg9 : memref<128x48xf32, #tpu.memory_space<vmem>>) target(%dma_start3A_84 : memref<10240x48xf32, #tpu.memory_space<vmem_shared>>) offsets(%dma_start3A_81 : memref<128xi32, #tpu.memory_space<vmem>>) semaphore(%run_scoped3A_78 : memref<!tpu.dma_semaphore, #tpu.memory_space<semaphore_mem>>) {add = true}
      %dma_wait3A_85 = arith.constant 0 : i32
      %dma_wait3A_86 = tpu.memref_slice %arg8[%run_scoped3A_68, %dma_wait3A_85] : memref<40x128xi32, #tpu.memory_space<vmem>> -> memref<1x128xi32, #tpu.memory_space<vmem>>
      %dma_wait3A_87 = tpu.memref_squeeze %dma_wait3A_86 : memref<1x128xi32, #tpu.memory_space<vmem>> -> memref<128xi32, #tpu.memory_space<vmem>>
      %dma_wait3A_88 = arith.constant 0 : i32
      %dma_wait3A_89 = arith.constant 0 : i32
      %dma_wait3A_90 = tpu.memref_slice %arg11[%dma_wait3A_88, %dma_wait3A_89] : memref<10240x48xf32, #tpu.memory_space<vmem_shared>> -> memref<10240x48xf32, #tpu.memory_space<vmem_shared>>
      tpu.wait_indirect_dma semaphore(%run_scoped3A_78 : memref<!tpu.dma_semaphore, #tpu.memory_space<semaphore_mem>>) src(%arg9 : memref<128x48xf32, #tpu.memory_space<vmem>>) dst(%dma_wait3A_90 : memref<10240x48xf32, #tpu.memory_space<vmem_shared>>)
      tpu.yield
    }) : () -> ()
    %dma_wait3A_69 = arith.constant 39 : i32
    %dma_wait3A_70 = arith.constant 0 : i32
    %dma_wait3A_71 = tpu.memref_slice %arg7[%dma_wait3A_69, %dma_wait3A_70] : memref<40x128xi32, #tpu.memory_space<vmem>> -> memref<1x128xi32, #tpu.memory_space<vmem>>
    %dma_wait3A_72 = tpu.memref_squeeze %dma_wait3A_71 : memref<1x128xi32, #tpu.memory_space<vmem>> -> memref<128xi32, #tpu.memory_space<vmem>>
    %dma_wait3A_73 = arith.constant 0 : i32
    %dma_wait3A_74 = arith.constant 0 : i32
    %dma_wait3A_75 = tpu.memref_slice %arg2[%dma_wait3A_73, %dma_wait3A_74] : memref<10240x48xf32, #tpu.memory_space<hbm>> -> memref<10240x48xf32, #tpu.memory_space<hbm>>
    tpu.wait_indirect_dma semaphore(%arg13 : memref<!tpu.dma_semaphore, #tpu.memory_space<semaphore_mem>>) src(%dma_wait3A_75 : memref<10240x48xf32, #tpu.memory_space<hbm>>) dst(%arg10 : memref<128x48xf32, #tpu.memory_space<vmem>>)
    %run_scoped3A_76 = arith.constant 39 : i32
    "tpu.region"() ({
      %run_scoped3A_78 = tpu.sem_alloc : memref<!tpu.dma_semaphore, #tpu.memory_space<semaphore_mem>>
      %dma_start3A_79 = arith.constant 0 : i32
      %dma_start3A_80 = tpu.memref_slice %arg8[%run_scoped3A_76, %dma_start3A_79] : memref<40x128xi32, #tpu.memory_space<vmem>> -> memref<1x128xi32, #tpu.memory_space<vmem>>
      %dma_start3A_81 = tpu.memref_squeeze %dma_start3A_80 : memref<1x128xi32, #tpu.memory_space<vmem>> -> memref<128xi32, #tpu.memory_space<vmem>>
      %dma_start3A_82 = arith.constant 0 : i32
      %dma_start3A_83 = arith.constant 0 : i32
      %dma_start3A_84 = tpu.memref_slice %arg11[%dma_start3A_82, %dma_start3A_83] : memref<10240x48xf32, #tpu.memory_space<vmem_shared>> -> memref<10240x48xf32, #tpu.memory_space<vmem_shared>>
      tpu.enqueue_indirect_dma source(%arg10 : memref<128x48xf32, #tpu.memory_space<vmem>>) target(%dma_start3A_84 : memref<10240x48xf32, #tpu.memory_space<vmem_shared>>) offsets(%dma_start3A_81 : memref<128xi32, #tpu.memory_space<vmem>>) semaphore(%run_scoped3A_78 : memref<!tpu.dma_semaphore, #tpu.memory_space<semaphore_mem>>) {add = true}
      %dma_wait3A_85 = arith.constant 0 : i32
      %dma_wait3A_86 = tpu.memref_slice %arg8[%run_scoped3A_76, %dma_wait3A_85] : memref<40x128xi32, #tpu.memory_space<vmem>> -> memref<1x128xi32, #tpu.memory_space<vmem>>
      %dma_wait3A_87 = tpu.memref_squeeze %dma_wait3A_86 : memref<1x128xi32, #tpu.memory_space<vmem>> -> memref<128xi32, #tpu.memory_space<vmem>>
      %dma_wait3A_88 = arith.constant 0 : i32
      %dma_wait3A_89 = arith.constant 0 : i32
      %dma_wait3A_90 = tpu.memref_slice %arg11[%dma_wait3A_88, %dma_wait3A_89] : memref<10240x48xf32, #tpu.memory_space<vmem_shared>> -> memref<10240x48xf32, #tpu.memory_space<vmem_shared>>
      tpu.wait_indirect_dma semaphore(%run_scoped3A_78 : memref<!tpu.dma_semaphore, #tpu.memory_space<semaphore_mem>>) src(%arg10 : memref<128x48xf32, #tpu.memory_space<vmem>>) dst(%dma_wait3A_90 : memref<10240x48xf32, #tpu.memory_space<vmem_shared>>)
      tpu.yield
    }) : () -> ()
    "tpu.trace_start"() <{level = 10 : i32, message = "agg_wb"}> : () -> ()
    %barrier3A_77 = arith.constant 0 : index
    tpu.barrier barrier_id(%barrier3A_77)
    "tpu.region"() ({
      %run_scoped3A_78 = tpu.sem_alloc : memref<!tpu.dma_semaphore, #tpu.memory_space<semaphore_mem>>
      %dma_start3A_79 = arith.constant 0 : i32
      %dma_start3A_80 = tpu.memref_slice %arg6[%arg0, %mul3A_0, %dma_start3A_79] : memref<2x10240x48xf32, #tpu.memory_space<hbm>> -> memref<1x640x48xf32, #tpu.memory_space<hbm>>
      %dma_start3A_81 = tpu.memref_squeeze %dma_start3A_80 : memref<1x640x48xf32, #tpu.memory_space<hbm>> -> memref<640x48xf32, #tpu.memory_space<hbm>>
      %dma_start3A_82 = arith.constant 0 : i32
      %dma_start3A_83 = tpu.memref_slice %arg11[%mul3A_0, %dma_start3A_82] : memref<10240x48xf32, #tpu.memory_space<vmem_shared>> -> memref<640x48xf32, #tpu.memory_space<vmem_shared>>
      tpu.enqueue_dma source(%dma_start3A_83 : memref<640x48xf32, #tpu.memory_space<vmem_shared>>) target(%dma_start3A_81 : memref<640x48xf32, #tpu.memory_space<hbm>>) target_semaphore(%run_scoped3A_78 : memref<!tpu.dma_semaphore, #tpu.memory_space<semaphore_mem>>)
      %dma_wait3A_84 = arith.constant 0 : i32
      %dma_wait3A_85 = tpu.memref_slice %arg6[%arg0, %mul3A_0, %dma_wait3A_84] : memref<2x10240x48xf32, #tpu.memory_space<hbm>> -> memref<1x640x48xf32, #tpu.memory_space<hbm>>
      %dma_wait3A_86 = tpu.memref_squeeze %dma_wait3A_85 : memref<1x640x48xf32, #tpu.memory_space<hbm>> -> memref<640x48xf32, #tpu.memory_space<hbm>>
      %dma_wait3A_87 = arith.constant 0 : i32
      %dma_wait3A_88 = tpu.memref_slice %arg11[%mul3A_0, %dma_wait3A_87] : memref<10240x48xf32, #tpu.memory_space<vmem_shared>> -> memref<640x48xf32, #tpu.memory_space<vmem_shared>>
      tpu.wait_dma2 semaphore(%run_scoped3A_78 : memref<!tpu.dma_semaphore, #tpu.memory_space<semaphore_mem>>) src(%dma_wait3A_88 : memref<640x48xf32, #tpu.memory_space<vmem_shared>>) dst(%dma_wait3A_86 : memref<640x48xf32, #tpu.memory_space<hbm>>)
      tpu.yield
    }) : () -> ()
    "tpu.trace_stop"() : () -> ()
    return
  }
}

#map = affine_map<(d0, d1) -> (0, 0)>
#map1 = affine_map<(d0, d1) -> (0, 0, 0)>
module attributes {stable_mosaic.version = 14 : i64} {
  func.func @_agg_body(%arg0: i32, %arg1: i32, %arg2: memref<10240x128xf32, #tpu.memory_space<hbm>>, %arg3: memref<2560x128xi32, #tpu.memory_space<hbm>>, %arg4: memref<2560x128xi32, #tpu.memory_space<hbm>>, %arg5: memref<640x128xf32, #tpu.memory_space<hbm>>, %arg6: memref<2x10240x128xf32, #tpu.memory_space<hbm>>, %arg7: memref<40x128xi32, #tpu.memory_space<vmem>>, %arg8: memref<40x128xi32, #tpu.memory_space<vmem>>, %arg9: memref<128x128xf32, #tpu.memory_space<vmem>>, %arg10: memref<128x128xf32, #tpu.memory_space<vmem>>, %arg11: memref<10240x128xf32, #tpu.memory_space<vmem_shared>>, %arg12: memref<!tpu.dma_semaphore, #tpu.memory_space<semaphore_mem>>, %arg13: memref<!tpu.dma_semaphore, #tpu.memory_space<semaphore_mem>>) attributes {dimension_semantics = [#tpu.dimension_semantics<core_parallel>, #tpu.dimension_semantics<subcore_parallel>], iteration_bounds = array<i64: 2, 16>, scalar_prefetch = 0 : i64, scratch_operands = 7 : i64, tpu.core_type = #tpu.core_type<sc_vector_subcore>, window_params = [{transform_indices = #map}, {transform_indices = #map}, {transform_indices = #map}, {transform_indices = #map}, {transform_indices = #map1}]} {
    %mul3A = arith.constant 640 : i32
    %mul3A_0 = arith.muli %arg1, %mul3A : i32
    "tpu.trace_start"() <{level = 10 : i32, message = "agg_init"}> : () -> ()
    "tpu.region"() ({
      %run_scoped3A_78 = tpu.sem_alloc : memref<!tpu.dma_semaphore, #tpu.memory_space<semaphore_mem>>
      %dma_start3A_79 = arith.constant 0 : i32
      %dma_start3A_80 = tpu.memref_slice %arg11[%mul3A_0, %dma_start3A_79] : memref<10240x128xf32, #tpu.memory_space<vmem_shared>> -> memref<640x128xf32, #tpu.memory_space<vmem_shared>>
      tpu.enqueue_dma source(%arg5 : memref<640x128xf32, #tpu.memory_space<hbm>>) target(%dma_start3A_80 : memref<640x128xf32, #tpu.memory_space<vmem_shared>>) target_semaphore(%run_scoped3A_78 : memref<!tpu.dma_semaphore, #tpu.memory_space<semaphore_mem>>)
      %dma_wait3A_81 = arith.constant 0 : i32
      %dma_wait3A_82 = tpu.memref_slice %arg11[%mul3A_0, %dma_wait3A_81] : memref<10240x128xf32, #tpu.memory_space<vmem_shared>> -> memref<640x128xf32, #tpu.memory_space<vmem_shared>>
      tpu.wait_dma2 semaphore(%run_scoped3A_78 : memref<!tpu.dma_semaphore, #tpu.memory_space<semaphore_mem>>) src(%arg5 : memref<640x128xf32, #tpu.memory_space<hbm>>) dst(%dma_wait3A_82 : memref<640x128xf32, #tpu.memory_space<vmem_shared>>)
      tpu.yield
    }) : () -> ()
    %mul3A_1 = arith.constant 16 : i32
    %mul3A_2 = arith.muli %arg0, %mul3A_1 : i32
    %add3A = arith.addi %mul3A_2, %arg1 : i32
    %mul3A_3 = arith.constant 80 : i32
    %mul3A_4 = arith.muli %add3A, %mul3A_3 : i32
    %barrier3A = arith.constant 0 : index
    tpu.barrier barrier_id(%barrier3A)
    "tpu.trace_stop"() : () -> ()
    %add3A_5 = arith.constant 0 : i32
    %add3A_6 = arith.addi %mul3A_4, %add3A_5 : i32
    "tpu.region"() ({
      %run_scoped3A_78 = tpu.sem_alloc : memref<!tpu.dma_semaphore, #tpu.memory_space<semaphore_mem>>
      %dma_start3A_79 = arith.constant 0 : i32
      %dma_start3A_80 = tpu.memref_slice %arg3[%add3A_6, %dma_start3A_79] : memref<2560x128xi32, #tpu.memory_space<hbm>> -> memref<40x128xi32, #tpu.memory_space<hbm>>
      %dma_start3A_81 = arith.constant 0 : i32
      %dma_start3A_82 = tpu.memref_slice %arg3[%add3A_6, %dma_start3A_81] : memref<2560x128xi32, #tpu.memory_space<hbm>> -> memref<40x128xi32, #tpu.memory_space<hbm>>
      tpu.enqueue_dma source(%dma_start3A_82 : memref<40x128xi32, #tpu.memory_space<hbm>>) target(%arg7 : memref<40x128xi32, #tpu.memory_space<vmem>>) target_semaphore(%run_scoped3A_78 : memref<!tpu.dma_semaphore, #tpu.memory_space<semaphore_mem>>)
      %dma_wait3A_83 = arith.constant 0 : i32
      %dma_wait3A_84 = tpu.memref_slice %arg3[%add3A_6, %dma_wait3A_83] : memref<2560x128xi32, #tpu.memory_space<hbm>> -> memref<40x128xi32, #tpu.memory_space<hbm>>
      %dma_wait3A_85 = arith.constant 0 : i32
      %dma_wait3A_86 = tpu.memref_slice %arg3[%add3A_6, %dma_wait3A_85] : memref<2560x128xi32, #tpu.memory_space<hbm>> -> memref<40x128xi32, #tpu.memory_space<hbm>>
      tpu.wait_dma2 semaphore(%run_scoped3A_78 : memref<!tpu.dma_semaphore, #tpu.memory_space<semaphore_mem>>) src(%dma_wait3A_86 : memref<40x128xi32, #tpu.memory_space<hbm>>) dst(%arg7 : memref<40x128xi32, #tpu.memory_space<vmem>>)
      tpu.yield
    }) : () -> ()
    "tpu.region"() ({
      %run_scoped3A_78 = tpu.sem_alloc : memref<!tpu.dma_semaphore, #tpu.memory_space<semaphore_mem>>
      %dma_start3A_79 = arith.constant 0 : i32
      %dma_start3A_80 = tpu.memref_slice %arg4[%add3A_6, %dma_start3A_79] : memref<2560x128xi32, #tpu.memory_space<hbm>> -> memref<40x128xi32, #tpu.memory_space<hbm>>
      %dma_start3A_81 = arith.constant 0 : i32
      %dma_start3A_82 = tpu.memref_slice %arg4[%add3A_6, %dma_start3A_81] : memref<2560x128xi32, #tpu.memory_space<hbm>> -> memref<40x128xi32, #tpu.memory_space<hbm>>
      tpu.enqueue_dma source(%dma_start3A_82 : memref<40x128xi32, #tpu.memory_space<hbm>>) target(%arg8 : memref<40x128xi32, #tpu.memory_space<vmem>>) target_semaphore(%run_scoped3A_78 : memref<!tpu.dma_semaphore, #tpu.memory_space<semaphore_mem>>)
      %dma_wait3A_83 = arith.constant 0 : i32
      %dma_wait3A_84 = tpu.memref_slice %arg4[%add3A_6, %dma_wait3A_83] : memref<2560x128xi32, #tpu.memory_space<hbm>> -> memref<40x128xi32, #tpu.memory_space<hbm>>
      %dma_wait3A_85 = arith.constant 0 : i32
      %dma_wait3A_86 = tpu.memref_slice %arg4[%add3A_6, %dma_wait3A_85] : memref<2560x128xi32, #tpu.memory_space<hbm>> -> memref<40x128xi32, #tpu.memory_space<hbm>>
      tpu.wait_dma2 semaphore(%run_scoped3A_78 : memref<!tpu.dma_semaphore, #tpu.memory_space<semaphore_mem>>) src(%dma_wait3A_86 : memref<40x128xi32, #tpu.memory_space<hbm>>) dst(%arg8 : memref<40x128xi32, #tpu.memory_space<vmem>>)
      tpu.yield
    }) : () -> ()
    %dma_start3A = arith.constant 0 : i32
    %dma_start3A_7 = arith.constant 0 : i32
    %dma_start3A_8 = tpu.memref_slice %arg7[%dma_start3A, %dma_start3A_7] : memref<40x128xi32, #tpu.memory_space<vmem>> -> memref<1x128xi32, #tpu.memory_space<vmem>>
    %dma_start3A_9 = tpu.memref_squeeze %dma_start3A_8 : memref<1x128xi32, #tpu.memory_space<vmem>> -> memref<128xi32, #tpu.memory_space<vmem>>
    %dma_start3A_10 = arith.constant 0 : i32
    %dma_start3A_11 = arith.constant 0 : i32
    %dma_start3A_12 = tpu.memref_slice %arg2[%dma_start3A_10, %dma_start3A_11] : memref<10240x128xf32, #tpu.memory_space<hbm>> -> memref<10240x128xf32, #tpu.memory_space<hbm>>
    tpu.enqueue_indirect_dma source(%dma_start3A_12 : memref<10240x128xf32, #tpu.memory_space<hbm>>) target(%arg9 : memref<128x128xf32, #tpu.memory_space<vmem>>) offsets(%dma_start3A_9 : memref<128xi32, #tpu.memory_space<vmem>>) semaphore(%arg12 : memref<!tpu.dma_semaphore, #tpu.memory_space<semaphore_mem>>)
    %dma_start3A_13 = arith.constant 1 : i32
    %dma_start3A_14 = arith.constant 0 : i32
    %dma_start3A_15 = tpu.memref_slice %arg7[%dma_start3A_13, %dma_start3A_14] : memref<40x128xi32, #tpu.memory_space<vmem>> -> memref<1x128xi32, #tpu.memory_space<vmem>>
    %dma_start3A_16 = tpu.memref_squeeze %dma_start3A_15 : memref<1x128xi32, #tpu.memory_space<vmem>> -> memref<128xi32, #tpu.memory_space<vmem>>
    %dma_start3A_17 = arith.constant 0 : i32
    %dma_start3A_18 = arith.constant 0 : i32
    %dma_start3A_19 = tpu.memref_slice %arg2[%dma_start3A_17, %dma_start3A_18] : memref<10240x128xf32, #tpu.memory_space<hbm>> -> memref<10240x128xf32, #tpu.memory_space<hbm>>
    tpu.enqueue_indirect_dma source(%dma_start3A_19 : memref<10240x128xf32, #tpu.memory_space<hbm>>) target(%arg10 : memref<128x128xf32, #tpu.memory_space<vmem>>) offsets(%dma_start3A_16 : memref<128xi32, #tpu.memory_space<vmem>>) semaphore(%arg13 : memref<!tpu.dma_semaphore, #tpu.memory_space<semaphore_mem>>)
    "tpu.trace_start"() <{level = 10 : i32, message = "agg_loop"}> : () -> ()
    %scan3A = arith.constant 0 : i32
    %scan3A_20 = arith.constant 0 : i32
    %scan3A_21 = arith.constant 19 : i32
    %scan3A_22 = arith.addi %scan3A_20, %scan3A_21 : i32
    %scan3A_23 = arith.constant 1 : i32
    scf.for %scan3A_78 = %scan3A_20 to %scan3A_22 step %scan3A_23  : i32 {
      %mul3A_79 = arith.constant 2 : i32
      %mul3A_80 = arith.muli %mul3A_79, %scan3A_78 : i32
      %add3A_81 = arith.constant 1 : i32
      %add3A_82 = arith.addi %mul3A_80, %add3A_81 : i32
      %dma_wait3A_83 = arith.constant 0 : i32
      %dma_wait3A_84 = tpu.memref_slice %arg7[%mul3A_80, %dma_wait3A_83] : memref<40x128xi32, #tpu.memory_space<vmem>> -> memref<1x128xi32, #tpu.memory_space<vmem>>
      %dma_wait3A_85 = tpu.memref_squeeze %dma_wait3A_84 : memref<1x128xi32, #tpu.memory_space<vmem>> -> memref<128xi32, #tpu.memory_space<vmem>>
      %dma_wait3A_86 = arith.constant 0 : i32
      %dma_wait3A_87 = arith.constant 0 : i32
      %dma_wait3A_88 = tpu.memref_slice %arg2[%dma_wait3A_86, %dma_wait3A_87] : memref<10240x128xf32, #tpu.memory_space<hbm>> -> memref<10240x128xf32, #tpu.memory_space<hbm>>
      tpu.wait_indirect_dma semaphore(%arg12 : memref<!tpu.dma_semaphore, #tpu.memory_space<semaphore_mem>>) src(%dma_wait3A_88 : memref<10240x128xf32, #tpu.memory_space<hbm>>) dst(%arg9 : memref<128x128xf32, #tpu.memory_space<vmem>>)
      "tpu.region"() ({
        %run_scoped3A_111 = tpu.sem_alloc : memref<!tpu.dma_semaphore, #tpu.memory_space<semaphore_mem>>
        %dma_start3A_112 = arith.constant 0 : i32
        %dma_start3A_113 = tpu.memref_slice %arg8[%mul3A_80, %dma_start3A_112] : memref<40x128xi32, #tpu.memory_space<vmem>> -> memref<1x128xi32, #tpu.memory_space<vmem>>
        %dma_start3A_114 = tpu.memref_squeeze %dma_start3A_113 : memref<1x128xi32, #tpu.memory_space<vmem>> -> memref<128xi32, #tpu.memory_space<vmem>>
        %dma_start3A_115 = arith.constant 0 : i32
        %dma_start3A_116 = arith.constant 0 : i32
        %dma_start3A_117 = tpu.memref_slice %arg11[%dma_start3A_115, %dma_start3A_116] : memref<10240x128xf32, #tpu.memory_space<vmem_shared>> -> memref<10240x128xf32, #tpu.memory_space<vmem_shared>>
        tpu.enqueue_indirect_dma source(%arg9 : memref<128x128xf32, #tpu.memory_space<vmem>>) target(%dma_start3A_117 : memref<10240x128xf32, #tpu.memory_space<vmem_shared>>) offsets(%dma_start3A_114 : memref<128xi32, #tpu.memory_space<vmem>>) semaphore(%run_scoped3A_111 : memref<!tpu.dma_semaphore, #tpu.memory_space<semaphore_mem>>) {add = true}
        %dma_wait3A_118 = arith.constant 0 : i32
        %dma_wait3A_119 = tpu.memref_slice %arg8[%mul3A_80, %dma_wait3A_118] : memref<40x128xi32, #tpu.memory_space<vmem>> -> memref<1x128xi32, #tpu.memory_space<vmem>>
        %dma_wait3A_120 = tpu.memref_squeeze %dma_wait3A_119 : memref<1x128xi32, #tpu.memory_space<vmem>> -> memref<128xi32, #tpu.memory_space<vmem>>
        %dma_wait3A_121 = arith.constant 0 : i32
        %dma_wait3A_122 = arith.constant 0 : i32
        %dma_wait3A_123 = tpu.memref_slice %arg11[%dma_wait3A_121, %dma_wait3A_122] : memref<10240x128xf32, #tpu.memory_space<vmem_shared>> -> memref<10240x128xf32, #tpu.memory_space<vmem_shared>>
        tpu.wait_indirect_dma semaphore(%run_scoped3A_111 : memref<!tpu.dma_semaphore, #tpu.memory_space<semaphore_mem>>) src(%arg9 : memref<128x128xf32, #tpu.memory_space<vmem>>) dst(%dma_wait3A_123 : memref<10240x128xf32, #tpu.memory_space<vmem_shared>>)
        tpu.yield
      }) : () -> ()
      %add3A_89 = arith.constant 2 : i32
      %add3A_90 = arith.addi %mul3A_80, %add3A_89 : i32
      %dma_start3A_91 = arith.constant 0 : i32
      %dma_start3A_92 = tpu.memref_slice %arg7[%add3A_90, %dma_start3A_91] : memref<40x128xi32, #tpu.memory_space<vmem>> -> memref<1x128xi32, #tpu.memory_space<vmem>>
      %dma_start3A_93 = tpu.memref_squeeze %dma_start3A_92 : memref<1x128xi32, #tpu.memory_space<vmem>> -> memref<128xi32, #tpu.memory_space<vmem>>
      %dma_start3A_94 = arith.constant 0 : i32
      %dma_start3A_95 = arith.constant 0 : i32
      %dma_start3A_96 = tpu.memref_slice %arg2[%dma_start3A_94, %dma_start3A_95] : memref<10240x128xf32, #tpu.memory_space<hbm>> -> memref<10240x128xf32, #tpu.memory_space<hbm>>
      tpu.enqueue_indirect_dma source(%dma_start3A_96 : memref<10240x128xf32, #tpu.memory_space<hbm>>) target(%arg9 : memref<128x128xf32, #tpu.memory_space<vmem>>) offsets(%dma_start3A_93 : memref<128xi32, #tpu.memory_space<vmem>>) semaphore(%arg12 : memref<!tpu.dma_semaphore, #tpu.memory_space<semaphore_mem>>)
      %dma_wait3A_97 = arith.constant 0 : i32
      %dma_wait3A_98 = tpu.memref_slice %arg7[%add3A_82, %dma_wait3A_97] : memref<40x128xi32, #tpu.memory_space<vmem>> -> memref<1x128xi32, #tpu.memory_space<vmem>>
      %dma_wait3A_99 = tpu.memref_squeeze %dma_wait3A_98 : memref<1x128xi32, #tpu.memory_space<vmem>> -> memref<128xi32, #tpu.memory_space<vmem>>
      %dma_wait3A_100 = arith.constant 0 : i32
      %dma_wait3A_101 = arith.constant 0 : i32
      %dma_wait3A_102 = tpu.memref_slice %arg2[%dma_wait3A_100, %dma_wait3A_101] : memref<10240x128xf32, #tpu.memory_space<hbm>> -> memref<10240x128xf32, #tpu.memory_space<hbm>>
      tpu.wait_indirect_dma semaphore(%arg13 : memref<!tpu.dma_semaphore, #tpu.memory_space<semaphore_mem>>) src(%dma_wait3A_102 : memref<10240x128xf32, #tpu.memory_space<hbm>>) dst(%arg10 : memref<128x128xf32, #tpu.memory_space<vmem>>)
      "tpu.region"() ({
        %run_scoped3A_111 = tpu.sem_alloc : memref<!tpu.dma_semaphore, #tpu.memory_space<semaphore_mem>>
        %dma_start3A_112 = arith.constant 0 : i32
        %dma_start3A_113 = tpu.memref_slice %arg8[%add3A_82, %dma_start3A_112] : memref<40x128xi32, #tpu.memory_space<vmem>> -> memref<1x128xi32, #tpu.memory_space<vmem>>
        %dma_start3A_114 = tpu.memref_squeeze %dma_start3A_113 : memref<1x128xi32, #tpu.memory_space<vmem>> -> memref<128xi32, #tpu.memory_space<vmem>>
        %dma_start3A_115 = arith.constant 0 : i32
        %dma_start3A_116 = arith.constant 0 : i32
        %dma_start3A_117 = tpu.memref_slice %arg11[%dma_start3A_115, %dma_start3A_116] : memref<10240x128xf32, #tpu.memory_space<vmem_shared>> -> memref<10240x128xf32, #tpu.memory_space<vmem_shared>>
        tpu.enqueue_indirect_dma source(%arg10 : memref<128x128xf32, #tpu.memory_space<vmem>>) target(%dma_start3A_117 : memref<10240x128xf32, #tpu.memory_space<vmem_shared>>) offsets(%dma_start3A_114 : memref<128xi32, #tpu.memory_space<vmem>>) semaphore(%run_scoped3A_111 : memref<!tpu.dma_semaphore, #tpu.memory_space<semaphore_mem>>) {add = true}
        %dma_wait3A_118 = arith.constant 0 : i32
        %dma_wait3A_119 = tpu.memref_slice %arg8[%add3A_82, %dma_wait3A_118] : memref<40x128xi32, #tpu.memory_space<vmem>> -> memref<1x128xi32, #tpu.memory_space<vmem>>
        %dma_wait3A_120 = tpu.memref_squeeze %dma_wait3A_119 : memref<1x128xi32, #tpu.memory_space<vmem>> -> memref<128xi32, #tpu.memory_space<vmem>>
        %dma_wait3A_121 = arith.constant 0 : i32
        %dma_wait3A_122 = arith.constant 0 : i32
        %dma_wait3A_123 = tpu.memref_slice %arg11[%dma_wait3A_121, %dma_wait3A_122] : memref<10240x128xf32, #tpu.memory_space<vmem_shared>> -> memref<10240x128xf32, #tpu.memory_space<vmem_shared>>
        tpu.wait_indirect_dma semaphore(%run_scoped3A_111 : memref<!tpu.dma_semaphore, #tpu.memory_space<semaphore_mem>>) src(%arg10 : memref<128x128xf32, #tpu.memory_space<vmem>>) dst(%dma_wait3A_123 : memref<10240x128xf32, #tpu.memory_space<vmem_shared>>)
        tpu.yield
      }) : () -> ()
      %add3A_103 = arith.constant 2 : i32
      %add3A_104 = arith.addi %add3A_82, %add3A_103 : i32
      %dma_start3A_105 = arith.constant 0 : i32
      %dma_start3A_106 = tpu.memref_slice %arg7[%add3A_104, %dma_start3A_105] : memref<40x128xi32, #tpu.memory_space<vmem>> -> memref<1x128xi32, #tpu.memory_space<vmem>>
      %dma_start3A_107 = tpu.memref_squeeze %dma_start3A_106 : memref<1x128xi32, #tpu.memory_space<vmem>> -> memref<128xi32, #tpu.memory_space<vmem>>
      %dma_start3A_108 = arith.constant 0 : i32
      %dma_start3A_109 = arith.constant 0 : i32
      %dma_start3A_110 = tpu.memref_slice %arg2[%dma_start3A_108, %dma_start3A_109] : memref<10240x128xf32, #tpu.memory_space<hbm>> -> memref<10240x128xf32, #tpu.memory_space<hbm>>
      tpu.enqueue_indirect_dma source(%dma_start3A_110 : memref<10240x128xf32, #tpu.memory_space<hbm>>) target(%arg10 : memref<128x128xf32, #tpu.memory_space<vmem>>) offsets(%dma_start3A_107 : memref<128xi32, #tpu.memory_space<vmem>>) semaphore(%arg13 : memref<!tpu.dma_semaphore, #tpu.memory_space<semaphore_mem>>)
    }
    %scan3A_24 = arith.constant 19 : i32
    %dma_wait3A = arith.constant 38 : i32
    "tpu.trace_stop"() : () -> ()
    %dma_wait3A_25 = arith.constant 0 : i32
    %dma_wait3A_26 = tpu.memref_slice %arg7[%dma_wait3A, %dma_wait3A_25] : memref<40x128xi32, #tpu.memory_space<vmem>> -> memref<1x128xi32, #tpu.memory_space<vmem>>
    %dma_wait3A_27 = tpu.memref_squeeze %dma_wait3A_26 : memref<1x128xi32, #tpu.memory_space<vmem>> -> memref<128xi32, #tpu.memory_space<vmem>>
    %dma_wait3A_28 = arith.constant 0 : i32
    %dma_wait3A_29 = arith.constant 0 : i32
    %dma_wait3A_30 = tpu.memref_slice %arg2[%dma_wait3A_28, %dma_wait3A_29] : memref<10240x128xf32, #tpu.memory_space<hbm>> -> memref<10240x128xf32, #tpu.memory_space<hbm>>
    tpu.wait_indirect_dma semaphore(%arg12 : memref<!tpu.dma_semaphore, #tpu.memory_space<semaphore_mem>>) src(%dma_wait3A_30 : memref<10240x128xf32, #tpu.memory_space<hbm>>) dst(%arg9 : memref<128x128xf32, #tpu.memory_space<vmem>>)
    %run_scoped3A = arith.constant 38 : i32
    "tpu.region"() ({
      %run_scoped3A_78 = tpu.sem_alloc : memref<!tpu.dma_semaphore, #tpu.memory_space<semaphore_mem>>
      %dma_start3A_79 = arith.constant 0 : i32
      %dma_start3A_80 = tpu.memref_slice %arg8[%run_scoped3A, %dma_start3A_79] : memref<40x128xi32, #tpu.memory_space<vmem>> -> memref<1x128xi32, #tpu.memory_space<vmem>>
      %dma_start3A_81 = tpu.memref_squeeze %dma_start3A_80 : memref<1x128xi32, #tpu.memory_space<vmem>> -> memref<128xi32, #tpu.memory_space<vmem>>
      %dma_start3A_82 = arith.constant 0 : i32
      %dma_start3A_83 = arith.constant 0 : i32
      %dma_start3A_84 = tpu.memref_slice %arg11[%dma_start3A_82, %dma_start3A_83] : memref<10240x128xf32, #tpu.memory_space<vmem_shared>> -> memref<10240x128xf32, #tpu.memory_space<vmem_shared>>
      tpu.enqueue_indirect_dma source(%arg9 : memref<128x128xf32, #tpu.memory_space<vmem>>) target(%dma_start3A_84 : memref<10240x128xf32, #tpu.memory_space<vmem_shared>>) offsets(%dma_start3A_81 : memref<128xi32, #tpu.memory_space<vmem>>) semaphore(%run_scoped3A_78 : memref<!tpu.dma_semaphore, #tpu.memory_space<semaphore_mem>>) {add = true}
      %dma_wait3A_85 = arith.constant 0 : i32
      %dma_wait3A_86 = tpu.memref_slice %arg8[%run_scoped3A, %dma_wait3A_85] : memref<40x128xi32, #tpu.memory_space<vmem>> -> memref<1x128xi32, #tpu.memory_space<vmem>>
      %dma_wait3A_87 = tpu.memref_squeeze %dma_wait3A_86 : memref<1x128xi32, #tpu.memory_space<vmem>> -> memref<128xi32, #tpu.memory_space<vmem>>
      %dma_wait3A_88 = arith.constant 0 : i32
      %dma_wait3A_89 = arith.constant 0 : i32
      %dma_wait3A_90 = tpu.memref_slice %arg11[%dma_wait3A_88, %dma_wait3A_89] : memref<10240x128xf32, #tpu.memory_space<vmem_shared>> -> memref<10240x128xf32, #tpu.memory_space<vmem_shared>>
      tpu.wait_indirect_dma semaphore(%run_scoped3A_78 : memref<!tpu.dma_semaphore, #tpu.memory_space<semaphore_mem>>) src(%arg9 : memref<128x128xf32, #tpu.memory_space<vmem>>) dst(%dma_wait3A_90 : memref<10240x128xf32, #tpu.memory_space<vmem_shared>>)
      tpu.yield
    }) : () -> ()
    %dma_wait3A_31 = arith.constant 39 : i32
    %dma_wait3A_32 = arith.constant 0 : i32
    %dma_wait3A_33 = tpu.memref_slice %arg7[%dma_wait3A_31, %dma_wait3A_32] : memref<40x128xi32, #tpu.memory_space<vmem>> -> memref<1x128xi32, #tpu.memory_space<vmem>>
    %dma_wait3A_34 = tpu.memref_squeeze %dma_wait3A_33 : memref<1x128xi32, #tpu.memory_space<vmem>> -> memref<128xi32, #tpu.memory_space<vmem>>
    %dma_wait3A_35 = arith.constant 0 : i32
    %dma_wait3A_36 = arith.constant 0 : i32
    %dma_wait3A_37 = tpu.memref_slice %arg2[%dma_wait3A_35, %dma_wait3A_36] : memref<10240x128xf32, #tpu.memory_space<hbm>> -> memref<10240x128xf32, #tpu.memory_space<hbm>>
    tpu.wait_indirect_dma semaphore(%arg13 : memref<!tpu.dma_semaphore, #tpu.memory_space<semaphore_mem>>) src(%dma_wait3A_37 : memref<10240x128xf32, #tpu.memory_space<hbm>>) dst(%arg10 : memref<128x128xf32, #tpu.memory_space<vmem>>)
    %run_scoped3A_38 = arith.constant 39 : i32
    "tpu.region"() ({
      %run_scoped3A_78 = tpu.sem_alloc : memref<!tpu.dma_semaphore, #tpu.memory_space<semaphore_mem>>
      %dma_start3A_79 = arith.constant 0 : i32
      %dma_start3A_80 = tpu.memref_slice %arg8[%run_scoped3A_38, %dma_start3A_79] : memref<40x128xi32, #tpu.memory_space<vmem>> -> memref<1x128xi32, #tpu.memory_space<vmem>>
      %dma_start3A_81 = tpu.memref_squeeze %dma_start3A_80 : memref<1x128xi32, #tpu.memory_space<vmem>> -> memref<128xi32, #tpu.memory_space<vmem>>
      %dma_start3A_82 = arith.constant 0 : i32
      %dma_start3A_83 = arith.constant 0 : i32
      %dma_start3A_84 = tpu.memref_slice %arg11[%dma_start3A_82, %dma_start3A_83] : memref<10240x128xf32, #tpu.memory_space<vmem_shared>> -> memref<10240x128xf32, #tpu.memory_space<vmem_shared>>
      tpu.enqueue_indirect_dma source(%arg10 : memref<128x128xf32, #tpu.memory_space<vmem>>) target(%dma_start3A_84 : memref<10240x128xf32, #tpu.memory_space<vmem_shared>>) offsets(%dma_start3A_81 : memref<128xi32, #tpu.memory_space<vmem>>) semaphore(%run_scoped3A_78 : memref<!tpu.dma_semaphore, #tpu.memory_space<semaphore_mem>>) {add = true}
      %dma_wait3A_85 = arith.constant 0 : i32
      %dma_wait3A_86 = tpu.memref_slice %arg8[%run_scoped3A_38, %dma_wait3A_85] : memref<40x128xi32, #tpu.memory_space<vmem>> -> memref<1x128xi32, #tpu.memory_space<vmem>>
      %dma_wait3A_87 = tpu.memref_squeeze %dma_wait3A_86 : memref<1x128xi32, #tpu.memory_space<vmem>> -> memref<128xi32, #tpu.memory_space<vmem>>
      %dma_wait3A_88 = arith.constant 0 : i32
      %dma_wait3A_89 = arith.constant 0 : i32
      %dma_wait3A_90 = tpu.memref_slice %arg11[%dma_wait3A_88, %dma_wait3A_89] : memref<10240x128xf32, #tpu.memory_space<vmem_shared>> -> memref<10240x128xf32, #tpu.memory_space<vmem_shared>>
      tpu.wait_indirect_dma semaphore(%run_scoped3A_78 : memref<!tpu.dma_semaphore, #tpu.memory_space<semaphore_mem>>) src(%arg10 : memref<128x128xf32, #tpu.memory_space<vmem>>) dst(%dma_wait3A_90 : memref<10240x128xf32, #tpu.memory_space<vmem_shared>>)
      tpu.yield
    }) : () -> ()
    %add3A_39 = arith.constant 40 : i32
    %add3A_40 = arith.addi %mul3A_4, %add3A_39 : i32
    "tpu.region"() ({
      %run_scoped3A_78 = tpu.sem_alloc : memref<!tpu.dma_semaphore, #tpu.memory_space<semaphore_mem>>
      %dma_start3A_79 = arith.constant 0 : i32
      %dma_start3A_80 = tpu.memref_slice %arg3[%add3A_40, %dma_start3A_79] : memref<2560x128xi32, #tpu.memory_space<hbm>> -> memref<40x128xi32, #tpu.memory_space<hbm>>
      %dma_start3A_81 = arith.constant 0 : i32
      %dma_start3A_82 = tpu.memref_slice %arg3[%add3A_40, %dma_start3A_81] : memref<2560x128xi32, #tpu.memory_space<hbm>> -> memref<40x128xi32, #tpu.memory_space<hbm>>
      tpu.enqueue_dma source(%dma_start3A_82 : memref<40x128xi32, #tpu.memory_space<hbm>>) target(%arg7 : memref<40x128xi32, #tpu.memory_space<vmem>>) target_semaphore(%run_scoped3A_78 : memref<!tpu.dma_semaphore, #tpu.memory_space<semaphore_mem>>)
      %dma_wait3A_83 = arith.constant 0 : i32
      %dma_wait3A_84 = tpu.memref_slice %arg3[%add3A_40, %dma_wait3A_83] : memref<2560x128xi32, #tpu.memory_space<hbm>> -> memref<40x128xi32, #tpu.memory_space<hbm>>
      %dma_wait3A_85 = arith.constant 0 : i32
      %dma_wait3A_86 = tpu.memref_slice %arg3[%add3A_40, %dma_wait3A_85] : memref<2560x128xi32, #tpu.memory_space<hbm>> -> memref<40x128xi32, #tpu.memory_space<hbm>>
      tpu.wait_dma2 semaphore(%run_scoped3A_78 : memref<!tpu.dma_semaphore, #tpu.memory_space<semaphore_mem>>) src(%dma_wait3A_86 : memref<40x128xi32, #tpu.memory_space<hbm>>) dst(%arg7 : memref<40x128xi32, #tpu.memory_space<vmem>>)
      tpu.yield
    }) : () -> ()
    "tpu.region"() ({
      %run_scoped3A_78 = tpu.sem_alloc : memref<!tpu.dma_semaphore, #tpu.memory_space<semaphore_mem>>
      %dma_start3A_79 = arith.constant 0 : i32
      %dma_start3A_80 = tpu.memref_slice %arg4[%add3A_40, %dma_start3A_79] : memref<2560x128xi32, #tpu.memory_space<hbm>> -> memref<40x128xi32, #tpu.memory_space<hbm>>
      %dma_start3A_81 = arith.constant 0 : i32
      %dma_start3A_82 = tpu.memref_slice %arg4[%add3A_40, %dma_start3A_81] : memref<2560x128xi32, #tpu.memory_space<hbm>> -> memref<40x128xi32, #tpu.memory_space<hbm>>
      tpu.enqueue_dma source(%dma_start3A_82 : memref<40x128xi32, #tpu.memory_space<hbm>>) target(%arg8 : memref<40x128xi32, #tpu.memory_space<vmem>>) target_semaphore(%run_scoped3A_78 : memref<!tpu.dma_semaphore, #tpu.memory_space<semaphore_mem>>)
      %dma_wait3A_83 = arith.constant 0 : i32
      %dma_wait3A_84 = tpu.memref_slice %arg4[%add3A_40, %dma_wait3A_83] : memref<2560x128xi32, #tpu.memory_space<hbm>> -> memref<40x128xi32, #tpu.memory_space<hbm>>
      %dma_wait3A_85 = arith.constant 0 : i32
      %dma_wait3A_86 = tpu.memref_slice %arg4[%add3A_40, %dma_wait3A_85] : memref<2560x128xi32, #tpu.memory_space<hbm>> -> memref<40x128xi32, #tpu.memory_space<hbm>>
      tpu.wait_dma2 semaphore(%run_scoped3A_78 : memref<!tpu.dma_semaphore, #tpu.memory_space<semaphore_mem>>) src(%dma_wait3A_86 : memref<40x128xi32, #tpu.memory_space<hbm>>) dst(%arg8 : memref<40x128xi32, #tpu.memory_space<vmem>>)
      tpu.yield
    }) : () -> ()
    %dma_start3A_41 = arith.constant 0 : i32
    %dma_start3A_42 = arith.constant 0 : i32
    %dma_start3A_43 = tpu.memref_slice %arg7[%dma_start3A_41, %dma_start3A_42] : memref<40x128xi32, #tpu.memory_space<vmem>> -> memref<1x128xi32, #tpu.memory_space<vmem>>
    %dma_start3A_44 = tpu.memref_squeeze %dma_start3A_43 : memref<1x128xi32, #tpu.memory_space<vmem>> -> memref<128xi32, #tpu.memory_space<vmem>>
    %dma_start3A_45 = arith.constant 0 : i32
    %dma_start3A_46 = arith.constant 0 : i32
    %dma_start3A_47 = tpu.memref_slice %arg2[%dma_start3A_45, %dma_start3A_46] : memref<10240x128xf32, #tpu.memory_space<hbm>> -> memref<10240x128xf32, #tpu.memory_space<hbm>>
    tpu.enqueue_indirect_dma source(%dma_start3A_47 : memref<10240x128xf32, #tpu.memory_space<hbm>>) target(%arg9 : memref<128x128xf32, #tpu.memory_space<vmem>>) offsets(%dma_start3A_44 : memref<128xi32, #tpu.memory_space<vmem>>) semaphore(%arg12 : memref<!tpu.dma_semaphore, #tpu.memory_space<semaphore_mem>>)
    %dma_start3A_48 = arith.constant 1 : i32
    %dma_start3A_49 = arith.constant 0 : i32
    %dma_start3A_50 = tpu.memref_slice %arg7[%dma_start3A_48, %dma_start3A_49] : memref<40x128xi32, #tpu.memory_space<vmem>> -> memref<1x128xi32, #tpu.memory_space<vmem>>
    %dma_start3A_51 = tpu.memref_squeeze %dma_start3A_50 : memref<1x128xi32, #tpu.memory_space<vmem>> -> memref<128xi32, #tpu.memory_space<vmem>>
    %dma_start3A_52 = arith.constant 0 : i32
    %dma_start3A_53 = arith.constant 0 : i32
    %dma_start3A_54 = tpu.memref_slice %arg2[%dma_start3A_52, %dma_start3A_53] : memref<10240x128xf32, #tpu.memory_space<hbm>> -> memref<10240x128xf32, #tpu.memory_space<hbm>>
    tpu.enqueue_indirect_dma source(%dma_start3A_54 : memref<10240x128xf32, #tpu.memory_space<hbm>>) target(%arg10 : memref<128x128xf32, #tpu.memory_space<vmem>>) offsets(%dma_start3A_51 : memref<128xi32, #tpu.memory_space<vmem>>) semaphore(%arg13 : memref<!tpu.dma_semaphore, #tpu.memory_space<semaphore_mem>>)
    "tpu.trace_start"() <{level = 10 : i32, message = "agg_loop"}> : () -> ()
    %scan3A_55 = arith.constant 0 : i32
    %scan3A_56 = arith.constant 0 : i32
    %scan3A_57 = arith.constant 19 : i32
    %scan3A_58 = arith.addi %scan3A_56, %scan3A_57 : i32
    %scan3A_59 = arith.constant 1 : i32
    scf.for %scan3A_78 = %scan3A_56 to %scan3A_58 step %scan3A_59  : i32 {
      %mul3A_79 = arith.constant 2 : i32
      %mul3A_80 = arith.muli %mul3A_79, %scan3A_78 : i32
      %add3A_81 = arith.constant 1 : i32
      %add3A_82 = arith.addi %mul3A_80, %add3A_81 : i32
      %dma_wait3A_83 = arith.constant 0 : i32
      %dma_wait3A_84 = tpu.memref_slice %arg7[%mul3A_80, %dma_wait3A_83] : memref<40x128xi32, #tpu.memory_space<vmem>> -> memref<1x128xi32, #tpu.memory_space<vmem>>
      %dma_wait3A_85 = tpu.memref_squeeze %dma_wait3A_84 : memref<1x128xi32, #tpu.memory_space<vmem>> -> memref<128xi32, #tpu.memory_space<vmem>>
      %dma_wait3A_86 = arith.constant 0 : i32
      %dma_wait3A_87 = arith.constant 0 : i32
      %dma_wait3A_88 = tpu.memref_slice %arg2[%dma_wait3A_86, %dma_wait3A_87] : memref<10240x128xf32, #tpu.memory_space<hbm>> -> memref<10240x128xf32, #tpu.memory_space<hbm>>
      tpu.wait_indirect_dma semaphore(%arg12 : memref<!tpu.dma_semaphore, #tpu.memory_space<semaphore_mem>>) src(%dma_wait3A_88 : memref<10240x128xf32, #tpu.memory_space<hbm>>) dst(%arg9 : memref<128x128xf32, #tpu.memory_space<vmem>>)
      "tpu.region"() ({
        %run_scoped3A_111 = tpu.sem_alloc : memref<!tpu.dma_semaphore, #tpu.memory_space<semaphore_mem>>
        %dma_start3A_112 = arith.constant 0 : i32
        %dma_start3A_113 = tpu.memref_slice %arg8[%mul3A_80, %dma_start3A_112] : memref<40x128xi32, #tpu.memory_space<vmem>> -> memref<1x128xi32, #tpu.memory_space<vmem>>
        %dma_start3A_114 = tpu.memref_squeeze %dma_start3A_113 : memref<1x128xi32, #tpu.memory_space<vmem>> -> memref<128xi32, #tpu.memory_space<vmem>>
        %dma_start3A_115 = arith.constant 0 : i32
        %dma_start3A_116 = arith.constant 0 : i32
        %dma_start3A_117 = tpu.memref_slice %arg11[%dma_start3A_115, %dma_start3A_116] : memref<10240x128xf32, #tpu.memory_space<vmem_shared>> -> memref<10240x128xf32, #tpu.memory_space<vmem_shared>>
        tpu.enqueue_indirect_dma source(%arg9 : memref<128x128xf32, #tpu.memory_space<vmem>>) target(%dma_start3A_117 : memref<10240x128xf32, #tpu.memory_space<vmem_shared>>) offsets(%dma_start3A_114 : memref<128xi32, #tpu.memory_space<vmem>>) semaphore(%run_scoped3A_111 : memref<!tpu.dma_semaphore, #tpu.memory_space<semaphore_mem>>) {add = true}
        %dma_wait3A_118 = arith.constant 0 : i32
        %dma_wait3A_119 = tpu.memref_slice %arg8[%mul3A_80, %dma_wait3A_118] : memref<40x128xi32, #tpu.memory_space<vmem>> -> memref<1x128xi32, #tpu.memory_space<vmem>>
        %dma_wait3A_120 = tpu.memref_squeeze %dma_wait3A_119 : memref<1x128xi32, #tpu.memory_space<vmem>> -> memref<128xi32, #tpu.memory_space<vmem>>
        %dma_wait3A_121 = arith.constant 0 : i32
        %dma_wait3A_122 = arith.constant 0 : i32
        %dma_wait3A_123 = tpu.memref_slice %arg11[%dma_wait3A_121, %dma_wait3A_122] : memref<10240x128xf32, #tpu.memory_space<vmem_shared>> -> memref<10240x128xf32, #tpu.memory_space<vmem_shared>>
        tpu.wait_indirect_dma semaphore(%run_scoped3A_111 : memref<!tpu.dma_semaphore, #tpu.memory_space<semaphore_mem>>) src(%arg9 : memref<128x128xf32, #tpu.memory_space<vmem>>) dst(%dma_wait3A_123 : memref<10240x128xf32, #tpu.memory_space<vmem_shared>>)
        tpu.yield
      }) : () -> ()
      %add3A_89 = arith.constant 2 : i32
      %add3A_90 = arith.addi %mul3A_80, %add3A_89 : i32
      %dma_start3A_91 = arith.constant 0 : i32
      %dma_start3A_92 = tpu.memref_slice %arg7[%add3A_90, %dma_start3A_91] : memref<40x128xi32, #tpu.memory_space<vmem>> -> memref<1x128xi32, #tpu.memory_space<vmem>>
      %dma_start3A_93 = tpu.memref_squeeze %dma_start3A_92 : memref<1x128xi32, #tpu.memory_space<vmem>> -> memref<128xi32, #tpu.memory_space<vmem>>
      %dma_start3A_94 = arith.constant 0 : i32
      %dma_start3A_95 = arith.constant 0 : i32
      %dma_start3A_96 = tpu.memref_slice %arg2[%dma_start3A_94, %dma_start3A_95] : memref<10240x128xf32, #tpu.memory_space<hbm>> -> memref<10240x128xf32, #tpu.memory_space<hbm>>
      tpu.enqueue_indirect_dma source(%dma_start3A_96 : memref<10240x128xf32, #tpu.memory_space<hbm>>) target(%arg9 : memref<128x128xf32, #tpu.memory_space<vmem>>) offsets(%dma_start3A_93 : memref<128xi32, #tpu.memory_space<vmem>>) semaphore(%arg12 : memref<!tpu.dma_semaphore, #tpu.memory_space<semaphore_mem>>)
      %dma_wait3A_97 = arith.constant 0 : i32
      %dma_wait3A_98 = tpu.memref_slice %arg7[%add3A_82, %dma_wait3A_97] : memref<40x128xi32, #tpu.memory_space<vmem>> -> memref<1x128xi32, #tpu.memory_space<vmem>>
      %dma_wait3A_99 = tpu.memref_squeeze %dma_wait3A_98 : memref<1x128xi32, #tpu.memory_space<vmem>> -> memref<128xi32, #tpu.memory_space<vmem>>
      %dma_wait3A_100 = arith.constant 0 : i32
      %dma_wait3A_101 = arith.constant 0 : i32
      %dma_wait3A_102 = tpu.memref_slice %arg2[%dma_wait3A_100, %dma_wait3A_101] : memref<10240x128xf32, #tpu.memory_space<hbm>> -> memref<10240x128xf32, #tpu.memory_space<hbm>>
      tpu.wait_indirect_dma semaphore(%arg13 : memref<!tpu.dma_semaphore, #tpu.memory_space<semaphore_mem>>) src(%dma_wait3A_102 : memref<10240x128xf32, #tpu.memory_space<hbm>>) dst(%arg10 : memref<128x128xf32, #tpu.memory_space<vmem>>)
      "tpu.region"() ({
        %run_scoped3A_111 = tpu.sem_alloc : memref<!tpu.dma_semaphore, #tpu.memory_space<semaphore_mem>>
        %dma_start3A_112 = arith.constant 0 : i32
        %dma_start3A_113 = tpu.memref_slice %arg8[%add3A_82, %dma_start3A_112] : memref<40x128xi32, #tpu.memory_space<vmem>> -> memref<1x128xi32, #tpu.memory_space<vmem>>
        %dma_start3A_114 = tpu.memref_squeeze %dma_start3A_113 : memref<1x128xi32, #tpu.memory_space<vmem>> -> memref<128xi32, #tpu.memory_space<vmem>>
        %dma_start3A_115 = arith.constant 0 : i32
        %dma_start3A_116 = arith.constant 0 : i32
        %dma_start3A_117 = tpu.memref_slice %arg11[%dma_start3A_115, %dma_start3A_116] : memref<10240x128xf32, #tpu.memory_space<vmem_shared>> -> memref<10240x128xf32, #tpu.memory_space<vmem_shared>>
        tpu.enqueue_indirect_dma source(%arg10 : memref<128x128xf32, #tpu.memory_space<vmem>>) target(%dma_start3A_117 : memref<10240x128xf32, #tpu.memory_space<vmem_shared>>) offsets(%dma_start3A_114 : memref<128xi32, #tpu.memory_space<vmem>>) semaphore(%run_scoped3A_111 : memref<!tpu.dma_semaphore, #tpu.memory_space<semaphore_mem>>) {add = true}
        %dma_wait3A_118 = arith.constant 0 : i32
        %dma_wait3A_119 = tpu.memref_slice %arg8[%add3A_82, %dma_wait3A_118] : memref<40x128xi32, #tpu.memory_space<vmem>> -> memref<1x128xi32, #tpu.memory_space<vmem>>
        %dma_wait3A_120 = tpu.memref_squeeze %dma_wait3A_119 : memref<1x128xi32, #tpu.memory_space<vmem>> -> memref<128xi32, #tpu.memory_space<vmem>>
        %dma_wait3A_121 = arith.constant 0 : i32
        %dma_wait3A_122 = arith.constant 0 : i32
        %dma_wait3A_123 = tpu.memref_slice %arg11[%dma_wait3A_121, %dma_wait3A_122] : memref<10240x128xf32, #tpu.memory_space<vmem_shared>> -> memref<10240x128xf32, #tpu.memory_space<vmem_shared>>
        tpu.wait_indirect_dma semaphore(%run_scoped3A_111 : memref<!tpu.dma_semaphore, #tpu.memory_space<semaphore_mem>>) src(%arg10 : memref<128x128xf32, #tpu.memory_space<vmem>>) dst(%dma_wait3A_123 : memref<10240x128xf32, #tpu.memory_space<vmem_shared>>)
        tpu.yield
      }) : () -> ()
      %add3A_103 = arith.constant 2 : i32
      %add3A_104 = arith.addi %add3A_82, %add3A_103 : i32
      %dma_start3A_105 = arith.constant 0 : i32
      %dma_start3A_106 = tpu.memref_slice %arg7[%add3A_104, %dma_start3A_105] : memref<40x128xi32, #tpu.memory_space<vmem>> -> memref<1x128xi32, #tpu.memory_space<vmem>>
      %dma_start3A_107 = tpu.memref_squeeze %dma_start3A_106 : memref<1x128xi32, #tpu.memory_space<vmem>> -> memref<128xi32, #tpu.memory_space<vmem>>
      %dma_start3A_108 = arith.constant 0 : i32
      %dma_start3A_109 = arith.constant 0 : i32
      %dma_start3A_110 = tpu.memref_slice %arg2[%dma_start3A_108, %dma_start3A_109] : memref<10240x128xf32, #tpu.memory_space<hbm>> -> memref<10240x128xf32, #tpu.memory_space<hbm>>
      tpu.enqueue_indirect_dma source(%dma_start3A_110 : memref<10240x128xf32, #tpu.memory_space<hbm>>) target(%arg10 : memref<128x128xf32, #tpu.memory_space<vmem>>) offsets(%dma_start3A_107 : memref<128xi32, #tpu.memory_space<vmem>>) semaphore(%arg13 : memref<!tpu.dma_semaphore, #tpu.memory_space<semaphore_mem>>)
    }
    %scan3A_60 = arith.constant 19 : i32
    %dma_wait3A_61 = arith.constant 38 : i32
    "tpu.trace_stop"() : () -> ()
    %dma_wait3A_62 = arith.constant 0 : i32
    %dma_wait3A_63 = tpu.memref_slice %arg7[%dma_wait3A_61, %dma_wait3A_62] : memref<40x128xi32, #tpu.memory_space<vmem>> -> memref<1x128xi32, #tpu.memory_space<vmem>>
    %dma_wait3A_64 = tpu.memref_squeeze %dma_wait3A_63 : memref<1x128xi32, #tpu.memory_space<vmem>> -> memref<128xi32, #tpu.memory_space<vmem>>
    %dma_wait3A_65 = arith.constant 0 : i32
    %dma_wait3A_66 = arith.constant 0 : i32
    %dma_wait3A_67 = tpu.memref_slice %arg2[%dma_wait3A_65, %dma_wait3A_66] : memref<10240x128xf32, #tpu.memory_space<hbm>> -> memref<10240x128xf32, #tpu.memory_space<hbm>>
    tpu.wait_indirect_dma semaphore(%arg12 : memref<!tpu.dma_semaphore, #tpu.memory_space<semaphore_mem>>) src(%dma_wait3A_67 : memref<10240x128xf32, #tpu.memory_space<hbm>>) dst(%arg9 : memref<128x128xf32, #tpu.memory_space<vmem>>)
    %run_scoped3A_68 = arith.constant 38 : i32
    "tpu.region"() ({
      %run_scoped3A_78 = tpu.sem_alloc : memref<!tpu.dma_semaphore, #tpu.memory_space<semaphore_mem>>
      %dma_start3A_79 = arith.constant 0 : i32
      %dma_start3A_80 = tpu.memref_slice %arg8[%run_scoped3A_68, %dma_start3A_79] : memref<40x128xi32, #tpu.memory_space<vmem>> -> memref<1x128xi32, #tpu.memory_space<vmem>>
      %dma_start3A_81 = tpu.memref_squeeze %dma_start3A_80 : memref<1x128xi32, #tpu.memory_space<vmem>> -> memref<128xi32, #tpu.memory_space<vmem>>
      %dma_start3A_82 = arith.constant 0 : i32
      %dma_start3A_83 = arith.constant 0 : i32
      %dma_start3A_84 = tpu.memref_slice %arg11[%dma_start3A_82, %dma_start3A_83] : memref<10240x128xf32, #tpu.memory_space<vmem_shared>> -> memref<10240x128xf32, #tpu.memory_space<vmem_shared>>
      tpu.enqueue_indirect_dma source(%arg9 : memref<128x128xf32, #tpu.memory_space<vmem>>) target(%dma_start3A_84 : memref<10240x128xf32, #tpu.memory_space<vmem_shared>>) offsets(%dma_start3A_81 : memref<128xi32, #tpu.memory_space<vmem>>) semaphore(%run_scoped3A_78 : memref<!tpu.dma_semaphore, #tpu.memory_space<semaphore_mem>>) {add = true}
      %dma_wait3A_85 = arith.constant 0 : i32
      %dma_wait3A_86 = tpu.memref_slice %arg8[%run_scoped3A_68, %dma_wait3A_85] : memref<40x128xi32, #tpu.memory_space<vmem>> -> memref<1x128xi32, #tpu.memory_space<vmem>>
      %dma_wait3A_87 = tpu.memref_squeeze %dma_wait3A_86 : memref<1x128xi32, #tpu.memory_space<vmem>> -> memref<128xi32, #tpu.memory_space<vmem>>
      %dma_wait3A_88 = arith.constant 0 : i32
      %dma_wait3A_89 = arith.constant 0 : i32
      %dma_wait3A_90 = tpu.memref_slice %arg11[%dma_wait3A_88, %dma_wait3A_89] : memref<10240x128xf32, #tpu.memory_space<vmem_shared>> -> memref<10240x128xf32, #tpu.memory_space<vmem_shared>>
      tpu.wait_indirect_dma semaphore(%run_scoped3A_78 : memref<!tpu.dma_semaphore, #tpu.memory_space<semaphore_mem>>) src(%arg9 : memref<128x128xf32, #tpu.memory_space<vmem>>) dst(%dma_wait3A_90 : memref<10240x128xf32, #tpu.memory_space<vmem_shared>>)
      tpu.yield
    }) : () -> ()
    %dma_wait3A_69 = arith.constant 39 : i32
    %dma_wait3A_70 = arith.constant 0 : i32
    %dma_wait3A_71 = tpu.memref_slice %arg7[%dma_wait3A_69, %dma_wait3A_70] : memref<40x128xi32, #tpu.memory_space<vmem>> -> memref<1x128xi32, #tpu.memory_space<vmem>>
    %dma_wait3A_72 = tpu.memref_squeeze %dma_wait3A_71 : memref<1x128xi32, #tpu.memory_space<vmem>> -> memref<128xi32, #tpu.memory_space<vmem>>
    %dma_wait3A_73 = arith.constant 0 : i32
    %dma_wait3A_74 = arith.constant 0 : i32
    %dma_wait3A_75 = tpu.memref_slice %arg2[%dma_wait3A_73, %dma_wait3A_74] : memref<10240x128xf32, #tpu.memory_space<hbm>> -> memref<10240x128xf32, #tpu.memory_space<hbm>>
    tpu.wait_indirect_dma semaphore(%arg13 : memref<!tpu.dma_semaphore, #tpu.memory_space<semaphore_mem>>) src(%dma_wait3A_75 : memref<10240x128xf32, #tpu.memory_space<hbm>>) dst(%arg10 : memref<128x128xf32, #tpu.memory_space<vmem>>)
    %run_scoped3A_76 = arith.constant 39 : i32
    "tpu.region"() ({
      %run_scoped3A_78 = tpu.sem_alloc : memref<!tpu.dma_semaphore, #tpu.memory_space<semaphore_mem>>
      %dma_start3A_79 = arith.constant 0 : i32
      %dma_start3A_80 = tpu.memref_slice %arg8[%run_scoped3A_76, %dma_start3A_79] : memref<40x128xi32, #tpu.memory_space<vmem>> -> memref<1x128xi32, #tpu.memory_space<vmem>>
      %dma_start3A_81 = tpu.memref_squeeze %dma_start3A_80 : memref<1x128xi32, #tpu.memory_space<vmem>> -> memref<128xi32, #tpu.memory_space<vmem>>
      %dma_start3A_82 = arith.constant 0 : i32
      %dma_start3A_83 = arith.constant 0 : i32
      %dma_start3A_84 = tpu.memref_slice %arg11[%dma_start3A_82, %dma_start3A_83] : memref<10240x128xf32, #tpu.memory_space<vmem_shared>> -> memref<10240x128xf32, #tpu.memory_space<vmem_shared>>
      tpu.enqueue_indirect_dma source(%arg10 : memref<128x128xf32, #tpu.memory_space<vmem>>) target(%dma_start3A_84 : memref<10240x128xf32, #tpu.memory_space<vmem_shared>>) offsets(%dma_start3A_81 : memref<128xi32, #tpu.memory_space<vmem>>) semaphore(%run_scoped3A_78 : memref<!tpu.dma_semaphore, #tpu.memory_space<semaphore_mem>>) {add = true}
      %dma_wait3A_85 = arith.constant 0 : i32
      %dma_wait3A_86 = tpu.memref_slice %arg8[%run_scoped3A_76, %dma_wait3A_85] : memref<40x128xi32, #tpu.memory_space<vmem>> -> memref<1x128xi32, #tpu.memory_space<vmem>>
      %dma_wait3A_87 = tpu.memref_squeeze %dma_wait3A_86 : memref<1x128xi32, #tpu.memory_space<vmem>> -> memref<128xi32, #tpu.memory_space<vmem>>
      %dma_wait3A_88 = arith.constant 0 : i32
      %dma_wait3A_89 = arith.constant 0 : i32
      %dma_wait3A_90 = tpu.memref_slice %arg11[%dma_wait3A_88, %dma_wait3A_89] : memref<10240x128xf32, #tpu.memory_space<vmem_shared>> -> memref<10240x128xf32, #tpu.memory_space<vmem_shared>>
      tpu.wait_indirect_dma semaphore(%run_scoped3A_78 : memref<!tpu.dma_semaphore, #tpu.memory_space<semaphore_mem>>) src(%arg10 : memref<128x128xf32, #tpu.memory_space<vmem>>) dst(%dma_wait3A_90 : memref<10240x128xf32, #tpu.memory_space<vmem_shared>>)
      tpu.yield
    }) : () -> ()
    "tpu.trace_start"() <{level = 10 : i32, message = "agg_wb"}> : () -> ()
    %barrier3A_77 = arith.constant 0 : index
    tpu.barrier barrier_id(%barrier3A_77)
    "tpu.region"() ({
      %run_scoped3A_78 = tpu.sem_alloc : memref<!tpu.dma_semaphore, #tpu.memory_space<semaphore_mem>>
      %dma_start3A_79 = arith.constant 0 : i32
      %dma_start3A_80 = tpu.memref_slice %arg6[%arg0, %mul3A_0, %dma_start3A_79] : memref<2x10240x128xf32, #tpu.memory_space<hbm>> -> memref<1x640x128xf32, #tpu.memory_space<hbm>>
      %dma_start3A_81 = tpu.memref_squeeze %dma_start3A_80 : memref<1x640x128xf32, #tpu.memory_space<hbm>> -> memref<640x128xf32, #tpu.memory_space<hbm>>
      %dma_start3A_82 = arith.constant 0 : i32
      %dma_start3A_83 = tpu.memref_slice %arg11[%mul3A_0, %dma_start3A_82] : memref<10240x128xf32, #tpu.memory_space<vmem_shared>> -> memref<640x128xf32, #tpu.memory_space<vmem_shared>>
      tpu.enqueue_dma source(%dma_start3A_83 : memref<640x128xf32, #tpu.memory_space<vmem_shared>>) target(%dma_start3A_81 : memref<640x128xf32, #tpu.memory_space<hbm>>) target_semaphore(%run_scoped3A_78 : memref<!tpu.dma_semaphore, #tpu.memory_space<semaphore_mem>>)
      %dma_wait3A_84 = arith.constant 0 : i32
      %dma_wait3A_85 = tpu.memref_slice %arg6[%arg0, %mul3A_0, %dma_wait3A_84] : memref<2x10240x128xf32, #tpu.memory_space<hbm>> -> memref<1x640x128xf32, #tpu.memory_space<hbm>>
      %dma_wait3A_86 = tpu.memref_squeeze %dma_wait3A_85 : memref<1x640x128xf32, #tpu.memory_space<hbm>> -> memref<640x128xf32, #tpu.memory_space<hbm>>
      %dma_wait3A_87 = arith.constant 0 : i32
      %dma_wait3A_88 = tpu.memref_slice %arg11[%mul3A_0, %dma_wait3A_87] : memref<10240x128xf32, #tpu.memory_space<vmem_shared>> -> memref<640x128xf32, #tpu.memory_space<vmem_shared>>
      tpu.wait_dma2 semaphore(%run_scoped3A_78 : memref<!tpu.dma_semaphore, #tpu.memory_space<semaphore_mem>>) src(%dma_wait3A_88 : memref<640x128xf32, #tpu.memory_space<vmem_shared>>) dst(%dma_wait3A_86 : memref<640x128xf32, #tpu.memory_space<hbm>>)
      tpu.yield
    }) : () -> ()
    "tpu.trace_stop"() : () -> ()
    return
  }
}

module attributes {stable_mosaic.version = 14 : i64} {
  func.func @_pre_body(%arg0: i32, %arg1: memref<2x2x2048x16xf32, #tpu.memory_space<vmem>>, %arg2: memref<2048x128xf32, #tpu.memory_space<vmem>>, %arg3: memref<2048x128xf32, #tpu.memory_space<vmem>>, %arg4: memref<2048x16xf32, #tpu.memory_space<vmem>>, %arg5: memref<2048x16xf32, #tpu.memory_space<vmem>>) attributes {dimension_semantics = [#tpu.dimension_semantics<arbitrary>], iteration_bounds = array<i64: 5>, scalar_prefetch = 0 : i64, scratch_operands = 0 : i64, tpu.core_type = #tpu.core_type<tc>, window_params = [{transform_indices = @transform_0, window_bounds = array<i64: 2, 2, 2048, 16>}, {transform_indices = @transform_1, window_bounds = array<i64: 2048, 128>}, {transform_indices = @transform_2, window_bounds = array<i64: 2048, 128>}, {transform_indices = @transform_3, window_bounds = array<i64: 2048, 16>}, {transform_indices = @transform_4, window_bounds = array<i64: 2048, 16>}]} {
    %get3A = arith.constant 0 : index
    %get3A_0 = arith.constant 0 : index
    %get3A_1 = arith.constant 0 : index
    %get3A_2 = arith.constant 0 : index
    %get3A_3 = vector.load %arg1[%get3A, %get3A_0, %get3A_1, %get3A_2] : memref<2x2x2048x16xf32, #tpu.memory_space<vmem>>, vector<1x1x2048x16xf32>
    %get3A_4 = vector.shape_cast %get3A_3 : vector<1x1x2048x16xf32> to vector<2048x16xf32>
    %get3A_5 = arith.constant 1 : index
    %get3A_6 = arith.constant 0 : index
    %get3A_7 = arith.constant 0 : index
    %get3A_8 = arith.constant 0 : index
    %get3A_9 = vector.load %arg1[%get3A_5, %get3A_6, %get3A_7, %get3A_8] : memref<2x2x2048x16xf32, #tpu.memory_space<vmem>>, vector<1x1x2048x16xf32>
    %get3A_10 = vector.shape_cast %get3A_9 : vector<1x1x2048x16xf32> to vector<2048x16xf32>
    %add3A = arith.addf %get3A_4, %get3A_10 : vector<2048x16xf32>
    %get3A_11 = arith.constant 0 : index
    %get3A_12 = arith.constant 1 : index
    %get3A_13 = arith.constant 0 : index
    %get3A_14 = arith.constant 0 : index
    %get3A_15 = vector.load %arg1[%get3A_11, %get3A_12, %get3A_13, %get3A_14] : memref<2x2x2048x16xf32, #tpu.memory_space<vmem>>, vector<1x1x2048x16xf32>
    %get3A_16 = vector.shape_cast %get3A_15 : vector<1x1x2048x16xf32> to vector<2048x16xf32>
    %get3A_17 = arith.constant 1 : index
    %get3A_18 = arith.constant 1 : index
    %get3A_19 = arith.constant 0 : index
    %get3A_20 = arith.constant 0 : index
    %get3A_21 = vector.load %arg1[%get3A_17, %get3A_18, %get3A_19, %get3A_20] : memref<2x2x2048x16xf32, #tpu.memory_space<vmem>>, vector<1x1x2048x16xf32>
    %get3A_22 = vector.shape_cast %get3A_21 : vector<1x1x2048x16xf32> to vector<2048x16xf32>
    %add3A_23 = arith.addf %get3A_16, %get3A_22 : vector<2048x16xf32>
    %gt3A = arith.constant 0.000000e+00 : f32
    %gt3A_24 = vector.broadcast %gt3A : f32 to vector<2048x16xf32>
    %gt3A_25 = arith.cmpf ogt, %add3A, %gt3A_24 : vector<2048x16xf32>
    %jit3A = arith.constant 1.000000e+00 : f32
    %broadcast_in_dim3A = vector.broadcast %jit3A : f32 to vector<2048x16xf32>
    %select_n3A = arith.select %gt3A_25, %add3A, %broadcast_in_dim3A : vector<2048x16xi1>, vector<2048x16xf32>
    %rsqrt3A = math.rsqrt %select_n3A : vector<2048x16xf32>
    %gt3A_26 = arith.constant 0.000000e+00 : f32
    %gt3A_27 = vector.broadcast %gt3A_26 : f32 to vector<2048x16xf32>
    %gt3A_28 = arith.cmpf ogt, %add3A_23, %gt3A_27 : vector<2048x16xf32>
    %jit3A_29 = arith.constant 1.000000e+00 : f32
    %broadcast_in_dim3A_30 = vector.broadcast %jit3A_29 : f32 to vector<2048x16xf32>
    %select_n3A_31 = arith.select %gt3A_28, %add3A_23, %broadcast_in_dim3A_30 : vector<2048x16xi1>, vector<2048x16xf32>
    %rsqrt3A_32 = math.rsqrt %select_n3A_31 : vector<2048x16xf32>
    %swap3A = arith.constant 0 : index
    %swap3A_33 = arith.constant 0 : index
    %swap3A_34 = vector.load %arg4[%swap3A, %swap3A_33] : memref<2048x16xf32, #tpu.memory_space<vmem>>, vector<2048x16xf32>
    tpu.vector_store %arg4[%swap3A, %swap3A_33], %rsqrt3A {strides = array<i32>} : memref<2048x16xf32, #tpu.memory_space<vmem>>, vector<2048x16xf32>,
    %swap3A_35 = arith.constant 0 : index
    %swap3A_36 = arith.constant 0 : index
    %swap3A_37 = vector.load %arg5[%swap3A_35, %swap3A_36] : memref<2048x16xf32, #tpu.memory_space<vmem>>, vector<2048x16xf32>
    tpu.vector_store %arg5[%swap3A_35, %swap3A_36], %rsqrt3A_32 {strides = array<i32>} : memref<2048x16xf32, #tpu.memory_space<vmem>>, vector<2048x16xf32>,
    %mul3A = arith.constant 2048 : i32
    %mul3A_38 = arith.muli %arg0, %mul3A : i32
    %iota3A = tpu.iota {dimensions = array<i32: 0>} : vector<2048x1xi32>
    %add3A_39 = vector.broadcast %mul3A_38 : i32 to vector<2048x1xi32>
    %add3A_40 = arith.addi %add3A_39, %iota3A : vector<2048x1xi32>
    %lt3A = arith.constant 10000 : i32
    %lt3A_41 = vector.broadcast %lt3A : i32 to vector<2048x1xi32>
    %lt3A_42 = arith.cmpi slt, %add3A_40, %lt3A_41 : vector<2048x1xi32>
    %get3A_43 = arith.constant 0 : index
    %get3A_44 = arith.constant 0 : index
    %get3A_45 = vector.load %arg2[%get3A_43, %get3A_44] : memref<2048x128xf32, #tpu.memory_space<vmem>>, vector<2048x128xf32>
    %slice3A = vector.extract_strided_slice %rsqrt3A_32 {offsets = [0, 0], sizes = [2048, 1], strides = [1, 1]} : vector<2048x16xf32> to vector<2048x1xf32>
    %mul3A_46 = vector.broadcast %slice3A : vector<2048x1xf32> to vector<2048x128xf32>
    %mul3A_47 = arith.mulf %get3A_45, %mul3A_46 : vector<2048x128xf32>
    %jit3A_48 = arith.constant 0.000000e+00 : f32
    %broadcast_in_dim3A_49 = vector.shape_cast %lt3A_42 : vector<2048x1xi1> to vector<2048x1xi1>
    %broadcast_in_dim3A_50 = vector.broadcast %broadcast_in_dim3A_49 : vector<2048x1xi1> to vector<2048x128xi1>
    %broadcast_in_dim3A_51 = vector.broadcast %jit3A_48 : f32 to vector<2048x128xf32>
    %select_n3A_52 = arith.select %broadcast_in_dim3A_50, %mul3A_47, %broadcast_in_dim3A_51 : vector<2048x128xi1>, vector<2048x128xf32>
    %swap3A_53 = arith.constant 0 : index
    %swap3A_54 = arith.constant 0 : index
    %swap3A_55 = vector.load %arg3[%swap3A_53, %swap3A_54] : memref<2048x128xf32, #tpu.memory_space<vmem>>, vector<2048x128xf32>
    tpu.vector_store %arg3[%swap3A_53, %swap3A_54], %select_n3A_52 {strides = array<i32>} : memref<2048x128xf32, #tpu.memory_space<vmem>>, vector<2048x128xf32>,
    return
  }
  func.func @transform_0(%arg0: i32) -> (i32, i32, i32, i32) {
    %c0_i32 = arith.constant 0 : i32
    %c0_i32_0 = arith.constant 0 : i32
    %c0_i32_1 = arith.constant 0 : i32
    %c0_i32_2 = arith.constant 0 : i32
    return %c0_i32, %c0_i32_0, %arg0, %c0_i32_1 : i32, i32, i32, i32
  }
  func.func @transform_1(%arg0: i32) -> (i32, i32) {
    %c0_i32 = arith.constant 0 : i32
    %c0_i32_0 = arith.constant 0 : i32
    return %arg0, %c0_i32 : i32, i32
  }
  func.func @transform_2(%arg0: i32) -> (i32, i32) {
    %c0_i32 = arith.constant 0 : i32
    %c0_i32_0 = arith.constant 0 : i32
    return %arg0, %c0_i32 : i32, i32
  }
  func.func @transform_3(%arg0: i32) -> (i32, i32) {
    %c0_i32 = arith.constant 0 : i32
    %c0_i32_0 = arith.constant 0 : i32
    return %arg0, %c0_i32 : i32, i32
  }
  func.func @transform_4(%arg0: i32) -> (i32, i32) {
    %c0_i32 = arith.constant 0 : i32
    %c0_i32_0 = arith.constant 0 : i32
    return %arg0, %c0_i32 : i32, i32
  }
}

module attributes {stable_mosaic.version = 14 : i64} {
  func.func @_mid_body(%arg0: i32, %arg1: memref<2x2048x128xf32, #tpu.memory_space<vmem>>, %arg2: memref<2048x16xf32, #tpu.memory_space<vmem>>, %arg3: memref<2048x16xf32, #tpu.memory_space<vmem>>, %arg4: memref<128x128xf32, #tpu.memory_space<vmem>>, %arg5: memref<1x128xf32, #tpu.memory_space<vmem>>, %arg6: memref<2048x128xf32, #tpu.memory_space<vmem>>) attributes {dimension_semantics = [#tpu.dimension_semantics<arbitrary>], iteration_bounds = array<i64: 5>, scalar_prefetch = 0 : i64, scratch_operands = 0 : i64, tpu.core_type = #tpu.core_type<tc>, window_params = [{transform_indices = @transform_0, window_bounds = array<i64: 2, 2048, 128>}, {transform_indices = @transform_1, window_bounds = array<i64: 2048, 16>}, {transform_indices = @transform_2, window_bounds = array<i64: 2048, 16>}, {pipeline_mode = #tpu.pipeline_mode<synchronous>, transform_indices = @transform_3, window_bounds = array<i64: 128, 128>}, {pipeline_mode = #tpu.pipeline_mode<synchronous>, transform_indices = @transform_4, window_bounds = array<i64: 1, 128>}, {transform_indices = @transform_5, window_bounds = array<i64: 2048, 128>}]} {
    %get3A = arith.constant 0 : index
    %get3A_0 = arith.constant 0 : index
    %get3A_1 = arith.constant 0 : index
    %get3A_2 = vector.load %arg1[%get3A, %get3A_0, %get3A_1] : memref<2x2048x128xf32, #tpu.memory_space<vmem>>, vector<1x2048x128xf32>
    %get3A_3 = vector.shape_cast %get3A_2 : vector<1x2048x128xf32> to vector<2048x128xf32>
    %get3A_4 = arith.constant 1 : index
    %get3A_5 = arith.constant 0 : index
    %get3A_6 = arith.constant 0 : index
    %get3A_7 = vector.load %arg1[%get3A_4, %get3A_5, %get3A_6] : memref<2x2048x128xf32, #tpu.memory_space<vmem>>, vector<1x2048x128xf32>
    %get3A_8 = vector.shape_cast %get3A_7 : vector<1x2048x128xf32> to vector<2048x128xf32>
    %add3A = arith.addf %get3A_3, %get3A_8 : vector<2048x128xf32>
    %get3A_9 = arith.constant 0 : index
    %get3A_10 = arith.constant 0 : index
    %get3A_11 = vector.load %arg2[%get3A_9, %get3A_10] : memref<2048x16xf32, #tpu.memory_space<vmem>>, vector<2048x1xf32>
    %mul3A = vector.broadcast %get3A_11 : vector<2048x1xf32> to vector<2048x128xf32>
    %mul3A_12 = arith.mulf %add3A, %mul3A : vector<2048x128xf32>
    %get3A_13 = arith.constant 0 : index
    %get3A_14 = arith.constant 0 : index
    %get3A_15 = vector.load %arg4[%get3A_13, %get3A_14] : memref<128x128xf32, #tpu.memory_space<vmem>>, vector<128x128xf32>
    %dot_general3A = arith.constant dense<0.000000e+00> : vector<2048x128xf32>
    %dot_general3A_16 = tpu.matmul %mul3A_12, %get3A_15, %dot_general3A {dimension_numbers = #tpu.dot_dimension_numbers<[1], [0], [0], [1], [0, 0, 1, 1], [], []>, transpose_lhs_hint = false} : vector<2048x128xf32>, vector<128x128xf32>, vector<2048x128xf32> -> vector<2048x128xf32>
    %get3A_17 = arith.constant 0 : index
    %get3A_18 = arith.constant 0 : index
    %get3A_19 = vector.load %arg5[%get3A_17, %get3A_18] : memref<1x128xf32, #tpu.memory_space<vmem>>, vector<1x128xf32>
    %add3A_20 = vector.broadcast %get3A_19 : vector<1x128xf32> to vector<2048x128xf32>
    %add3A_21 = arith.addf %dot_general3A_16, %add3A_20 : vector<2048x128xf32>
    %mul3A_22 = arith.constant 2048 : i32
    %mul3A_23 = arith.muli %arg0, %mul3A_22 : i32
    %iota3A = tpu.iota {dimensions = array<i32: 0>} : vector<2048x1xi32>
    %add3A_24 = vector.broadcast %mul3A_23 : i32 to vector<2048x1xi32>
    %add3A_25 = arith.addi %add3A_24, %iota3A : vector<2048x1xi32>
    %lt3A = arith.constant 10000 : i32
    %lt3A_26 = vector.broadcast %lt3A : i32 to vector<2048x1xi32>
    %lt3A_27 = arith.cmpi slt, %add3A_25, %lt3A_26 : vector<2048x1xi32>
    %max3A = arith.constant 0.000000e+00 : f32
    %max3A_28 = vector.broadcast %max3A : f32 to vector<2048x128xf32>
    %max3A_29 = arith.maximumf %add3A_21, %max3A_28 : vector<2048x128xf32>
    %get3A_30 = arith.constant 0 : index
    %get3A_31 = arith.constant 0 : index
    %get3A_32 = vector.load %arg3[%get3A_30, %get3A_31] : memref<2048x16xf32, #tpu.memory_space<vmem>>, vector<2048x1xf32>
    %mul3A_33 = vector.broadcast %get3A_32 : vector<2048x1xf32> to vector<2048x128xf32>
    %mul3A_34 = arith.mulf %max3A_29, %mul3A_33 : vector<2048x128xf32>
    %jit3A = arith.constant 0.000000e+00 : f32
    %broadcast_in_dim3A = vector.shape_cast %lt3A_27 : vector<2048x1xi1> to vector<2048x1xi1>
    %broadcast_in_dim3A_35 = vector.broadcast %broadcast_in_dim3A : vector<2048x1xi1> to vector<2048x128xi1>
    %broadcast_in_dim3A_36 = vector.broadcast %jit3A : f32 to vector<2048x128xf32>
    %select_n3A = arith.select %broadcast_in_dim3A_35, %mul3A_34, %broadcast_in_dim3A_36 : vector<2048x128xi1>, vector<2048x128xf32>
    %swap3A = arith.constant 0 : index
    %swap3A_37 = arith.constant 0 : index
    %swap3A_38 = vector.load %arg6[%swap3A, %swap3A_37] : memref<2048x128xf32, #tpu.memory_space<vmem>>, vector<2048x128xf32>
    tpu.vector_store %arg6[%swap3A, %swap3A_37], %select_n3A {strides = array<i32>} : memref<2048x128xf32, #tpu.memory_space<vmem>>, vector<2048x128xf32>,
    return
  }
  func.func @transform_0(%arg0: i32) -> (i32, i32, i32) {
    %c0_i32 = arith.constant 0 : i32
    %c0_i32_0 = arith.constant 0 : i32
    %c0_i32_1 = arith.constant 0 : i32
    return %c0_i32, %arg0, %c0_i32_0 : i32, i32, i32
  }
  func.func @transform_1(%arg0: i32) -> (i32, i32) {
    %c0_i32 = arith.constant 0 : i32
    %c0_i32_0 = arith.constant 0 : i32
    return %arg0, %c0_i32 : i32, i32
  }
  func.func @transform_2(%arg0: i32) -> (i32, i32) {
    %c0_i32 = arith.constant 0 : i32
    %c0_i32_0 = arith.constant 0 : i32
    return %arg0, %c0_i32 : i32, i32
  }
  func.func @transform_3(%arg0: i32) -> (i32, i32) {
    %c0_i32 = arith.constant 0 : i32
    %c0_i32_0 = arith.constant 0 : i32
    %c0_i32_1 = arith.constant 0 : i32
    return %c0_i32, %c0_i32_0 : i32, i32
  }
  func.func @transform_4(%arg0: i32) -> (i32, i32) {
    %c0_i32 = arith.constant 0 : i32
    %c0_i32_0 = arith.constant 0 : i32
    %c0_i32_1 = arith.constant 0 : i32
    return %c0_i32, %c0_i32_0 : i32, i32
  }
  func.func @transform_5(%arg0: i32) -> (i32, i32) {
    %c0_i32 = arith.constant 0 : i32
    %c0_i32_0 = arith.constant 0 : i32
    return %arg0, %c0_i32 : i32, i32
  }
}

module attributes {stable_mosaic.version = 14 : i64} {
  func.func @_mid3_body(%arg0: i32, %arg1: memref<2x2048x128xf32, #tpu.memory_space<vmem>>, %arg2: memref<2048x16xf32, #tpu.memory_space<vmem>>, %arg3: memref<2048x16xf32, #tpu.memory_space<vmem>>, %arg4: memref<128x128xf32, #tpu.memory_space<vmem>>, %arg5: memref<1x128xf32, #tpu.memory_space<vmem>>, %arg6: memref<128x48xf32, #tpu.memory_space<vmem>>, %arg7: memref<2048x48xf32, #tpu.memory_space<vmem>>) attributes {dimension_semantics = [#tpu.dimension_semantics<arbitrary>], iteration_bounds = array<i64: 5>, scalar_prefetch = 0 : i64, scratch_operands = 0 : i64, tpu.core_type = #tpu.core_type<tc>, window_params = [{transform_indices = @transform_0, window_bounds = array<i64: 2, 2048, 128>}, {transform_indices = @transform_1, window_bounds = array<i64: 2048, 16>}, {transform_indices = @transform_2, window_bounds = array<i64: 2048, 16>}, {pipeline_mode = #tpu.pipeline_mode<synchronous>, transform_indices = @transform_3, window_bounds = array<i64: 128, 128>}, {pipeline_mode = #tpu.pipeline_mode<synchronous>, transform_indices = @transform_4, window_bounds = array<i64: 1, 128>}, {pipeline_mode = #tpu.pipeline_mode<synchronous>, transform_indices = @transform_5, window_bounds = array<i64: 128, 48>}, {transform_indices = @transform_6, window_bounds = array<i64: 2048, 48>}]} {
    %get3A = arith.constant 0 : index
    %get3A_0 = arith.constant 0 : index
    %get3A_1 = arith.constant 0 : index
    %get3A_2 = vector.load %arg1[%get3A, %get3A_0, %get3A_1] : memref<2x2048x128xf32, #tpu.memory_space<vmem>>, vector<1x2048x128xf32>
    %get3A_3 = vector.shape_cast %get3A_2 : vector<1x2048x128xf32> to vector<2048x128xf32>
    %get3A_4 = arith.constant 1 : index
    %get3A_5 = arith.constant 0 : index
    %get3A_6 = arith.constant 0 : index
    %get3A_7 = vector.load %arg1[%get3A_4, %get3A_5, %get3A_6] : memref<2x2048x128xf32, #tpu.memory_space<vmem>>, vector<1x2048x128xf32>
    %get3A_8 = vector.shape_cast %get3A_7 : vector<1x2048x128xf32> to vector<2048x128xf32>
    %add3A = arith.addf %get3A_3, %get3A_8 : vector<2048x128xf32>
    %get3A_9 = arith.constant 0 : index
    %get3A_10 = arith.constant 0 : index
    %get3A_11 = vector.load %arg2[%get3A_9, %get3A_10] : memref<2048x16xf32, #tpu.memory_space<vmem>>, vector<2048x1xf32>
    %mul3A = vector.broadcast %get3A_11 : vector<2048x1xf32> to vector<2048x128xf32>
    %mul3A_12 = arith.mulf %add3A, %mul3A : vector<2048x128xf32>
    %get3A_13 = arith.constant 0 : index
    %get3A_14 = arith.constant 0 : index
    %get3A_15 = vector.load %arg4[%get3A_13, %get3A_14] : memref<128x128xf32, #tpu.memory_space<vmem>>, vector<128x128xf32>
    %dot_general3A = arith.constant dense<0.000000e+00> : vector<2048x128xf32>
    %dot_general3A_16 = tpu.matmul %mul3A_12, %get3A_15, %dot_general3A {dimension_numbers = #tpu.dot_dimension_numbers<[1], [0], [0], [1], [0, 0, 1, 1], [], []>, transpose_lhs_hint = false} : vector<2048x128xf32>, vector<128x128xf32>, vector<2048x128xf32> -> vector<2048x128xf32>
    %get3A_17 = arith.constant 0 : index
    %get3A_18 = arith.constant 0 : index
    %get3A_19 = vector.load %arg5[%get3A_17, %get3A_18] : memref<1x128xf32, #tpu.memory_space<vmem>>, vector<1x128xf32>
    %add3A_20 = vector.broadcast %get3A_19 : vector<1x128xf32> to vector<2048x128xf32>
    %add3A_21 = arith.addf %dot_general3A_16, %add3A_20 : vector<2048x128xf32>
    %max3A = arith.constant 0.000000e+00 : f32
    %max3A_22 = vector.broadcast %max3A : f32 to vector<2048x128xf32>
    %max3A_23 = arith.maximumf %add3A_21, %max3A_22 : vector<2048x128xf32>
    %get3A_24 = arith.constant 0 : index
    %get3A_25 = arith.constant 0 : index
    %get3A_26 = vector.load %arg3[%get3A_24, %get3A_25] : memref<2048x16xf32, #tpu.memory_space<vmem>>, vector<2048x1xf32>
    %mul3A_27 = vector.broadcast %get3A_26 : vector<2048x1xf32> to vector<2048x128xf32>
    %mul3A_28 = arith.mulf %max3A_23, %mul3A_27 : vector<2048x128xf32>
    %get3A_29 = arith.constant 0 : index
    %get3A_30 = arith.constant 0 : index
    %get3A_31 = vector.load %arg6[%get3A_29, %get3A_30] : memref<128x48xf32, #tpu.memory_space<vmem>>, vector<128x48xf32>
    %dot_general3A_32 = arith.constant dense<0.000000e+00> : vector<2048x48xf32>
    %dot_general3A_33 = tpu.matmul %mul3A_28, %get3A_31, %dot_general3A_32 {dimension_numbers = #tpu.dot_dimension_numbers<[1], [0], [0], [1], [0, 0, 1, 1], [], []>, transpose_lhs_hint = false} : vector<2048x128xf32>, vector<128x48xf32>, vector<2048x48xf32> -> vector<2048x48xf32>
    %mul3A_34 = arith.constant 2048 : i32
    %mul3A_35 = arith.muli %arg0, %mul3A_34 : i32
    %iota3A = tpu.iota {dimensions = array<i32: 0>} : vector<2048x1xi32>
    %add3A_36 = vector.broadcast %mul3A_35 : i32 to vector<2048x1xi32>
    %add3A_37 = arith.addi %add3A_36, %iota3A : vector<2048x1xi32>
    %lt3A = arith.constant 10000 : i32
    %lt3A_38 = vector.broadcast %lt3A : i32 to vector<2048x1xi32>
    %lt3A_39 = arith.cmpi slt, %add3A_37, %lt3A_38 : vector<2048x1xi32>
    %jit3A = arith.constant 0.000000e+00 : f32
    %broadcast_in_dim3A = vector.shape_cast %lt3A_39 : vector<2048x1xi1> to vector<2048x1xi1>
    %broadcast_in_dim3A_40 = vector.broadcast %broadcast_in_dim3A : vector<2048x1xi1> to vector<2048x48xi1>
    %broadcast_in_dim3A_41 = vector.broadcast %jit3A : f32 to vector<2048x48xf32>
    %select_n3A = arith.select %broadcast_in_dim3A_40, %dot_general3A_33, %broadcast_in_dim3A_41 : vector<2048x48xi1>, vector<2048x48xf32>
    %swap3A = arith.constant 0 : index
    %swap3A_42 = arith.constant 0 : index
    %swap3A_43 = vector.load %arg7[%swap3A, %swap3A_42] : memref<2048x48xf32, #tpu.memory_space<vmem>>, vector<2048x48xf32>
    tpu.vector_store %arg7[%swap3A, %swap3A_42], %select_n3A {strides = array<i32>} : memref<2048x48xf32, #tpu.memory_space<vmem>>, vector<2048x48xf32>,
    return
  }
  func.func @transform_0(%arg0: i32) -> (i32, i32, i32) {
    %c0_i32 = arith.constant 0 : i32
    %c0_i32_0 = arith.constant 0 : i32
    %c0_i32_1 = arith.constant 0 : i32
    return %c0_i32, %arg0, %c0_i32_0 : i32, i32, i32
  }
  func.func @transform_1(%arg0: i32) -> (i32, i32) {
    %c0_i32 = arith.constant 0 : i32
    %c0_i32_0 = arith.constant 0 : i32
    return %arg0, %c0_i32 : i32, i32
  }
  func.func @transform_2(%arg0: i32) -> (i32, i32) {
    %c0_i32 = arith.constant 0 : i32
    %c0_i32_0 = arith.constant 0 : i32
    return %arg0, %c0_i32 : i32, i32
  }
  func.func @transform_3(%arg0: i32) -> (i32, i32) {
    %c0_i32 = arith.constant 0 : i32
    %c0_i32_0 = arith.constant 0 : i32
    %c0_i32_1 = arith.constant 0 : i32
    return %c0_i32, %c0_i32_0 : i32, i32
  }
  func.func @transform_4(%arg0: i32) -> (i32, i32) {
    %c0_i32 = arith.constant 0 : i32
    %c0_i32_0 = arith.constant 0 : i32
    %c0_i32_1 = arith.constant 0 : i32
    return %c0_i32, %c0_i32_0 : i32, i32
  }
  func.func @transform_5(%arg0: i32) -> (i32, i32) {
    %c0_i32 = arith.constant 0 : i32
    %c0_i32_0 = arith.constant 0 : i32
    %c0_i32_1 = arith.constant 0 : i32
    return %c0_i32, %c0_i32_0 : i32, i32
  }
  func.func @transform_6(%arg0: i32) -> (i32, i32) {
    %c0_i32 = arith.constant 0 : i32
    %c0_i32_0 = arith.constant 0 : i32
    return %arg0, %c0_i32 : i32, i32
  }
}

module attributes {stable_mosaic.version = 14 : i64} {
  func.func @_fin_body(%arg0: i32, %arg1: memref<2x2048x48xf32, #tpu.memory_space<vmem>>, %arg2: memref<2048x16xf32, #tpu.memory_space<vmem>>, %arg3: memref<1x48xf32, #tpu.memory_space<vmem>>, %arg4: memref<2048x40xf32, #tpu.memory_space<vmem>>) attributes {dimension_semantics = [#tpu.dimension_semantics<arbitrary>], iteration_bounds = array<i64: 5>, scalar_prefetch = 0 : i64, scratch_operands = 0 : i64, tpu.core_type = #tpu.core_type<tc>, window_params = [{transform_indices = @transform_0, window_bounds = array<i64: 2, 2048, 48>}, {transform_indices = @transform_1, window_bounds = array<i64: 2048, 16>}, {pipeline_mode = #tpu.pipeline_mode<synchronous>, transform_indices = @transform_2, window_bounds = array<i64: 1, 48>}, {transform_indices = @transform_3, window_bounds = array<i64: 2048, 40>}]} {
    %get3A = arith.constant 0 : index
    %get3A_0 = arith.constant 0 : index
    %get3A_1 = arith.constant 0 : index
    %get3A_2 = vector.load %arg1[%get3A, %get3A_0, %get3A_1] : memref<2x2048x48xf32, #tpu.memory_space<vmem>>, vector<1x2048x48xf32>
    %get3A_3 = vector.shape_cast %get3A_2 : vector<1x2048x48xf32> to vector<2048x48xf32>
    %get3A_4 = arith.constant 1 : index
    %get3A_5 = arith.constant 0 : index
    %get3A_6 = arith.constant 0 : index
    %get3A_7 = vector.load %arg1[%get3A_4, %get3A_5, %get3A_6] : memref<2x2048x48xf32, #tpu.memory_space<vmem>>, vector<1x2048x48xf32>
    %get3A_8 = vector.shape_cast %get3A_7 : vector<1x2048x48xf32> to vector<2048x48xf32>
    %add3A = arith.addf %get3A_3, %get3A_8 : vector<2048x48xf32>
    %get3A_9 = arith.constant 0 : index
    %get3A_10 = arith.constant 0 : index
    %get3A_11 = vector.load %arg2[%get3A_9, %get3A_10] : memref<2048x16xf32, #tpu.memory_space<vmem>>, vector<2048x1xf32>
    %mul3A = vector.broadcast %get3A_11 : vector<2048x1xf32> to vector<2048x48xf32>
    %mul3A_12 = arith.mulf %add3A, %mul3A : vector<2048x48xf32>
    %get3A_13 = arith.constant 0 : index
    %get3A_14 = arith.constant 0 : index
    %get3A_15 = vector.load %arg3[%get3A_13, %get3A_14] : memref<1x48xf32, #tpu.memory_space<vmem>>, vector<1x48xf32>
    %add3A_16 = vector.broadcast %get3A_15 : vector<1x48xf32> to vector<2048x48xf32>
    %add3A_17 = arith.addf %mul3A_12, %add3A_16 : vector<2048x48xf32>
    %slice3A = vector.extract_strided_slice %add3A_17 {offsets = [0, 0], sizes = [2048, 40], strides = [1, 1]} : vector<2048x48xf32> to vector<2048x40xf32>
    %swap3A = arith.constant 0 : index
    %swap3A_18 = arith.constant 0 : index
    %swap3A_19 = vector.load %arg4[%swap3A, %swap3A_18] : memref<2048x40xf32, #tpu.memory_space<vmem>>, vector<2048x40xf32>
    tpu.vector_store %arg4[%swap3A, %swap3A_18], %slice3A {strides = array<i32>} : memref<2048x40xf32, #tpu.memory_space<vmem>>, vector<2048x40xf32>,
    return
  }
  func.func @transform_0(%arg0: i32) -> (i32, i32, i32) {
    %c0_i32 = arith.constant 0 : i32
    %c0_i32_0 = arith.constant 0 : i32
    %c0_i32_1 = arith.constant 0 : i32
    return %c0_i32, %arg0, %c0_i32_0 : i32, i32, i32
  }
  func.func @transform_1(%arg0: i32) -> (i32, i32) {
    %c0_i32 = arith.constant 0 : i32
    %c0_i32_0 = arith.constant 0 : i32
    return %arg0, %c0_i32 : i32, i32
  }
  func.func @transform_2(%arg0: i32) -> (i32, i32) {
    %c0_i32 = arith.constant 0 : i32
    %c0_i32_0 = arith.constant 0 : i32
    %c0_i32_1 = arith.constant 0 : i32
    return %c0_i32, %c0_i32_0 : i32, i32
  }
  func.func @transform_3(%arg0: i32) -> (i32, i32) {
    %c0_i32 = arith.constant 0 : i32
    %c0_i32_0 = arith.constant 0 : i32
    return %arg0, %c0_i32 : i32, i32
  }
}

</mosaic_0001>

<sc_bundles>
// kernel: kernel.10.cloned.1.call-start
scs
__scs_entry_jumppad:
0x0: {  	(pc) =	sbr.rel $0x88, $3  }
0x1: {  	(tag) =	ssettag $0x0;
	lr =	simm.s32 $0x1  }
0x2: {  	[smem:$0x3F99] =	sst lr;
	_ =	strace $0xD0000000  }
0x3: {  	_ = 	snop  }
0x4: {  	_ = 	snop  }
0x5: {  	_ = 	snop  }
0x6: {  	_ = 	snop  }
0x7: {  	_ = 	snop  }
__scs_overlays_trampoline_lowered:
0x8: {  	[smem:$0x3FA8] =	sst s0  }
0x9: {  	[smem:$0x3FA9] =	sst s1  }
0xa: {  	[smem:$0x3FAA] =	sst s2  }
0xb: {  	[smem:$0x3FAB] =	sst s3  }
0xc: {  	[smem:$0x3FAC] =	sst s4  }
0xd: {  	[smem:$0x3FAD] =	sst s5  }
0xe: {  	[smem:$0x3FAE] =	sst s6  }
0xf: {  	[smem:$0x3FAF] =	sst s7  }
0x10: {  	[smem:$0x3FB0] =	sst s8  }
0x11: {  	[smem:$0x3FB1] =	sst s9;
	s0 =	simm.s32 @!p0 $0x0  }
0x12: {  	s1 =	sld [smem:$0x3F97];
	s0 =	simm.s32 @p0 $0x1  }
0x13: {  	[smem:$0x3FB2] =	sst s0;
	s0 =	simm.s32 @!p1 $0x0  }
0x14: {  	s2 =	sld [smem:$0x3F96];
	s0 =	simm.s32 @p1 $0x1  }
0x15: {  	[smem:$0x3FB3] =	sst s0;
	s0 =	simm.s32 @!p2 $0x0  }
0x16: {  	s3 =	sld [smem:$0x3FDB];
	s0 =	simm.s32 @p2 $0x1  }
0x17: {  	s4 =	simm.s32 $0x1BF5;
	[smem:$0x3FB5] =	sst s0  }
0x18: {  	s0 =	sld [smem:$0x3F98];
	_ =	swait.ge [sflag:s4], $0x0  }
0x19: {  	s7 =	sld [smem:$0x3F99]  }
0x1a: {  	s8 =	sadd.s32 $0xFFFFE003, lr  }
0x1b: {  	s9 =	sadd.s32 $0xFFFFFEF7, lr;
	s5 =	simm.s32 $0xFFFFFFFF;
	p2 =	slt.u32 s8, $0xFFFFF086  }
0x1c: {  	p1 =	slt.u32 s9, $0xF7A;
	s5 =	simm.s32 @!p2 $0x0  }
0x1d: {  	s5 =	simm.s32 @p1 $0x1;
	p0 =	seq.s32 s7, s2  }
0x1e: {  	s7 =	smul.u32 @!p0 $0xF7A, s2;
	p2 =	seq.s32 @!p0 s5, $0x0  }
0x1f: {  	s9 =	smul.u32 $0xF7A, s1;
	s8 =	simm.s32 @!p0 $0x1BF5;
	p2 =	por !p2, p0  }
0x20: {  	[sflag:s8] =	ssyncset.s32 @!p0 $0xFFFFF086;
	s6 =	sadd.s32 @!p0 s3, s7;
	s7 =	simm.s32 @!p0 $0x108  }
0x21: {  	s3 =	sadd.s32 s3, s9;
	s6 =	sadd.s32 @!p0 $0x88, s6;
	s7 =	simm.s32 @p2 $0x1082  }
0x22: {  	[simem:s7], [sflag:s8] =	dma.local @!p0 [hbm:s6], $0xF7A  }
0x23: {  	s9 =	sor.u32 $0xD0000000, s2;
	s6 =	simm.s32 $0x108;
	_ =	swait.ge @!p0 [sflag:s8], $0x0  }
0x24: {  	s3 =	sadd.s32 $0x88, s3;
	s6 =	simm.s32 @!p1 $0x1082;
	[sflag:s4] =	ssyncset.s32 $0xFFFFF086  }
0x25: {  	[simem:s6], [sflag:s4] =	dma.local [hbm:s3], $0xF7A  }
0x26: {  	[smem:$0x3F99] =	sst s1;
	(tag) =	ssettag s2;
	_ =	strace s9  }
0x27: {  	s1 =	sld [smem:$0x3FA9]  }
0x28: {  	s2 =	sld [smem:$0x3FAA]  }
0x29: {  	s4 =	sld [smem:$0x3FAC]  }
0x2a: {  	p0 =	seq.s32 s5, $0x0;
	s5 =	sld [smem:$0x3FAD]  }
0x2b: {  	s6 =	sld [smem:$0x3FAE]  }
0x2c: {  	s7 =	sld [smem:$0x3FAF]  }
0x2d: {  	s3 =	simm.s32 $0x108;
	s8 =	sld [smem:$0x3FB0]  }
0x2e: {  	s3 =	simm.s32 @!p0 $0x1082;
	s9 =	sld [smem:$0x3FB1]  }
0x2f: {  	lr =	sadd.s32 s0, s3;
	s0 =	sld [smem:$0x3FA8]  }
0x30: {  	s3 =	sld [smem:$0x3FAB]  }
0x31: {  	[smem:$0x3FB4] =	sst s10  }
0x32: {  	s10 =	sld [smem:$0x3FB2];
	_ =	sdelay $0x3  }
0x33: {  	p0 =	seq.s32 s10, $0x1;
	s10 =	sld [smem:$0x3FB4];
	_ =	sdelay $0x3  }
0x34: {  	[smem:$0x3FB4] =	sst s10  }
0x35: {  	s10 =	sld [smem:$0x3FB3];
	_ =	sdelay $0x3  }
0x36: {  	p1 =	seq.s32 s10, $0x1;
	s10 =	sld [smem:$0x3FB4];
	_ =	sdelay $0x3  }
0x37: {  	[smem:$0x3FB4] =	sst s10  }
0x38: {  	s10 =	sld [smem:$0x3FB5]  }
0x39: {  	_ = 	snop;
	(pc) =	sbr.ind lr, $3  }
0x3a: {  	_ = 	snop  }
0x3b: {  	_ = 	snop  }
0x3c: {  	p2 =	seq.s32 s10, $0x1;
	s10 =	sld [smem:$0x3FB4]  }
0x3d: {  	_ =	shalt  }
0x3e: {  	_ =	shalt  }
0x3f: {  	_ =	shalt  }
0x40: {  	_ =	shalt  }
0x41: {  	_ =	shalt  }
0x42: {  	_ =	shalt  }
0x43: {  	_ =	shalt  }
0x44: {  	_ =	shalt  }
0x45: {  	_ =	shalt  }
0x46: {  	_ =	shalt  }
0x47: {  	_ =	shalt  }
0x48: {  	_ =	shalt  }
0x49: {  	_ =	shalt  }
0x4a: {  	_ =	shalt  }
0x4b: {  	_ =	shalt  }
0x4c: {  	_ =	shalt  }
0x4d: {  	_ =	shalt  }
0x4e: {  	_ =	shalt  }
0x4f: {  	_ =	shalt  }
0x50: {  	_ =	shalt  }
0x51: {  	_ =	shalt  }
0x52: {  	_ =	shalt  }
0x53: {  	_ =	shalt  }
0x54: {  	_ =	shalt  }
0x55: {  	_ =	shalt  }
0x56: {  	_ =	shalt  }
0x57: {  	_ =	shalt  }
0x58: {  	_ =	shalt  }
0x59: {  	_ =	shalt  }
0x5a: {  	_ =	shalt  }
0x5b: {  	_ =	shalt  }
0x5c: {  	_ =	shalt  }
0x5d: {  	_ =	shalt  }
0x5e: {  	_ =	shalt  }
0x5f: {  	_ =	shalt  }
0x60: {  	_ =	shalt  }
0x61: {  	_ =	shalt  }
0x62: {  	_ =	shalt  }
0x63: {  	_ =	shalt  }
0x64: {  	_ =	shalt  }
0x65: {  	_ =	shalt  }
0x66: {  	_ =	shalt  }
0x67: {  	_ =	shalt  }
0x68: {  	_ =	shalt  }
0x69: {  	_ =	shalt  }
0x6a: {  	_ =	shalt  }
0x6b: {  	_ =	shalt  }
0x6c: {  	_ =	shalt  }
0x6d: {  	_ =	shalt  }
0x6e: {  	_ =	shalt  }
0x6f: {  	_ =	shalt  }
0x70: {  	_ =	shalt  }
0x71: {  	_ =	shalt  }
0x72: {  	_ =	shalt  }
0x73: {  	_ =	shalt  }
0x74: {  	_ =	shalt  }
0x75: {  	_ =	shalt  }
0x76: {  	_ =	shalt  }
0x77: {  	_ =	shalt  }
0x78: {  	_ =	shalt  }
0x79: {  	_ =	shalt  }
0x7a: {  	_ =	shalt  }
0x7b: {  	_ =	shalt  }
0x7c: {  	_ =	shalt  }
0x7d: {  	_ =	shalt  }
0x7e: {  	_ =	shalt  }
0x7f: {  	_ =	shalt  }
0x80: {  	_ =	shalt  }
0x81: {  	_ =	shalt  }
0x82: {  	_ =	shalt  }
0x83: {  	_ =	shalt  }
0x84: {  	_ =	shalt  }
0x85: {  	_ =	shalt  }
0x86: {  	_ =	shalt  }
0x87: {  	_ =	shalt  }
.Lfunc_end0:
.L_simem_size_0:
called_computation_lowered:
.L_overlay_start_0:
0x88: {  	s2 =	sld [smem:$0x3FD9]  }
0x89: {  	s3 =	sld [smem:$0x3FFE];
	_ =	sdelay $0x1  }
0x8a: {  	s1 =	srdreg.scid  }
0x8b: {  	s0 =	sand.u32 $0x1, s1  }
0x8c: {  	s16 =	sshll.u32 s0, $0xA;
	s2 =	sadd.s32 s3, s2  }
0x8d: {  	s2 =	sadd.s32 s2, s16  }
0x8e: {  	[smem:$0x3FC0] =	sst s2  }
0x8f: {  	_ = 	snop  }
0x90: {  	(tm) =	ssettm $0x1  }
0x91: {  	s17 =	sld [smem:$0x3FFB];
	_ =	sdelay $0x3  }
0x92: {  	_ =	strace s17  }
0x93: {  	s2 =	sld [smem:$0x3FFC];
	_ =	sdelay $0x3  }
0x94: {  	_ =	strace s2  }
0x95: {  	s2 =	sld [smem:$0x3FFD];
	_ =	sdelay $0x3  }
0x96: {  	_ =	strace s2  }
0x97: {  	_ =	strace $0x8FFFFFFF  }
0x98: {  	s18 =	sld [smem:$0x3FDB];
	_ =	sdelay $0x1  }
0x99: {  	s19 =	simm.s32 $_scs_section_size  }
0x9a: {  	s4 =	simm.s32 $_size__tile_overlayer_lowered;
	s5 =	simm.s32 $_tile_overlayer_lowered  }
0x9b: {  	s22 =	simm.s32 $0x1BFF;
	s21 =	sshll.u32 s5, $0x1;
	s2 =	sadd.s32 s19, s18  }
0x9c: {  	s6 =	simm.s32 $0x0;
	s20 =	sshll.u32 s4, $0x1;
	s4 =	sadd.s32 s21, s2  }
0x9d: {  	[timem:s6], [sflag:s22] =	dma.local [hbm:s4], s20  }
0x9e: {  	_ =	swait.ge [sflag:s22], s20  }
0x9f: {  	s3 =	ssub.s32 $0x0, s20;
	[sflag:s22] =	ssyncset.done $0x0  }
0xa0: {  	[sflag:s22] =	ssyncadd.s32 s3;
	_ =	sdelay $0x1  }
0xa1: {  	s23 =	simm.s32 $0x1B8B  }
0xa2: {  	_ =	swait.ge [sflag:s23], $0x1  }
0xa3: {  	[sflag:s23] =	ssyncset.done $0x0  }
0xa4: {  	s25 =	simm.s32 $0x1B8E;
	s24 =	sld [smem:$0x3FFE];
	[sflag:s23] =	ssyncadd.s32 $0xFFFFFFFF  }
0xa5: {  	s26 =	simm.s32 $execute0_lowered;
	[smem:$0x3FD2] =	sst s25  }
0xa6: {  	s4 =	sshll.u32 s26, $0x1;
	_ =	strace $0x80000046;
	[dreg:$0x1] =	wrdreg $0xFFFFFFFF  }
0xa7: {  	s28 =	simm.s32 $_size_execute0_lowered;
	s2 =	sadd.s32 s2, s4;
	[dreg:$0x0] =	wrdreg $0x0  }
0xa8: {  	s4 =	sshll.u32 s28, $0x1;
	[dreg:$0x2] =	wrdreg s2  }
0xa9: {  	[dreg:$0x3] =	wrdreg s4  }
0xaa: {  	[dreg:$0x4] =	wrdreg $0xC0  }
0xab: {  	_ =	task [dreg:s6], $0x5FFFF  }
0xac: {  	[dreg:$0x1] =	wrdreg $0xFFFFFFFF  }
0xad: {  	[dreg:$0x0] =	wrdreg $0x60  }
0xae: {  	[dreg:$0x2] =	wrdreg s24  }
0xaf: {  	[dreg:$0x3] =	wrdreg $0x58000  }
0xb0: {  	[dreg:$0x4] =	wrdreg $0x80000  }
0xb1: {  	[dreg:$0x5] =	wrdreg $0x9  }
0xb2: {  	_ =	task.clear_ibuf [dreg:s6], $0x6FFFF;
	_ =	strace $0x90000046  }
0xb3: {  	s29 =	simm.s32 $0x9;
	_ =	strace $0x80000048  }
0xb4: {  	_ =	swait.ge [sflag:s29], $0x1  }
0xb5: {  	[sflag:s29] =	ssyncadd.s32 $0xFFFFFFFF  }
0xb6: {  	_ =	strace $0x90000048  }
0xb7: {  	_ =	sfence  }
0xb8: {  	s30 =	sld [smem:$0x0];
	_ =	sdelay $0x2  }
0xb9: {  	s31 =	sshll.u32 s1, $0xD;
	s1 =	sshrl.u32 s1, $0x2  }
0xba: {  	s3 =	sand.u32 $0x4000, s31;
	s1 =	sadd.s32 s1, s30  }
0xbb: {  	s0 =	sor.u32 s3, s0;
	s1 =	sshll.u32 s1, $0x11  }
0xbc: {  	s0 =	sor.u32 s1, s0  }
0xbd: {  	s0 =	sadd.s32 $0x8F2B, s0  }
0xbe: {  	[sflag:s0] =	ssyncadd.remote.s32 $0x1  }
0xbf: {  	_ =	sfence.sel $0xFFFF  }
0xc0: {  	[dreg:$0x0] =	wrdreg $0xFFFFFFFF;
	(pc) =	sbr.abs _section_cstart, $3  }
0xc1: {  	[dreg:$0x1] =	wrdreg $0xFFFFFFFF  }
0xc2: {  	_ =	task.clear_ibuf [dreg:s6], $0x2FFFF;
	_ =	strace $0x9FFFFFFF  }
0xc3: {  	(tm) =	ssettm $0x7FFFFFFF  }
tec
execute0_lowered:
.L_overlay_start_1:
0x0: {  	(tag) =	ssettag $0x1  }
0x1: {  	s7 =	rddreg [dreg:$0x0]  }
0x2: {  	s2 =	rddreg [dreg:$0x1]  }
0x3: {  	s0 =	srdreg.scid;
	s3 =	rddreg [dreg:$0x2]  }
0x4: {  	s4 =	simm.s32 $0x0;
	s16 =	simm.s32 $0x5000;
	s17 =	simm.s32 $0x2800  }
0x5: {  	s18 =	simm.s32 $0x80;
	s6 =	sand.u32 $0x1, s0;
	s0 =	stileid.u32  }
0x6: {  	s19 =	simm.s32 $0x0;
	[smem:$0x7FF] =	sst s4;
	s8 =	smul.u32 $0x2800, s0  }
0x7: {  	s1 =	sshll.u32 s6, $0x4;
	s9 =	smul.u32 $0x50000, s6;
	s11 =	ssub.s32 $0x2, s6  }
0x8: {  	s6 =	sadd.s32 $0x16A00, s7;
	s31 =	sshll.u32 s0, $0x6;
	s1 =	sor.u32 s0, s1  }
0x9: {  	s12 =	sshrl.u32 s11, $0x1;
	s5 =	smul.u32 $0x500, s1;
	s1 =	rddreg [dreg:$0x3]  }
0xa: {  	_ =	strace $0x80000047;
	s9 =	sadd.s32 s8, s9;
	s12 =	ssub.s32 s11, s12  }
0xb: {  	s14 =	sadd.s32 s8, s2;
	s15 =	sadd.s32 s8, s3;
	s9 =	sshrl.u32 s9, $0x3  }
0xc: {  	s12 =	smax.u32 s12, $0x1;
	s15 =	sshrl.u32 s15, $0x3;
	s10 =	sadd.s32 s5, s7  }
0xd: {  	s5 =	sadd.s32 $0x16400, s7;
	s13 =	sadd.s32 s9, s7;
	s7 =	sor.u32 $0x1C01, s31  }
0xe: {  	s8 =	sadd.s32 $0xC400, s10;
	s9 =	sadd.s32 $0x2400, s10;
	s10 =	sadd.s32 $0x16C00, s13  }
0xf: {  	s11 =	sadd.s32 $0x1BC00, s13;
	s13 =	sshrl.u32 s14, $0x3;
	s14 =	simm.s32 $0x1  }
.LBB2_1:
0x10: {  	[spmem:s13], [sflag:s7] =	dma.local [hbm:s5], $0x500  }
0x11: {  	_ =	swait.ge [sflag:s14], $0x500  }
0x12: {  	[sflag:s14] =	ssyncset.done $0x0  }
0x13: {  	[sflag:s14] =	ssyncadd.s32 $0xFFFFFB00  }
0x14: {  	[spmem:s15], [sflag:s7] =	dma.local [hbm:s5], $0x500  }
0x15: {  	_ =	swait.ge [sflag:s14], $0x500  }
0x16: {  	[sflag:s14] =	ssyncset.done $0x0  }
0x17: {  	[sflag:s14] =	ssyncadd.s32 $0xFFFFFB00  }
0x18: {  	[tilespmem:s16], [sflag:$0x1] =	stream.linear.gather [hbm4b:s6+s4], $0x800, $0x38;
	[tilespmem:$0xA800] =	vst v63  }
0x19: {  	_ =	swait.ge [sflag:s14], $0x800  }
0x1a: {  	[sflag:s14] =	ssyncset.done $0x0  }
0x1b: {  	[sflag:s14] =	ssyncadd.s32 $0xFFFFF800  }
0x1c: {  	[tilespmem:s4], [sflag:$0x1] =	stream.linear.gather [hbm4b:s8+s4], $0x2800, $0x38;
	[tilespmem:$0xA800] =	vst v63  }
0x1d: {  	_ =	swait.ge [sflag:s14], $0x2800  }
0x1e: {  	[sflag:s14] =	ssyncset.done $0x0  }
0x1f: {  	[sflag:s14] =	ssyncadd.s32 $0xFFFFD800  }
0x20: {  	[tilespmem:s17], [sflag:$0x1] =	stream.linear.gather [hbm4b:s9+s4], $0x2800, $0x38;
	[tilespmem:$0xA800] =	vst v63  }
0x21: {  	_ =	swait.ge [sflag:s14], $0x2800  }
0x22: {  	[sflag:s14] =	ssyncset.done $0x0  }
0x23: {  	[sflag:s14] =	ssyncadd.s32 $0xFFFFD800  }
0x24: {  	s20 =	simm.s32 $0x2800;
	[bflag:$0x0] =	sbarrier.arrive $0xFFFF  }
0x25: {  	[spmem:s2] =	stream.indirect.scatter.add.f32 [tilespmem:s16], [sflag:$0x1], $0x10, s20, s18, $0xb8;
	[tilespmem:$0xA800] =	vst v63  }
0x26: {  	_ =	swait.ge [sflag:s14], $0x800  }
0x27: {  	[sflag:s14] =	ssyncset.done $0x0  }
0x28: {  	s31 =	simm.s32 $0x0;
	[sflag:s14] =	ssyncadd.s32 $0xFFFFF800  }
0x29: {  	[spmem:s3] =	stream.indirect.scatter.add.f32 [tilespmem:s16], [sflag:$0x1], $0x10, s31, s18, $0xb8;
	[tilespmem:$0xA800] =	vst v63  }
0x2a: {  	_ =	swait.ge [sflag:s14], $0x800  }
0x2b: {  	s21 =	simm.s32 $0x400;
	s20 =	simm.s32 $0x80;
	[sflag:s14] =	ssyncset.done $0x0  }
.LBB2_2:
0x2c: {  	s22 =	sadd.s32 $0x2800, s20  }
0x2d: {  	[sflag:s14] =	ssyncadd.s32 $0xFFFFF800;
	s23 =	smov.u32 s21;
	s24 =	sadd.s32 $0x200, s21  }
0x2e: {  	[spmem:s2] =	stream.indirect.scatter.add.f32 [tilespmem:s16], [sflag:$0x1], $0x10, s22, s18, $0xb8;
	[tilespmem:$0xA800] =	vst v63  }
0x2f: {  	p0 =	sne.s32 s21, $0x9E00;
	_ =	swait.ge [sflag:s14], $0x800  }
.Ltmp0:
0x30: {  	[sflag:s14] =	ssyncset.done $0x0;
	(pc) =	sbr.rel @p0 .LBB2_2-.Ltmp0, $4  }
0x31: {  	[sflag:s14] =	ssyncadd.s32 $0xFFFFF800  }
0x32: {  	[spmem:s3] =	stream.indirect.scatter.add.f32 [tilespmem:s16], [sflag:$0x1], $0x10, s20, s18, $0xb8;
	[tilespmem:$0xA800] =	vst v63  }
0x33: {  	_ =	swait.ge [sflag:s14], $0x800  }
0x34: {  	s21 =	smov.u32 s24;
	s20 =	sshra.s32 s23, $0x2;
	[sflag:s14] =	ssyncset.done $0x0  }
0x35: {  	s21 =	sadd.s32 $0x2800, s20;
	[sflag:s14] =	ssyncadd.s32 $0xFFFFF800  }
0x36: {  	[spmem:s2] =	stream.indirect.scatter.add.f32 [tilespmem:s16], [sflag:$0x1], $0x10, s21, s18, $0xb8;
	[tilespmem:$0xA800] =	vst v63  }
0x37: {  	_ =	swait.ge [sflag:s14], $0x800  }
0x38: {  	[sflag:s14] =	ssyncset.done $0x0  }
0x39: {  	[sflag:s14] =	ssyncadd.s32 $0xFFFFF800  }
0x3a: {  	[spmem:s3] =	stream.indirect.scatter.add.f32 [tilespmem:s16], [sflag:$0x1], $0x10, s20, s18, $0xb8;
	[tilespmem:$0xA800] =	vst v63  }
0x3b: {  	_ =	swait.ge [sflag:s14], $0x800  }
0x3c: {  	[sflag:s14] =	ssyncset.done $0x0  }
0x3d: {  	[sflag:s14] =	ssyncadd.s32 $0xFFFFF800  }
0x3e: {  	[bflag:$0x0] =	sbarrier.arrive $0xFFFF  }
0x3f: {  	[hbm:s10], [sflag:s7] =	dma.local [spmem:s13], $0x500  }
0x40: {  	s19 =	sadd.s32 $0x1, s19;
	_ =	swait.ge [sflag:s14], $0x500  }
0x41: {  	p0 =	sne.s32 s19, s12;
	[sflag:s14] =	ssyncset.done $0x0  }
.Ltmp1:
0x42: {  	[sflag:s14] =	ssyncadd.s32 $0xFFFFFB00;
	(pc) =	sbr.rel @p0 .LBB2_1-.Ltmp1, $4  }
0x43: {  	[hbm:s11], [sflag:s7] =	dma.local [spmem:s15], $0x500  }
0x44: {  	_ =	swait.ge [sflag:s14], $0x500  }
0x45: {  	[sflag:s14] =	ssyncset.done $0x0  }
0x46: {  	[sflag:s14] =	ssyncadd.s32 $0xFFFFFB00  }
0x47: {  	_ =	sfence.sel $0x180000  }
0x48: {  	[bflag:$0x0] =	sbarrier.arrive $0xFFFF  }
0x49: {  	p0 =	sne.s32 s0, $0x0;
	_ =	strace $0x90000047  }
0x4a: {  	s0 =	sadd.s32 @!p0 $0x100000, s1;
	[bflag:$0x2] =	sbarrier.arrive $0xFFFF  }
0x4b: {  	[sflag:s0] =	ssyncadd.tile.s32 @!p0 $0x1;
	_ =	shalt  }
.Lfunc_end2:
_tile_overlayer_lowered:
.L_overlay_start_2:
0x4c: {  	(tag) =	ssettag $0x2  }
0x4d: {  	s0 =	rddreg [dreg:$0x0];
	s2 =	stileid.u32  }
0x4e: {  	s1 =	rddreg [dreg:$0x1];
	p0 =	sne.s32 s2, $0x0  }
0x4f: {  	s3 =	rddreg [dreg:$0x2];
	[bflag:$0x3] =	sbarrier.arrive $0xFFFF;
	s2 =	simm.s32 @!p0 $0x1C01  }
0x50: {  	[timem:s3], [sflag:s2] =	dma.local @!p0 [hbm:s0], s1  }
0x51: {  	s0 =	simm.s32 @!p0 $0x1  }
0x52: {  	_ =	swait.ge @!p0 [sflag:s0], s1  }
0x53: {  	s1 =	ssub.s32 @!p0 $0x0, s1;
	[sflag:s0] =	ssyncset.done @!p0 $0x0  }
0x54: {  	[sflag:s0] =	ssyncadd.s32 @!p0 s1  }
0x55: {  	[bflag:$0x3] =	sbarrier.arrive $0xFFFF  }
0x56: {  	_ =	shalt  }

// kernel: kernel.13.cloned.1.call-start
scs
__scs_entry_jumppad:
0x0: {  	(pc) =	sbr.rel $0x88, $3  }
0x1: {  	(tag) =	ssettag $0x0;
	lr =	simm.s32 $0x1  }
0x2: {  	[smem:$0x3F99] =	sst lr;
	_ =	strace $0xD0000000  }
0x3: {  	_ = 	snop  }
0x4: {  	_ = 	snop  }
0x5: {  	_ = 	snop  }
0x6: {  	_ = 	snop  }
0x7: {  	_ = 	snop  }
__scs_overlays_trampoline_lowered:
0x8: {  	[smem:$0x3FA8] =	sst s0  }
0x9: {  	[smem:$0x3FA9] =	sst s1  }
0xa: {  	[smem:$0x3FAA] =	sst s2  }
0xb: {  	[smem:$0x3FAB] =	sst s3  }
0xc: {  	[smem:$0x3FAC] =	sst s4  }
0xd: {  	[smem:$0x3FAD] =	sst s5  }
0xe: {  	[smem:$0x3FAE] =	sst s6  }
0xf: {  	[smem:$0x3FAF] =	sst s7  }
0x10: {  	[smem:$0x3FB0] =	sst s8  }
0x11: {  	[smem:$0x3FB1] =	sst s9;
	s0 =	simm.s32 @!p0 $0x0  }
0x12: {  	s1 =	sld [smem:$0x3F97];
	s0 =	simm.s32 @p0 $0x1  }
0x13: {  	[smem:$0x3FB2] =	sst s0;
	s0 =	simm.s32 @!p1 $0x0  }
0x14: {  	s2 =	sld [smem:$0x3F96];
	s0 =	simm.s32 @p1 $0x1  }
0x15: {  	[smem:$0x3FB3] =	sst s0;
	s0 =	simm.s32 @!p2 $0x0  }
0x16: {  	s3 =	sld [smem:$0x3FDB];
	s0 =	simm.s32 @p2 $0x1  }
0x17: {  	s4 =	simm.s32 $0x1BF5;
	[smem:$0x3FB5] =	sst s0  }
0x18: {  	s0 =	sld [smem:$0x3F98];
	_ =	swait.ge [sflag:s4], $0x0  }
0x19: {  	s7 =	sld [smem:$0x3F99]  }
0x1a: {  	s8 =	sadd.s32 $0xFFFFE003, lr  }
0x1b: {  	s9 =	sadd.s32 $0xFFFFFEF7, lr;
	s5 =	simm.s32 $0xFFFFFFFF;
	p2 =	slt.u32 s8, $0xFFFFF086  }
0x1c: {  	p1 =	slt.u32 s9, $0xF7A;
	s5 =	simm.s32 @!p2 $0x0  }
0x1d: {  	s5 =	simm.s32 @p1 $0x1;
	p0 =	seq.s32 s7, s2  }
0x1e: {  	s7 =	smul.u32 @!p0 $0xF7A, s2;
	p2 =	seq.s32 @!p0 s5, $0x0  }
0x1f: {  	s9 =	smul.u32 $0xF7A, s1;
	s8 =	simm.s32 @!p0 $0x1BF5;
	p2 =	por !p2, p0  }
0x20: {  	[sflag:s8] =	ssyncset.s32 @!p0 $0xFFFFF086;
	s6 =	sadd.s32 @!p0 s3, s7;
	s7 =	simm.s32 @!p0 $0x108  }
0x21: {  	s3 =	sadd.s32 s3, s9;
	s6 =	sadd.s32 @!p0 $0x88, s6;
	s7 =	simm.s32 @p2 $0x1082  }
0x22: {  	[simem:s7], [sflag:s8] =	dma.local @!p0 [hbm:s6], $0xF7A  }
0x23: {  	s9 =	sor.u32 $0xD0000000, s2;
	s6 =	simm.s32 $0x108;
	_ =	swait.ge @!p0 [sflag:s8], $0x0  }
0x24: {  	s3 =	sadd.s32 $0x88, s3;
	s6 =	simm.s32 @!p1 $0x1082;
	[sflag:s4] =	ssyncset.s32 $0xFFFFF086  }
0x25: {  	[simem:s6], [sflag:s4] =	dma.local [hbm:s3], $0xF7A  }
0x26: {  	[smem:$0x3F99] =	sst s1;
	(tag) =	ssettag s2;
	_ =	strace s9  }
0x27: {  	s1 =	sld [smem:$0x3FA9]  }
0x28: {  	s2 =	sld [smem:$0x3FAA]  }
0x29: {  	s4 =	sld [smem:$0x3FAC]  }
0x2a: {  	p0 =	seq.s32 s5, $0x0;
	s5 =	sld [smem:$0x3FAD]  }
0x2b: {  	s6 =	sld [smem:$0x3FAE]  }
0x2c: {  	s7 =	sld [smem:$0x3FAF]  }
0x2d: {  	s3 =	simm.s32 $0x108;
	s8 =	sld [smem:$0x3FB0]  }
0x2e: {  	s3 =	simm.s32 @!p0 $0x1082;
	s9 =	sld [smem:$0x3FB1]  }
0x2f: {  	lr =	sadd.s32 s0, s3;
	s0 =	sld [smem:$0x3FA8]  }
0x30: {  	s3 =	sld [smem:$0x3FAB]  }
0x31: {  	[smem:$0x3FB4] =	sst s10  }
0x32: {  	s10 =	sld [smem:$0x3FB2];
	_ =	sdelay $0x3  }
0x33: {  	p0 =	seq.s32 s10, $0x1;
	s10 =	sld [smem:$0x3FB4];
	_ =	sdelay $0x3  }
0x34: {  	[smem:$0x3FB4] =	sst s10  }
0x35: {  	s10 =	sld [smem:$0x3FB3];
	_ =	sdelay $0x3  }
0x36: {  	p1 =	seq.s32 s10, $0x1;
	s10 =	sld [smem:$0x3FB4];
	_ =	sdelay $0x3  }
0x37: {  	[smem:$0x3FB4] =	sst s10  }
0x38: {  	s10 =	sld [smem:$0x3FB5]  }
0x39: {  	_ = 	snop;
	(pc) =	sbr.ind lr, $3  }
0x3a: {  	_ = 	snop  }
0x3b: {  	_ = 	snop  }
0x3c: {  	p2 =	seq.s32 s10, $0x1;
	s10 =	sld [smem:$0x3FB4]  }
0x3d: {  	_ =	shalt  }
0x3e: {  	_ =	shalt  }
0x3f: {  	_ =	shalt  }
0x40: {  	_ =	shalt  }
0x41: {  	_ =	shalt  }
0x42: {  	_ =	shalt  }
0x43: {  	_ =	shalt  }
0x44: {  	_ =	shalt  }
0x45: {  	_ =	shalt  }
0x46: {  	_ =	shalt  }
0x47: {  	_ =	shalt  }
0x48: {  	_ =	shalt  }
0x49: {  	_ =	shalt  }
0x4a: {  	_ =	shalt  }
0x4b: {  	_ =	shalt  }
0x4c: {  	_ =	shalt  }
0x4d: {  	_ =	shalt  }
0x4e: {  	_ =	shalt  }
0x4f: {  	_ =	shalt  }
0x50: {  	_ =	shalt  }
0x51: {  	_ =	shalt  }
0x52: {  	_ =	shalt  }
0x53: {  	_ =	shalt  }
0x54: {  	_ =	shalt  }
0x55: {  	_ =	shalt  }
0x56: {  	_ =	shalt  }
0x57: {  	_ =	shalt  }
0x58: {  	_ =	shalt  }
0x59: {  	_ =	shalt  }
0x5a: {  	_ =	shalt  }
0x5b: {  	_ =	shalt  }
0x5c: {  	_ =	shalt  }
0x5d: {  	_ =	shalt  }
0x5e: {  	_ =	shalt  }
0x5f: {  	_ =	shalt  }
0x60: {  	_ =	shalt  }
0x61: {  	_ =	shalt  }
0x62: {  	_ =	shalt  }
0x63: {  	_ =	shalt  }
0x64: {  	_ =	shalt  }
0x65: {  	_ =	shalt  }
0x66: {  	_ =	shalt  }
0x67: {  	_ =	shalt  }
0x68: {  	_ =	shalt  }
0x69: {  	_ =	shalt  }
0x6a: {  	_ =	shalt  }
0x6b: {  	_ =	shalt  }
0x6c: {  	_ =	shalt  }
0x6d: {  	_ =	shalt  }
0x6e: {  	_ =	shalt  }
0x6f: {  	_ =	shalt  }
0x70: {  	_ =	shalt  }
0x71: {  	_ =	shalt  }
0x72: {  	_ =	shalt  }
0x73: {  	_ =	shalt  }
0x74: {  	_ =	shalt  }
0x75: {  	_ =	shalt  }
0x76: {  	_ =	shalt  }
0x77: {  	_ =	shalt  }
0x78: {  	_ =	shalt  }
0x79: {  	_ =	shalt  }
0x7a: {  	_ =	shalt  }
0x7b: {  	_ =	shalt  }
0x7c: {  	_ =	shalt  }
0x7d: {  	_ =	shalt  }
0x7e: {  	_ =	shalt  }
0x7f: {  	_ =	shalt  }
0x80: {  	_ =	shalt  }
0x81: {  	_ =	shalt  }
0x82: {  	_ =	shalt  }
0x83: {  	_ =	shalt  }
0x84: {  	_ =	shalt  }
0x85: {  	_ =	shalt  }
0x86: {  	_ =	shalt  }
0x87: {  	_ =	shalt  }
.Lfunc_end0:
.L_simem_size_0:
called_computation.1_lowered:
.L_overlay_start_0:
0x88: {  	s2 =	sld [smem:$0x3FD9]  }
0x89: {  	s3 =	sld [smem:$0x3FFE];
	_ =	sdelay $0x1  }
0x8a: {  	s1 =	srdreg.scid  }
0x8b: {  	s0 =	sand.u32 $0x1, s1  }
0x8c: {  	s17 =	sshll.u32 s0, $0xA;
	s2 =	sadd.s32 s3, s2  }
0x8d: {  	s2 =	sadd.s32 s2, s17  }
0x8e: {  	[smem:$0x3FC0] =	sst s2  }
0x8f: {  	_ = 	snop  }
0x90: {  	s2 =	sld [smem:$0x3FD0];
	(tm) =	ssettm $0x1  }
0x91: {  	s18 =	sld [smem:$0x3FFB];
	_ =	sdelay $0x3  }
0x92: {  	_ =	strace s18  }
0x93: {  	s3 =	sld [smem:$0x3FFC];
	_ =	sdelay $0x3  }
0x94: {  	_ =	strace s3  }
0x95: {  	s3 =	sld [smem:$0x3FFD];
	_ =	sdelay $0x3  }
0x96: {  	_ =	strace s3  }
0x97: {  	_ =	strace $0x8FFFFFFF  }
0x98: {  	s19 =	sld [smem:$0x3FDB];
	_ =	sdelay $0x1  }
0x99: {  	s4 =	simm.s32 $_scs_section_size  }
0x9a: {  	s5 =	simm.s32 $_size__tile_overlayer_lowered;
	s6 =	simm.s32 $_tile_overlayer_lowered  }
0x9b: {  	s22 =	simm.s32 $0x1BFF;
	s21 =	sshll.u32 s6, $0x1;
	s3 =	sadd.s32 s4, s19  }
0x9c: {  	s7 =	simm.s32 $0x0;
	s20 =	sshll.u32 s5, $0x1;
	s5 =	sadd.s32 s21, s3  }
0x9d: {  	[timem:s7], [sflag:s22] =	dma.local [hbm:s5], s20  }
0x9e: {  	_ =	swait.ge [sflag:s22], s20  }
0x9f: {  	s4 =	ssub.s32 $0x0, s20;
	[sflag:s22] =	ssyncset.done $0x0  }
0xa0: {  	[sflag:s22] =	ssyncadd.s32 s4;
	_ =	sdelay $0x1  }
0xa1: {  	s23 =	simm.s32 $0x1B8B  }
0xa2: {  	_ =	swait.ge [sflag:s23], $0x1  }
0xa3: {  	[sflag:s23] =	ssyncset.done $0x0  }
0xa4: {  	s25 =	simm.s32 $0x1B8E;
	s24 =	sld [smem:$0x3FFE];
	[sflag:s23] =	ssyncadd.s32 $0xFFFFFFFF  }
0xa5: {  	s26 =	simm.s32 $execute0_lowered;
	[smem:$0x3FD2] =	sst s25  }
0xa6: {  	s5 =	sshll.u32 s26, $0x1;
	_ =	strace $0x80000049;
	[dreg:$0x1] =	wrdreg $0xFFFFFFFF  }
0xa7: {  	s28 =	simm.s32 $_size_execute0_lowered;
	s3 =	sadd.s32 s3, s5;
	[dreg:$0x0] =	wrdreg $0x0  }
0xa8: {  	s5 =	sshll.u32 s28, $0x1;
	[dreg:$0x2] =	wrdreg s3  }
0xa9: {  	[dreg:$0x3] =	wrdreg s5  }
0xaa: {  	[dreg:$0x4] =	wrdreg $0xC0  }
0xab: {  	_ =	task [dreg:s7], $0x5FFFF  }
0xac: {  	[dreg:$0x1] =	wrdreg $0xFFFFFFFF  }
0xad: {  	[dreg:$0x0] =	wrdreg $0x60  }
0xae: {  	[dreg:$0x2] =	wrdreg s24  }
0xaf: {  	[dreg:$0x3] =	wrdreg s2  }
0xb0: {  	[dreg:$0x4] =	wrdreg $0xA8000  }
0xb1: {  	[dreg:$0x5] =	wrdreg $0x9  }
0xb2: {  	_ =	task.clear_ibuf [dreg:s7], $0x6FFFF;
	_ =	strace $0x90000049  }
0xb3: {  	s29 =	simm.s32 $0x9;
	_ =	strace $0x8000004F  }
0xb4: {  	_ =	swait.ge [sflag:s29], $0x1  }
0xb5: {  	[sflag:s29] =	ssyncadd.s32 $0xFFFFFFFF  }
0xb6: {  	_ =	strace $0x9000004F  }
0xb7: {  	_ =	sfence  }
0xb8: {  	s30 =	sld [smem:$0x0];
	_ =	sdelay $0x2  }
0xb9: {  	s31 =	sshll.u32 s1, $0xD;
	s1 =	sshrl.u32 s1, $0x2  }
0xba: {  	s3 =	sand.u32 $0x4000, s31;
	s1 =	sadd.s32 s1, s30  }
0xbb: {  	s0 =	sor.u32 s3, s0;
	s1 =	sshll.u32 s1, $0x11  }
0xbc: {  	s0 =	sor.u32 s1, s0  }
0xbd: {  	s0 =	sadd.s32 $0x8F2B, s0  }
0xbe: {  	[sflag:s0] =	ssyncadd.remote.s32 $0x1  }
0xbf: {  	_ =	sfence.sel $0xFFFF  }
0xc0: {  	[dreg:$0x0] =	wrdreg $0xFFFFFFFF;
	(pc) =	sbr.abs _section_cstart, $3  }
0xc1: {  	[dreg:$0x1] =	wrdreg $0xFFFFFFFF  }
0xc2: {  	_ =	task.clear_ibuf [dreg:s7], $0x2FFFF;
	_ =	strace $0x9FFFFFFF  }
0xc3: {  	(tm) =	ssettm $0x7FFFFFFF  }
tec
execute0_lowered:
.L_overlay_start_1:
0x0: {  	(tag) =	ssettag $0x1  }
0x1: {  	s6 =	rddreg [dreg:$0x0]  }
0x2: {  	s9 =	rddreg [dreg:$0x1]  }
0x3: {  	s1 =	rddreg [dreg:$0x2]  }
0x4: {  	s0 =	rddreg [dreg:$0x3];
	s3 =	simm.s32 $0x0  }
0x5: {  	s4 =	srdreg.scid;
	s2 =	stileid.u32;
	s16 =	simm.s32 $0x80  }
0x6: {  	s17 =	simm.s32 $0x2800;
	s18 =	simm.s32 $0x6800;
	s19 =	simm.s32 $0x1  }
0x7: {  	s20 =	simm.s32 $0x2;
	s21 =	simm.s32 $0x2700;
	s22 =	simm.s32 $0x2780  }
0x8: {  	s23 =	simm.s32 $0x0;
	[smem:$0x7FF] =	sst s3;
	s7 =	sand.u32 $0x1, s4  }
0x9: {  	s8 =	smul.u32 $0x14000, s2;
	s4 =	sadd.s32 $0x16400, s6;
	s12 =	sadd.s32 $0xC400, s6  }
0xa: {  	s5 =	sadd.s32 $0x2400, s6;
	s10 =	smul.u32 $0x140000, s7;
	s11 =	sshll.u32 s7, $0x4  }
0xb: {  	s31 =	sshll.u32 s2, $0x6;
	_ =	strace $0x8000004A;
	s11 =	sor.u32 s2, s11  }
0xc: {  	s7 =	ssub.s32 $0x2, s7;
	s10 =	sadd.s32 s8, s10;
	s13 =	smul.u32 $0x2800, s11  }
0xd: {  	s14 =	sshrl.u32 s7, $0x1;
	s11 =	smul.u32 $0x500, s11;
	s10 =	sshrl.u32 s10, $0x3  }
0xe: {  	s30 =	sadd.s32 s8, s1;
	s14 =	ssub.s32 s7, s14;
	s10 =	sadd.s32 s10, s6  }
0xf: {  	s29 =	sshrl.u32 s13, $0x3;
	s6 =	sadd.s32 s12, s11;
	s7 =	sadd.s32 s9, s11  }
0x10: {  	s11 =	smax.u32 s14, $0x1;
	s13 =	sshrl.u32 s30, $0x3;
	s15 =	sadd.s32 $0x280, s29  }
0x11: {  	s14 =	simm.s32 $0x3;
	s10 =	sadd.s32 $0x3E400, s10;
	s8 =	sadd.s32 s12, s15  }
0x12: {  	s9 =	sadd.s32 s9, s15;
	s12 =	sor.u32 $0x1C03, s31;
	s15 =	simm.s32 $0x1400  }
.LBB2_1:
0x13: {  	_ =	strace $0x8000004B  }
0x14: {  	[spmem:s13], [sflag:s12] =	dma.local [hbm:s5], $0x2800  }
0x15: {  	_ =	swait.ge [sflag:s14], $0x2800  }
0x16: {  	[sflag:s14] =	ssyncset.done $0x0  }
0x17: {  	[sflag:s14] =	ssyncadd.s32 $0xFFFFD800  }
0x18: {  	[bflag:$0x0] =	sbarrier.arrive $0xFFFF  }
0x19: {  	_ =	strace $0x9000004B  }
0x1a: {  	[tilespmem:s3], [sflag:$0x3] =	stream.linear.gather [hbm4b:s6+s3], $0x1400, $0x38;
	[tilespmem:$0x1E800] =	vst v63  }
0x1b: {  	_ =	swait.ge [sflag:s14], $0x1400  }
0x1c: {  	[sflag:s14] =	ssyncset.done $0x0  }
0x1d: {  	[sflag:s14] =	ssyncadd.s32 $0xFFFFEC00  }
0x1e: {  	[tilespmem:s15], [sflag:$0x3] =	stream.linear.gather [hbm4b:s7+s3], $0x1400, $0x38;
	[tilespmem:$0x1E800] =	vst v63  }
0x1f: {  	_ =	swait.ge [sflag:s14], $0x1400  }
0x20: {  	[sflag:s14] =	ssyncset.done $0x0  }
0x21: {  	[sflag:s14] =	ssyncadd.s32 $0xFFFFEC00  }
0x22: {  	[tilespmem:s17], [sflag:$0x1] =	stream.indirect.gather [hbm4b:s4+s16], $0x80, s3, s16, $0xb8;
	[tilespmem:$0x1E800] =	vst v63  }
0x23: {  	_ = 	snop  }
0x24: {  	[tilespmem:s18], [sflag:$0x2] =	stream.indirect.gather [hbm4b:s4+s16], $0x80, s16, s16, $0xb8;
	[tilespmem:$0x1E800] =	vst v63  }
0x25: {  	_ =	strace $0x8000004C  }
0x26: {  	_ =	swait.ge [sflag:s19], $0x4000  }
0x27: {  	[sflag:s19] =	ssyncset.done $0x0  }
0x28: {  	s24 =	simm.s32 $0x1400;
	[sflag:s19] =	ssyncadd.s32 $0xFFFFC000  }
0x29: {  	[spmem:s1] =	stream.indirect.scatter.add.f32 [tilespmem:s17], [sflag:$0x3], $0x80, s24, s16, $0x2000b8;
	[tilespmem:$0x1E800] =	vst v63  }
0x2a: {  	_ =	swait.ge [sflag:s14], $0x4000  }
0x2b: {  	[sflag:s14] =	ssyncset.done $0x0  }
0x2c: {  	s30 =	simm.s32 $0x100;
	[sflag:s14] =	ssyncadd.s32 $0xFFFFC000  }
0x2d: {  	[tilespmem:s17], [sflag:$0x1] =	stream.indirect.gather [hbm4b:s4+s16], $0x80, s30, s16, $0x2000b8;
	[tilespmem:$0x1E800] =	vst v63  }
0x2e: {  	_ =	swait.ge [sflag:s20], $0x4000  }
0x2f: {  	[sflag:s20] =	ssyncset.done $0x0  }
0x30: {  	s31 =	simm.s32 $0x1480;
	[sflag:s20] =	ssyncadd.s32 $0xFFFFC000  }
0x31: {  	[spmem:s1] =	stream.indirect.scatter.add.f32 [tilespmem:s18], [sflag:$0x3], $0x80, s31, s16, $0x2000b8;
	[tilespmem:$0x1E800] =	vst v63  }
0x32: {  	_ =	swait.ge [sflag:s14], $0x4000  }
0x33: {  	[sflag:s14] =	ssyncset.done $0x0  }
0x34: {  	s25 =	simm.s32 $0x180;
	s24 =	simm.s32 $0x400;
	[sflag:s14] =	ssyncadd.s32 $0xFFFFC000  }
.LBB2_2:
0x35: {  	[tilespmem:s18], [sflag:$0x2] =	stream.indirect.gather [hbm4b:s4+s16], $0x80, s25, s16, $0x2000b8;
	[tilespmem:$0x1E800] =	vst v63  }
0x36: {  	s25 =	smov.u32 s24  }
0x37: {  	p0 =	sne.s32 s24, $0x4800;
	s24 =	sadd.s32 $0x400, s24;
	_ =	swait.ge [sflag:s19], $0x4000  }
0x38: {  	s25 =	sshra.s32 s25, $0x2;
	[sflag:s19] =	ssyncset.done $0x0  }
0x39: {  	s26 =	sadd.s32 $0x1400, s25;
	[sflag:s19] =	ssyncadd.s32 $0xFFFFC000  }
0x3a: {  	[spmem:s1] =	stream.indirect.scatter.add.f32 [tilespmem:s17], [sflag:$0x3], $0x80, s26, s16, $0x2000b8;
	[tilespmem:$0x1E800] =	vst v63  }
0x3b: {  	_ =	swait.ge [sflag:s14], $0x4000  }
0x3c: {  	[sflag:s14] =	ssyncset.done $0x0  }
0x3d: {  	s26 =	sadd.s32 $0x100, s25;
	[sflag:s14] =	ssyncadd.s32 $0xFFFFC000  }
0x3e: {  	[tilespmem:s17], [sflag:$0x1] =	stream.indirect.gather [hbm4b:s4+s16], $0x80, s26, s16, $0x2000b8;
	[tilespmem:$0x1E800] =	vst v63  }
0x3f: {  	_ =	swait.ge [sflag:s20], $0x4000  }
0x40: {  	[sflag:s20] =	ssyncset.done $0x0  }
.Ltmp0:
0x41: {  	s26 =	sadd.s32 $0x1480, s25;
	[sflag:s20] =	ssyncadd.s32 $0xFFFFC000;
	(pc) =	sbr.rel @p0 .LBB2_2-.Ltmp0, $4  }
0x42: {  	[spmem:s1] =	stream.indirect.scatter.add.f32 [tilespmem:s18], [sflag:$0x3], $0x80, s26, s16, $0x2000b8;
	[tilespmem:$0x1E800] =	vst v63  }
0x43: {  	_ =	swait.ge [sflag:s14], $0x4000  }
0x44: {  	[sflag:s14] =	ssyncset.done $0x0  }
0x45: {  	s25 =	sadd.s32 $0x180, s25;
	[sflag:s14] =	ssyncadd.s32 $0xFFFFC000  }
0x46: {  	[tilespmem:s18], [sflag:$0x2] =	stream.indirect.gather [hbm4b:s4+s16], $0x80, s25, s16, $0x2000b8;
	[tilespmem:$0x1E800] =	vst v63  }
0x47: {  	_ =	strace $0x9000004C  }
0x48: {  	_ =	swait.ge [sflag:s19], $0x4000  }
0x49: {  	[sflag:s19] =	ssyncset.done $0x0  }
0x4a: {  	[sflag:s19] =	ssyncadd.s32 $0xFFFFC000  }
0x4b: {  	[spmem:s1] =	stream.indirect.scatter.add.f32 [tilespmem:s17], [sflag:$0x3], $0x80, s21, s16, $0xb8;
	[tilespmem:$0x1E800] =	vst v63  }
0x4c: {  	_ =	swait.ge [sflag:s14], $0x4000  }
0x4d: {  	[sflag:s14] =	ssyncset.done $0x0  }
0x4e: {  	[sflag:s14] =	ssyncadd.s32 $0xFFFFC000  }
0x4f: {  	_ =	swait.ge [sflag:s20], $0x4000  }
0x50: {  	[sflag:s20] =	ssyncset.done $0x0  }
0x51: {  	[sflag:s20] =	ssyncadd.s32 $0xFFFFC000  }
0x52: {  	[spmem:s1] =	stream.indirect.scatter.add.f32 [tilespmem:s18], [sflag:$0x3], $0x80, s22, s16, $0xb8;
	[tilespmem:$0x1E800] =	vst v63  }
0x53: {  	_ =	swait.ge [sflag:s14], $0x4000  }
0x54: {  	[sflag:s14] =	ssyncset.done $0x0  }
0x55: {  	s24 =	simm.s32 $0x0;
	[sflag:s14] =	ssyncadd.s32 $0xFFFFC000  }
0x56: {  	[tilespmem:s24], [sflag:$0x3] =	stream.linear.gather [hbm4b:s8+s24], $0x1400, $0x38;
	[tilespmem:$0x1E800] =	vst v63  }
0x57: {  	_ =	swait.ge [sflag:s14], $0x1400  }
0x58: {  	[sflag:s14] =	ssyncset.done $0x0  }
0x59: {  	[sflag:s14] =	ssyncadd.s32 $0xFFFFEC00  }
0x5a: {  	[tilespmem:s15], [sflag:$0x3] =	stream.linear.gather [hbm4b:s9+s24], $0x1400, $0x38;
	[tilespmem:$0x1E800] =	vst v63  }
0x5b: {  	_ =	swait.ge [sflag:s14], $0x1400  }
0x5c: {  	[sflag:s14] =	ssyncset.done $0x0  }
0x5d: {  	[sflag:s14] =	ssyncadd.s32 $0xFFFFEC00  }
0x5e: {  	[tilespmem:s17], [sflag:$0x1] =	stream.indirect.gather [hbm4b:s4+s16], $0x80, s24, s16, $0xb8;
	[tilespmem:$0x1E800] =	vst v63  }
0x5f: {  	_ = 	snop  }
0x60: {  	[tilespmem:s18], [sflag:$0x2] =	stream.indirect.gather [hbm4b:s4+s16], $0x80, s16, s16, $0xb8;
	[tilespmem:$0x1E800] =	vst v63  }
0x61: {  	_ =	strace $0x8000004D  }
0x62: {  	_ =	swait.ge [sflag:s19], $0x4000  }
0x63: {  	[sflag:s19] =	ssyncset.done $0x0  }
0x64: {  	s29 =	simm.s32 $0x1400;
	[sflag:s19] =	ssyncadd.s32 $0xFFFFC000  }
0x65: {  	[spmem:s1] =	stream.indirect.scatter.add.f32 [tilespmem:s17], [sflag:$0x3], $0x80, s29, s16, $0x2000b8;
	[tilespmem:$0x1E800] =	vst v63  }
0x66: {  	_ =	swait.ge [sflag:s14], $0x4000  }
0x67: {  	[sflag:s14] =	ssyncset.done $0x0  }
0x68: {  	s30 =	simm.s32 $0x100;
	[sflag:s14] =	ssyncadd.s32 $0xFFFFC000  }
0x69: {  	[tilespmem:s17], [sflag:$0x1] =	stream.indirect.gather [hbm4b:s4+s16], $0x80, s30, s16, $0x2000b8;
	[tilespmem:$0x1E800] =	vst v63  }
0x6a: {  	_ =	swait.ge [sflag:s20], $0x4000  }
0x6b: {  	[sflag:s20] =	ssyncset.done $0x0  }
0x6c: {  	s31 =	simm.s32 $0x1480;
	[sflag:s20] =	ssyncadd.s32 $0xFFFFC000  }
0x6d: {  	[spmem:s1] =	stream.indirect.scatter.add.f32 [tilespmem:s18], [sflag:$0x3], $0x80, s31, s16, $0x2000b8;
	[tilespmem:$0x1E800] =	vst v63  }
0x6e: {  	_ =	swait.ge [sflag:s14], $0x4000  }
0x6f: {  	[sflag:s14] =	ssyncset.done $0x0  }
0x70: {  	s25 =	simm.s32 $0x180;
	s24 =	simm.s32 $0x400;
	[sflag:s14] =	ssyncadd.s32 $0xFFFFC000  }
.LBB2_4:
0x71: {  	[tilespmem:s18], [sflag:$0x2] =	stream.indirect.gather [hbm4b:s4+s16], $0x80, s25, s16, $0x2000b8;
	[tilespmem:$0x1E800] =	vst v63  }
0x72: {  	s25 =	smov.u32 s24  }
0x73: {  	p0 =	sne.s32 s24, $0x4800;
	s24 =	sadd.s32 $0x400, s24;
	_ =	swait.ge [sflag:s19], $0x4000  }
0x74: {  	s25 =	sshra.s32 s25, $0x2;
	[sflag:s19] =	ssyncset.done $0x0  }
0x75: {  	s26 =	sadd.s32 $0x1400, s25;
	[sflag:s19] =	ssyncadd.s32 $0xFFFFC000  }
0x76: {  	[spmem:s1] =	stream.indirect.scatter.add.f32 [tilespmem:s17], [sflag:$0x3], $0x80, s26, s16, $0x2000b8;
	[tilespmem:$0x1E800] =	vst v63  }
0x77: {  	_ =	swait.ge [sflag:s14], $0x4000  }
0x78: {  	[sflag:s14] =	ssyncset.done $0x0  }
0x79: {  	s26 =	sadd.s32 $0x100, s25;
	[sflag:s14] =	ssyncadd.s32 $0xFFFFC000  }
0x7a: {  	[tilespmem:s17], [sflag:$0x1] =	stream.indirect.gather [hbm4b:s4+s16], $0x80, s26, s16, $0x2000b8;
	[tilespmem:$0x1E800] =	vst v63  }
0x7b: {  	_ =	swait.ge [sflag:s20], $0x4000  }
0x7c: {  	[sflag:s20] =	ssyncset.done $0x0  }
.Ltmp1:
0x7d: {  	s26 =	sadd.s32 $0x1480, s25;
	[sflag:s20] =	ssyncadd.s32 $0xFFFFC000;
	(pc) =	sbr.rel @p0 .LBB2_4-.Ltmp1, $4  }
0x7e: {  	[spmem:s1] =	stream.indirect.scatter.add.f32 [tilespmem:s18], [sflag:$0x3], $0x80, s26, s16, $0x2000b8;
	[tilespmem:$0x1E800] =	vst v63  }
0x7f: {  	_ =	swait.ge [sflag:s14], $0x4000  }
0x80: {  	[sflag:s14] =	ssyncset.done $0x0  }
0x81: {  	s25 =	sadd.s32 $0x180, s25;
	[sflag:s14] =	ssyncadd.s32 $0xFFFFC000  }
0x82: {  	[tilespmem:s18], [sflag:$0x2] =	stream.indirect.gather [hbm4b:s4+s16], $0x80, s25, s16, $0x2000b8;
	[tilespmem:$0x1E800] =	vst v63  }
0x83: {  	_ =	strace $0x9000004D  }
0x84: {  	_ =	swait.ge [sflag:s19], $0x4000  }
0x85: {  	[sflag:s19] =	ssyncset.done $0x0  }
0x86: {  	[sflag:s19] =	ssyncadd.s32 $0xFFFFC000  }
0x87: {  	[spmem:s1] =	stream.indirect.scatter.add.f32 [tilespmem:s17], [sflag:$0x3], $0x80, s21, s16, $0xb8;
	[tilespmem:$0x1E800] =	vst v63  }
0x88: {  	_ =	swait.ge [sflag:s14], $0x4000  }
0x89: {  	[sflag:s14] =	ssyncset.done $0x0  }
0x8a: {  	[sflag:s14] =	ssyncadd.s32 $0xFFFFC000  }
0x8b: {  	_ =	swait.ge [sflag:s20], $0x4000  }
0x8c: {  	[sflag:s20] =	ssyncset.done $0x0  }
0x8d: {  	[sflag:s20] =	ssyncadd.s32 $0xFFFFC000  }
0x8e: {  	[spmem:s1] =	stream.indirect.scatter.add.f32 [tilespmem:s18], [sflag:$0x3], $0x80, s22, s16, $0xb8;
	[tilespmem:$0x1E800] =	vst v63  }
0x8f: {  	_ =	swait.ge [sflag:s14], $0x4000  }
0x90: {  	[sflag:s14] =	ssyncset.done $0x0  }
0x91: {  	[sflag:s14] =	ssyncadd.s32 $0xFFFFC000  }
0x92: {  	s23 =	sadd.s32 $0x1, s23;
	_ =	strace $0x8000004E  }
0x93: {  	p0 =	sne.s32 s23, s11;
	[bflag:$0x0] =	sbarrier.arrive $0xFFFF  }
0x94: {  	[hbm:s10], [sflag:s12] =	dma.local [spmem:s13], $0x2800  }
.Ltmp2:
0x95: {  	_ = 	snop;
	(pc) =	sbr.rel @p0 .LBB2_1-.Ltmp2, $4  }
0x96: {  	_ =	swait.ge [sflag:s14], $0x2800  }
0x97: {  	[sflag:s14] =	ssyncset.done $0x0  }
0x98: {  	[sflag:s14] =	ssyncadd.s32 $0xFFFFD800  }
0x99: {  	_ =	strace $0x9000004E  }
0x9a: {  	_ =	sfence.sel $0x180000  }
0x9b: {  	[bflag:$0x0] =	sbarrier.arrive $0xFFFF  }
0x9c: {  	p0 =	sne.s32 s2, $0x0;
	_ =	strace $0x9000004A  }
0x9d: {  	s0 =	sadd.s32 @!p0 $0x100000, s0;
	[bflag:$0x2] =	sbarrier.arrive $0xFFFF  }
0x9e: {  	[sflag:s0] =	ssyncadd.tile.s32 @!p0 $0x1;
	_ =	shalt  }
.Lfunc_end2:
_tile_overlayer_lowered:
.L_overlay_start_2:
0x9f: {  	(tag) =	ssettag $0x2  }
0xa0: {  	s0 =	rddreg [dreg:$0x0];
	s2 =	stileid.u32  }
0xa1: {  	s1 =	rddreg [dreg:$0x1];
	p0 =	sne.s32 s2, $0x0  }
0xa2: {  	s3 =	rddreg [dreg:$0x2];
	[bflag:$0x3] =	sbarrier.arrive $0xFFFF;
	s2 =	simm.s32 @!p0 $0x1C03  }
0xa3: {  	[timem:s3], [sflag:s2] =	dma.local @!p0 [hbm:s0], s1  }
0xa4: {  	s0 =	simm.s32 @!p0 $0x3  }
0xa5: {  	_ =	swait.ge @!p0 [sflag:s0], s1  }
0xa6: {  	s1 =	ssub.s32 @!p0 $0x0, s1;
	[sflag:s0] =	ssyncset.done @!p0 $0x0  }
0xa7: {  	[sflag:s0] =	ssyncadd.s32 @!p0 s1  }
0xa8: {  	[bflag:$0x3] =	sbarrier.arrive $0xFFFF  }
0xa9: {  	_ =	shalt  }

// kernel: kernel.16.cloned.1.call-start
scs
__scs_entry_jumppad:
0x0: {  	(pc) =	sbr.rel $0x88, $3  }
0x1: {  	(tag) =	ssettag $0x0;
	lr =	simm.s32 $0x1  }
0x2: {  	[smem:$0x3F99] =	sst lr;
	_ =	strace $0xD0000000  }
0x3: {  	_ = 	snop  }
0x4: {  	_ = 	snop  }
0x5: {  	_ = 	snop  }
0x6: {  	_ = 	snop  }
0x7: {  	_ = 	snop  }
__scs_overlays_trampoline_lowered:
0x8: {  	[smem:$0x3FA8] =	sst s0  }
0x9: {  	[smem:$0x3FA9] =	sst s1  }
0xa: {  	[smem:$0x3FAA] =	sst s2  }
0xb: {  	[smem:$0x3FAB] =	sst s3  }
0xc: {  	[smem:$0x3FAC] =	sst s4  }
0xd: {  	[smem:$0x3FAD] =	sst s5  }
0xe: {  	[smem:$0x3FAE] =	sst s6  }
0xf: {  	[smem:$0x3FAF] =	sst s7  }
0x10: {  	[smem:$0x3FB0] =	sst s8  }
0x11: {  	[smem:$0x3FB1] =	sst s9;
	s0 =	simm.s32 @!p0 $0x0  }
0x12: {  	s1 =	sld [smem:$0x3F97];
	s0 =	simm.s32 @p0 $0x1  }
0x13: {  	[smem:$0x3FB2] =	sst s0;
	s0 =	simm.s32 @!p1 $0x0  }
0x14: {  	s2 =	sld [smem:$0x3F96];
	s0 =	simm.s32 @p1 $0x1  }
0x15: {  	[smem:$0x3FB3] =	sst s0;
	s0 =	simm.s32 @!p2 $0x0  }
0x16: {  	s3 =	sld [smem:$0x3FDB];
	s0 =	simm.s32 @p2 $0x1  }
0x17: {  	s4 =	simm.s32 $0x1BF5;
	[smem:$0x3FB5] =	sst s0  }
0x18: {  	s0 =	sld [smem:$0x3F98];
	_ =	swait.ge [sflag:s4], $0x0  }
0x19: {  	s7 =	sld [smem:$0x3F99]  }
0x1a: {  	s8 =	sadd.s32 $0xFFFFE003, lr  }
0x1b: {  	s9 =	sadd.s32 $0xFFFFFEF7, lr;
	s5 =	simm.s32 $0xFFFFFFFF;
	p2 =	slt.u32 s8, $0xFFFFF086  }
0x1c: {  	p1 =	slt.u32 s9, $0xF7A;
	s5 =	simm.s32 @!p2 $0x0  }
0x1d: {  	s5 =	simm.s32 @p1 $0x1;
	p0 =	seq.s32 s7, s2  }
0x1e: {  	s7 =	smul.u32 @!p0 $0xF7A, s2;
	p2 =	seq.s32 @!p0 s5, $0x0  }
0x1f: {  	s9 =	smul.u32 $0xF7A, s1;
	s8 =	simm.s32 @!p0 $0x1BF5;
	p2 =	por !p2, p0  }
0x20: {  	[sflag:s8] =	ssyncset.s32 @!p0 $0xFFFFF086;
	s6 =	sadd.s32 @!p0 s3, s7;
	s7 =	simm.s32 @!p0 $0x108  }
0x21: {  	s3 =	sadd.s32 s3, s9;
	s6 =	sadd.s32 @!p0 $0x88, s6;
	s7 =	simm.s32 @p2 $0x1082  }
0x22: {  	[simem:s7], [sflag:s8] =	dma.local @!p0 [hbm:s6], $0xF7A  }
0x23: {  	s9 =	sor.u32 $0xD0000000, s2;
	s6 =	simm.s32 $0x108;
	_ =	swait.ge @!p0 [sflag:s8], $0x0  }
0x24: {  	s3 =	sadd.s32 $0x88, s3;
	s6 =	simm.s32 @!p1 $0x1082;
	[sflag:s4] =	ssyncset.s32 $0xFFFFF086  }
0x25: {  	[simem:s6], [sflag:s4] =	dma.local [hbm:s3], $0xF7A  }
0x26: {  	[smem:$0x3F99] =	sst s1;
	(tag) =	ssettag s2;
	_ =	strace s9  }
0x27: {  	s1 =	sld [smem:$0x3FA9]  }
0x28: {  	s2 =	sld [smem:$0x3FAA]  }
0x29: {  	s4 =	sld [smem:$0x3FAC]  }
0x2a: {  	p0 =	seq.s32 s5, $0x0;
	s5 =	sld [smem:$0x3FAD]  }
0x2b: {  	s6 =	sld [smem:$0x3FAE]  }
0x2c: {  	s7 =	sld [smem:$0x3FAF]  }
0x2d: {  	s3 =	simm.s32 $0x108;
	s8 =	sld [smem:$0x3FB0]  }
0x2e: {  	s3 =	simm.s32 @!p0 $0x1082;
	s9 =	sld [smem:$0x3FB1]  }
0x2f: {  	lr =	sadd.s32 s0, s3;
	s0 =	sld [smem:$0x3FA8]  }
0x30: {  	s3 =	sld [smem:$0x3FAB]  }
0x31: {  	[smem:$0x3FB4] =	sst s10  }
0x32: {  	s10 =	sld [smem:$0x3FB2];
	_ =	sdelay $0x3  }
0x33: {  	p0 =	seq.s32 s10, $0x1;
	s10 =	sld [smem:$0x3FB4];
	_ =	sdelay $0x3  }
0x34: {  	[smem:$0x3FB4] =	sst s10  }
0x35: {  	s10 =	sld [smem:$0x3FB3];
	_ =	sdelay $0x3  }
0x36: {  	p1 =	seq.s32 s10, $0x1;
	s10 =	sld [smem:$0x3FB4];
	_ =	sdelay $0x3  }
0x37: {  	[smem:$0x3FB4] =	sst s10  }
0x38: {  	s10 =	sld [smem:$0x3FB5]  }
0x39: {  	_ = 	snop;
	(pc) =	sbr.ind lr, $3  }
0x3a: {  	_ = 	snop  }
0x3b: {  	_ = 	snop  }
0x3c: {  	p2 =	seq.s32 s10, $0x1;
	s10 =	sld [smem:$0x3FB4]  }
0x3d: {  	_ =	shalt  }
0x3e: {  	_ =	shalt  }
0x3f: {  	_ =	shalt  }
0x40: {  	_ =	shalt  }
0x41: {  	_ =	shalt  }
0x42: {  	_ =	shalt  }
0x43: {  	_ =	shalt  }
0x44: {  	_ =	shalt  }
0x45: {  	_ =	shalt  }
0x46: {  	_ =	shalt  }
0x47: {  	_ =	shalt  }
0x48: {  	_ =	shalt  }
0x49: {  	_ =	shalt  }
0x4a: {  	_ =	shalt  }
0x4b: {  	_ =	shalt  }
0x4c: {  	_ =	shalt  }
0x4d: {  	_ =	shalt  }
0x4e: {  	_ =	shalt  }
0x4f: {  	_ =	shalt  }
0x50: {  	_ =	shalt  }
0x51: {  	_ =	shalt  }
0x52: {  	_ =	shalt  }
0x53: {  	_ =	shalt  }
0x54: {  	_ =	shalt  }
0x55: {  	_ =	shalt  }
0x56: {  	_ =	shalt  }
0x57: {  	_ =	shalt  }
0x58: {  	_ =	shalt  }
0x59: {  	_ =	shalt  }
0x5a: {  	_ =	shalt  }
0x5b: {  	_ =	shalt  }
0x5c: {  	_ =	shalt  }
0x5d: {  	_ =	shalt  }
0x5e: {  	_ =	shalt  }
0x5f: {  	_ =	shalt  }
0x60: {  	_ =	shalt  }
0x61: {  	_ =	shalt  }
0x62: {  	_ =	shalt  }
0x63: {  	_ =	shalt  }
0x64: {  	_ =	shalt  }
0x65: {  	_ =	shalt  }
0x66: {  	_ =	shalt  }
0x67: {  	_ =	shalt  }
0x68: {  	_ =	shalt  }
0x69: {  	_ =	shalt  }
0x6a: {  	_ =	shalt  }
0x6b: {  	_ =	shalt  }
0x6c: {  	_ =	shalt  }
0x6d: {  	_ =	shalt  }
0x6e: {  	_ =	shalt  }
0x6f: {  	_ =	shalt  }
0x70: {  	_ =	shalt  }
0x71: {  	_ =	shalt  }
0x72: {  	_ =	shalt  }
0x73: {  	_ =	shalt  }
0x74: {  	_ =	shalt  }
0x75: {  	_ =	shalt  }
0x76: {  	_ =	shalt  }
0x77: {  	_ =	shalt  }
0x78: {  	_ =	shalt  }
0x79: {  	_ =	shalt  }
0x7a: {  	_ =	shalt  }
0x7b: {  	_ =	shalt  }
0x7c: {  	_ =	shalt  }
0x7d: {  	_ =	shalt  }
0x7e: {  	_ =	shalt  }
0x7f: {  	_ =	shalt  }
0x80: {  	_ =	shalt  }
0x81: {  	_ =	shalt  }
0x82: {  	_ =	shalt  }
0x83: {  	_ =	shalt  }
0x84: {  	_ =	shalt  }
0x85: {  	_ =	shalt  }
0x86: {  	_ =	shalt  }
0x87: {  	_ =	shalt  }
.Lfunc_end0:
.L_simem_size_0:
called_computation.2_lowered:
.L_overlay_start_0:
0x88: {  	s2 =	sld [smem:$0x3FD9]  }
0x89: {  	s3 =	sld [smem:$0x3FFE];
	_ =	sdelay $0x1  }
0x8a: {  	s1 =	srdreg.scid  }
0x8b: {  	s0 =	sand.u32 $0x1, s1  }
0x8c: {  	s17 =	sshll.u32 s0, $0xA;
	s2 =	sadd.s32 s3, s2  }
0x8d: {  	s2 =	sadd.s32 s2, s17  }
0x8e: {  	[smem:$0x3FC0] =	sst s2  }
0x8f: {  	_ = 	snop  }
0x90: {  	s2 =	sld [smem:$0x3FD0];
	(tm) =	ssettm $0x1  }
0x91: {  	s18 =	sld [smem:$0x3FFB];
	_ =	sdelay $0x3  }
0x92: {  	_ =	strace s18  }
0x93: {  	s3 =	sld [smem:$0x3FFC];
	_ =	sdelay $0x3  }
0x94: {  	_ =	strace s3  }
0x95: {  	s3 =	sld [smem:$0x3FFD];
	_ =	sdelay $0x3  }
0x96: {  	_ =	strace s3  }
0x97: {  	_ =	strace $0x8FFFFFFF  }
0x98: {  	s19 =	sld [smem:$0x3FDB];
	_ =	sdelay $0x1  }
0x99: {  	s4 =	simm.s32 $_scs_section_size  }
0x9a: {  	s5 =	simm.s32 $_size__tile_overlayer_lowered;
	s6 =	simm.s32 $_tile_overlayer_lowered  }
0x9b: {  	s22 =	simm.s32 $0x1BFF;
	s21 =	sshll.u32 s6, $0x1;
	s3 =	sadd.s32 s4, s19  }
0x9c: {  	s7 =	simm.s32 $0x0;
	s20 =	sshll.u32 s5, $0x1;
	s5 =	sadd.s32 s21, s3  }
0x9d: {  	[timem:s7], [sflag:s22] =	dma.local [hbm:s5], s20  }
0x9e: {  	_ =	swait.ge [sflag:s22], s20  }
0x9f: {  	s4 =	ssub.s32 $0x0, s20;
	[sflag:s22] =	ssyncset.done $0x0  }
0xa0: {  	[sflag:s22] =	ssyncadd.s32 s4;
	_ =	sdelay $0x1  }
0xa1: {  	s23 =	simm.s32 $0x1B8B  }
0xa2: {  	_ =	swait.ge [sflag:s23], $0x1  }
0xa3: {  	[sflag:s23] =	ssyncset.done $0x0  }
0xa4: {  	s25 =	simm.s32 $0x1B8E;
	s24 =	sld [smem:$0x3FFE];
	[sflag:s23] =	ssyncadd.s32 $0xFFFFFFFF  }
0xa5: {  	s26 =	simm.s32 $execute0_lowered;
	[smem:$0x3FD2] =	sst s25  }
0xa6: {  	s5 =	sshll.u32 s26, $0x1;
	_ =	strace $0x80000050;
	[dreg:$0x1] =	wrdreg $0xFFFFFFFF  }
0xa7: {  	s28 =	simm.s32 $_size_execute0_lowered;
	s3 =	sadd.s32 s3, s5;
	[dreg:$0x0] =	wrdreg $0x0  }
0xa8: {  	s5 =	sshll.u32 s28, $0x1;
	[dreg:$0x2] =	wrdreg s3  }
0xa9: {  	[dreg:$0x3] =	wrdreg s5  }
0xaa: {  	[dreg:$0x4] =	wrdreg $0xC0  }
0xab: {  	_ =	task [dreg:s7], $0x5FFFF  }
0xac: {  	[dreg:$0x1] =	wrdreg $0xFFFFFFFF  }
0xad: {  	[dreg:$0x0] =	wrdreg $0x60  }
0xae: {  	[dreg:$0x2] =	wrdreg s24  }
0xaf: {  	[dreg:$0x3] =	wrdreg s2  }
0xb0: {  	[dreg:$0x4] =	wrdreg $0xA8000  }
0xb1: {  	[dreg:$0x5] =	wrdreg $0x9  }
0xb2: {  	_ =	task.clear_ibuf [dreg:s7], $0x6FFFF;
	_ =	strace $0x90000050  }
0xb3: {  	s29 =	simm.s32 $0x9;
	_ =	strace $0x80000056  }
0xb4: {  	_ =	swait.ge [sflag:s29], $0x1  }
0xb5: {  	[sflag:s29] =	ssyncadd.s32 $0xFFFFFFFF  }
0xb6: {  	_ =	strace $0x90000056  }
0xb7: {  	_ =	sfence  }
0xb8: {  	s30 =	sld [smem:$0x0];
	_ =	sdelay $0x2  }
0xb9: {  	s31 =	sshll.u32 s1, $0xD;
	s1 =	sshrl.u32 s1, $0x2  }
0xba: {  	s3 =	sand.u32 $0x4000, s31;
	s1 =	sadd.s32 s1, s30  }
0xbb: {  	s0 =	sor.u32 s3, s0;
	s1 =	sshll.u32 s1, $0x11  }
0xbc: {  	s0 =	sor.u32 s1, s0  }
0xbd: {  	s0 =	sadd.s32 $0x8F2B, s0  }
0xbe: {  	[sflag:s0] =	ssyncadd.remote.s32 $0x1  }
0xbf: {  	_ =	sfence.sel $0xFFFF  }
0xc0: {  	[dreg:$0x0] =	wrdreg $0xFFFFFFFF;
	(pc) =	sbr.abs _section_cstart, $3  }
0xc1: {  	[dreg:$0x1] =	wrdreg $0xFFFFFFFF  }
0xc2: {  	_ =	task.clear_ibuf [dreg:s7], $0x2FFFF;
	_ =	strace $0x9FFFFFFF  }
0xc3: {  	(tm) =	ssettm $0x7FFFFFFF  }
tec
execute0_lowered:
.L_overlay_start_1:
0x0: {  	(tag) =	ssettag $0x1  }
0x1: {  	s6 =	rddreg [dreg:$0x0]  }
0x2: {  	s9 =	rddreg [dreg:$0x1]  }
0x3: {  	s1 =	rddreg [dreg:$0x2]  }
0x4: {  	s0 =	rddreg [dreg:$0x3];
	s3 =	simm.s32 $0x0  }
0x5: {  	s4 =	srdreg.scid;
	s2 =	stileid.u32;
	s16 =	simm.s32 $0x80  }
0x6: {  	s17 =	simm.s32 $0x2800;
	s18 =	simm.s32 $0x6800;
	s19 =	simm.s32 $0x1  }
0x7: {  	s20 =	simm.s32 $0x2;
	s21 =	simm.s32 $0x2700;
	s22 =	simm.s32 $0x2780  }
0x8: {  	s23 =	simm.s32 $0x0;
	[smem:$0x7FF] =	sst s3;
	s7 =	sand.u32 $0x1, s4  }
0x9: {  	s8 =	smul.u32 $0x14000, s2;
	s4 =	sadd.s32 $0x16400, s6;
	s12 =	sadd.s32 $0xC400, s6  }
0xa: {  	s5 =	sadd.s32 $0x2400, s6;
	s10 =	smul.u32 $0x140000, s7;
	s11 =	sshll.u32 s7, $0x4  }
0xb: {  	s31 =	sshll.u32 s2, $0x6;
	_ =	strace $0x80000051;
	s11 =	sor.u32 s2, s11  }
0xc: {  	s7 =	ssub.s32 $0x2, s7;
	s10 =	sadd.s32 s8, s10;
	s13 =	smul.u32 $0x2800, s11  }
0xd: {  	s14 =	sshrl.u32 s7, $0x1;
	s11 =	smul.u32 $0x500, s11;
	s10 =	sshrl.u32 s10, $0x3  }
0xe: {  	s30 =	sadd.s32 s8, s1;
	s14 =	ssub.s32 s7, s14;
	s10 =	sadd.s32 s10, s6  }
0xf: {  	s29 =	sshrl.u32 s13, $0x3;
	s6 =	sadd.s32 s12, s11;
	s7 =	sadd.s32 s9, s11  }
0x10: {  	s11 =	smax.u32 s14, $0x1;
	s13 =	sshrl.u32 s30, $0x3;
	s15 =	sadd.s32 $0x280, s29  }
0x11: {  	s14 =	simm.s32 $0x3;
	s10 =	sadd.s32 $0x3E400, s10;
	s8 =	sadd.s32 s12, s15  }
0x12: {  	s9 =	sadd.s32 s9, s15;
	s12 =	sor.u32 $0x1C03, s31;
	s15 =	simm.s32 $0x1400  }
.LBB2_1:
0x13: {  	_ =	strace $0x80000052  }
0x14: {  	[spmem:s13], [sflag:s12] =	dma.local [hbm:s5], $0x2800  }
0x15: {  	_ =	swait.ge [sflag:s14], $0x2800  }
0x16: {  	[sflag:s14] =	ssyncset.done $0x0  }
0x17: {  	[sflag:s14] =	ssyncadd.s32 $0xFFFFD800  }
0x18: {  	[bflag:$0x0] =	sbarrier.arrive $0xFFFF  }
0x19: {  	_ =	strace $0x90000052  }
0x1a: {  	[tilespmem:s3], [sflag:$0x3] =	stream.linear.gather [hbm4b:s6+s3], $0x1400, $0x38;
	[tilespmem:$0x1E800] =	vst v63  }
0x1b: {  	_ =	swait.ge [sflag:s14], $0x1400  }
0x1c: {  	[sflag:s14] =	ssyncset.done $0x0  }
0x1d: {  	[sflag:s14] =	ssyncadd.s32 $0xFFFFEC00  }
0x1e: {  	[tilespmem:s15], [sflag:$0x3] =	stream.linear.gather [hbm4b:s7+s3], $0x1400, $0x38;
	[tilespmem:$0x1E800] =	vst v63  }
0x1f: {  	_ =	swait.ge [sflag:s14], $0x1400  }
0x20: {  	[sflag:s14] =	ssyncset.done $0x0  }
0x21: {  	[sflag:s14] =	ssyncadd.s32 $0xFFFFEC00  }
0x22: {  	[tilespmem:s17], [sflag:$0x1] =	stream.indirect.gather [hbm4b:s4+s16], $0x80, s3, s16, $0xb8;
	[tilespmem:$0x1E800] =	vst v63  }
0x23: {  	_ = 	snop  }
0x24: {  	[tilespmem:s18], [sflag:$0x2] =	stream.indirect.gather [hbm4b:s4+s16], $0x80, s16, s16, $0xb8;
	[tilespmem:$0x1E800] =	vst v63  }
0x25: {  	_ =	strace $0x80000053  }
0x26: {  	_ =	swait.ge [sflag:s19], $0x4000  }
0x27: {  	[sflag:s19] =	ssyncset.done $0x0  }
0x28: {  	s24 =	simm.s32 $0x1400;
	[sflag:s19] =	ssyncadd.s32 $0xFFFFC000  }
0x29: {  	[spmem:s1] =	stream.indirect.scatter.add.f32 [tilespmem:s17], [sflag:$0x3], $0x80, s24, s16, $0x2000b8;
	[tilespmem:$0x1E800] =	vst v63  }
0x2a: {  	_ =	swait.ge [sflag:s14], $0x4000  }
0x2b: {  	[sflag:s14] =	ssyncset.done $0x0  }
0x2c: {  	s30 =	simm.s32 $0x100;
	[sflag:s14] =	ssyncadd.s32 $0xFFFFC000  }
0x2d: {  	[tilespmem:s17], [sflag:$0x1] =	stream.indirect.gather [hbm4b:s4+s16], $0x80, s30, s16, $0x2000b8;
	[tilespmem:$0x1E800] =	vst v63  }
0x2e: {  	_ =	swait.ge [sflag:s20], $0x4000  }
0x2f: {  	[sflag:s20] =	ssyncset.done $0x0  }
0x30: {  	s31 =	simm.s32 $0x1480;
	[sflag:s20] =	ssyncadd.s32 $0xFFFFC000  }
0x31: {  	[spmem:s1] =	stream.indirect.scatter.add.f32 [tilespmem:s18], [sflag:$0x3], $0x80, s31, s16, $0x2000b8;
	[tilespmem:$0x1E800] =	vst v63  }
0x32: {  	_ =	swait.ge [sflag:s14], $0x4000  }
0x33: {  	[sflag:s14] =	ssyncset.done $0x0  }
0x34: {  	s25 =	simm.s32 $0x180;
	s24 =	simm.s32 $0x400;
	[sflag:s14] =	ssyncadd.s32 $0xFFFFC000  }
.LBB2_2:
0x35: {  	[tilespmem:s18], [sflag:$0x2] =	stream.indirect.gather [hbm4b:s4+s16], $0x80, s25, s16, $0x2000b8;
	[tilespmem:$0x1E800] =	vst v63  }
0x36: {  	s25 =	smov.u32 s24  }
0x37: {  	p0 =	sne.s32 s24, $0x4800;
	s24 =	sadd.s32 $0x400, s24;
	_ =	swait.ge [sflag:s19], $0x4000  }
0x38: {  	s25 =	sshra.s32 s25, $0x2;
	[sflag:s19] =	ssyncset.done $0x0  }
0x39: {  	s26 =	sadd.s32 $0x1400, s25;
	[sflag:s19] =	ssyncadd.s32 $0xFFFFC000  }
0x3a: {  	[spmem:s1] =	stream.indirect.scatter.add.f32 [tilespmem:s17], [sflag:$0x3], $0x80, s26, s16, $0x2000b8;
	[tilespmem:$0x1E800] =	vst v63  }
0x3b: {  	_ =	swait.ge [sflag:s14], $0x4000  }
0x3c: {  	[sflag:s14] =	ssyncset.done $0x0  }
0x3d: {  	s26 =	sadd.s32 $0x100, s25;
	[sflag:s14] =	ssyncadd.s32 $0xFFFFC000  }
0x3e: {  	[tilespmem:s17], [sflag:$0x1] =	stream.indirect.gather [hbm4b:s4+s16], $0x80, s26, s16, $0x2000b8;
	[tilespmem:$0x1E800] =	vst v63  }
0x3f: {  	_ =	swait.ge [sflag:s20], $0x4000  }
0x40: {  	[sflag:s20] =	ssyncset.done $0x0  }
.Ltmp0:
0x41: {  	s26 =	sadd.s32 $0x1480, s25;
	[sflag:s20] =	ssyncadd.s32 $0xFFFFC000;
	(pc) =	sbr.rel @p0 .LBB2_2-.Ltmp0, $4  }
0x42: {  	[spmem:s1] =	stream.indirect.scatter.add.f32 [tilespmem:s18], [sflag:$0x3], $0x80, s26, s16, $0x2000b8;
	[tilespmem:$0x1E800] =	vst v63  }
0x43: {  	_ =	swait.ge [sflag:s14], $0x4000  }
0x44: {  	[sflag:s14] =	ssyncset.done $0x0  }
0x45: {  	s25 =	sadd.s32 $0x180, s25;
	[sflag:s14] =	ssyncadd.s32 $0xFFFFC000  }
0x46: {  	[tilespmem:s18], [sflag:$0x2] =	stream.indirect.gather [hbm4b:s4+s16], $0x80, s25, s16, $0x2000b8;
	[tilespmem:$0x1E800] =	vst v63  }
0x47: {  	_ =	strace $0x90000053  }
0x48: {  	_ =	swait.ge [sflag:s19], $0x4000  }
0x49: {  	[sflag:s19] =	ssyncset.done $0x0  }
0x4a: {  	[sflag:s19] =	ssyncadd.s32 $0xFFFFC000  }
0x4b: {  	[spmem:s1] =	stream.indirect.scatter.add.f32 [tilespmem:s17], [sflag:$0x3], $0x80, s21, s16, $0xb8;
	[tilespmem:$0x1E800] =	vst v63  }
0x4c: {  	_ =	swait.ge [sflag:s14], $0x4000  }
0x4d: {  	[sflag:s14] =	ssyncset.done $0x0  }
0x4e: {  	[sflag:s14] =	ssyncadd.s32 $0xFFFFC000  }
0x4f: {  	_ =	swait.ge [sflag:s20], $0x4000  }
0x50: {  	[sflag:s20] =	ssyncset.done $0x0  }
0x51: {  	[sflag:s20] =	ssyncadd.s32 $0xFFFFC000  }
0x52: {  	[spmem:s1] =	stream.indirect.scatter.add.f32 [tilespmem:s18], [sflag:$0x3], $0x80, s22, s16, $0xb8;
	[tilespmem:$0x1E800] =	vst v63  }
0x53: {  	_ =	swait.ge [sflag:s14], $0x4000  }
0x54: {  	[sflag:s14] =	ssyncset.done $0x0  }
0x55: {  	s24 =	simm.s32 $0x0;
	[sflag:s14] =	ssyncadd.s32 $0xFFFFC000  }
0x56: {  	[tilespmem:s24], [sflag:$0x3] =	stream.linear.gather [hbm4b:s8+s24], $0x1400, $0x38;
	[tilespmem:$0x1E800] =	vst v63  }
0x57: {  	_ =	swait.ge [sflag:s14], $0x1400  }
0x58: {  	[sflag:s14] =	ssyncset.done $0x0  }
0x59: {  	[sflag:s14] =	ssyncadd.s32 $0xFFFFEC00  }
0x5a: {  	[tilespmem:s15], [sflag:$0x3] =	stream.linear.gather [hbm4b:s9+s24], $0x1400, $0x38;
	[tilespmem:$0x1E800] =	vst v63  }
0x5b: {  	_ =	swait.ge [sflag:s14], $0x1400  }
0x5c: {  	[sflag:s14] =	ssyncset.done $0x0  }
0x5d: {  	[sflag:s14] =	ssyncadd.s32 $0xFFFFEC00  }
0x5e: {  	[tilespmem:s17], [sflag:$0x1] =	stream.indirect.gather [hbm4b:s4+s16], $0x80, s24, s16, $0xb8;
	[tilespmem:$0x1E800] =	vst v63  }
0x5f: {  	_ = 	snop  }
0x60: {  	[tilespmem:s18], [sflag:$0x2] =	stream.indirect.gather [hbm4b:s4+s16], $0x80, s16, s16, $0xb8;
	[tilespmem:$0x1E800] =	vst v63  }
0x61: {  	_ =	strace $0x80000054  }
0x62: {  	_ =	swait.ge [sflag:s19], $0x4000  }
0x63: {  	[sflag:s19] =	ssyncset.done $0x0  }
0x64: {  	s29 =	simm.s32 $0x1400;
	[sflag:s19] =	ssyncadd.s32 $0xFFFFC000  }
0x65: {  	[spmem:s1] =	stream.indirect.scatter.add.f32 [tilespmem:s17], [sflag:$0x3], $0x80, s29, s16, $0x2000b8;
	[tilespmem:$0x1E800] =	vst v63  }
0x66: {  	_ =	swait.ge [sflag:s14], $0x4000  }
0x67: {  	[sflag:s14] =	ssyncset.done $0x0  }
0x68: {  	s30 =	simm.s32 $0x100;
	[sflag:s14] =	ssyncadd.s32 $0xFFFFC000  }
0x69: {  	[tilespmem:s17], [sflag:$0x1] =	stream.indirect.gather [hbm4b:s4+s16], $0x80, s30, s16, $0x2000b8;
	[tilespmem:$0x1E800] =	vst v63  }
0x6a: {  	_ =	swait.ge [sflag:s20], $0x4000  }
0x6b: {  	[sflag:s20] =	ssyncset.done $0x0  }
0x6c: {  	s31 =	simm.s32 $0x1480;
	[sflag:s20] =	ssyncadd.s32 $0xFFFFC000  }
0x6d: {  	[spmem:s1] =	stream.indirect.scatter.add.f32 [tilespmem:s18], [sflag:$0x3], $0x80, s31, s16, $0x2000b8;
	[tilespmem:$0x1E800] =	vst v63  }
0x6e: {  	_ =	swait.ge [sflag:s14], $0x4000  }
0x6f: {  	[sflag:s14] =	ssyncset.done $0x0  }
0x70: {  	s25 =	simm.s32 $0x180;
	s24 =	simm.s32 $0x400;
	[sflag:s14] =	ssyncadd.s32 $0xFFFFC000  }
.LBB2_4:
0x71: {  	[tilespmem:s18], [sflag:$0x2] =	stream.indirect.gather [hbm4b:s4+s16], $0x80, s25, s16, $0x2000b8;
	[tilespmem:$0x1E800] =	vst v63  }
0x72: {  	s25 =	smov.u32 s24  }
0x73: {  	p0 =	sne.s32 s24, $0x4800;
	s24 =	sadd.s32 $0x400, s24;
	_ =	swait.ge [sflag:s19], $0x4000  }
0x74: {  	s25 =	sshra.s32 s25, $0x2;
	[sflag:s19] =	ssyncset.done $0x0  }
0x75: {  	s26 =	sadd.s32 $0x1400, s25;
	[sflag:s19] =	ssyncadd.s32 $0xFFFFC000  }
0x76: {  	[spmem:s1] =	stream.indirect.scatter.add.f32 [tilespmem:s17], [sflag:$0x3], $0x80, s26, s16, $0x2000b8;
	[tilespmem:$0x1E800] =	vst v63  }
0x77: {  	_ =	swait.ge [sflag:s14], $0x4000  }
0x78: {  	[sflag:s14] =	ssyncset.done $0x0  }
0x79: {  	s26 =	sadd.s32 $0x100, s25;
	[sflag:s14] =	ssyncadd.s32 $0xFFFFC000  }
0x7a: {  	[tilespmem:s17], [sflag:$0x1] =	stream.indirect.gather [hbm4b:s4+s16], $0x80, s26, s16, $0x2000b8;
	[tilespmem:$0x1E800] =	vst v63  }
0x7b: {  	_ =	swait.ge [sflag:s20], $0x4000  }
0x7c: {  	[sflag:s20] =	ssyncset.done $0x0  }
.Ltmp1:
0x7d: {  	s26 =	sadd.s32 $0x1480, s25;
	[sflag:s20] =	ssyncadd.s32 $0xFFFFC000;
	(pc) =	sbr.rel @p0 .LBB2_4-.Ltmp1, $4  }
0x7e: {  	[spmem:s1] =	stream.indirect.scatter.add.f32 [tilespmem:s18], [sflag:$0x3], $0x80, s26, s16, $0x2000b8;
	[tilespmem:$0x1E800] =	vst v63  }
0x7f: {  	_ =	swait.ge [sflag:s14], $0x4000  }
0x80: {  	[sflag:s14] =	ssyncset.done $0x0  }
0x81: {  	s25 =	sadd.s32 $0x180, s25;
	[sflag:s14] =	ssyncadd.s32 $0xFFFFC000  }
0x82: {  	[tilespmem:s18], [sflag:$0x2] =	stream.indirect.gather [hbm4b:s4+s16], $0x80, s25, s16, $0x2000b8;
	[tilespmem:$0x1E800] =	vst v63  }
0x83: {  	_ =	strace $0x90000054  }
0x84: {  	_ =	swait.ge [sflag:s19], $0x4000  }
0x85: {  	[sflag:s19] =	ssyncset.done $0x0  }
0x86: {  	[sflag:s19] =	ssyncadd.s32 $0xFFFFC000  }
0x87: {  	[spmem:s1] =	stream.indirect.scatter.add.f32 [tilespmem:s17], [sflag:$0x3], $0x80, s21, s16, $0xb8;
	[tilespmem:$0x1E800] =	vst v63  }
0x88: {  	_ =	swait.ge [sflag:s14], $0x4000  }
0x89: {  	[sflag:s14] =	ssyncset.done $0x0  }
0x8a: {  	[sflag:s14] =	ssyncadd.s32 $0xFFFFC000  }
0x8b: {  	_ =	swait.ge [sflag:s20], $0x4000  }
0x8c: {  	[sflag:s20] =	ssyncset.done $0x0  }
0x8d: {  	[sflag:s20] =	ssyncadd.s32 $0xFFFFC000  }
0x8e: {  	[spmem:s1] =	stream.indirect.scatter.add.f32 [tilespmem:s18], [sflag:$0x3], $0x80, s22, s16, $0xb8;
	[tilespmem:$0x1E800] =	vst v63  }
0x8f: {  	_ =	swait.ge [sflag:s14], $0x4000  }
0x90: {  	[sflag:s14] =	ssyncset.done $0x0  }
0x91: {  	[sflag:s14] =	ssyncadd.s32 $0xFFFFC000  }
0x92: {  	s23 =	sadd.s32 $0x1, s23;
	_ =	strace $0x80000055  }
0x93: {  	p0 =	sne.s32 s23, s11;
	[bflag:$0x0] =	sbarrier.arrive $0xFFFF  }
0x94: {  	[hbm:s10], [sflag:s12] =	dma.local [spmem:s13], $0x2800  }
.Ltmp2:
0x95: {  	_ = 	snop;
	(pc) =	sbr.rel @p0 .LBB2_1-.Ltmp2, $4  }
0x96: {  	_ =	swait.ge [sflag:s14], $0x2800  }
0x97: {  	[sflag:s14] =	ssyncset.done $0x0  }
0x98: {  	[sflag:s14] =	ssyncadd.s32 $0xFFFFD800  }
0x99: {  	_ =	strace $0x90000055  }
0x9a: {  	_ =	sfence.sel $0x180000  }
0x9b: {  	[bflag:$0x0] =	sbarrier.arrive $0xFFFF  }
0x9c: {  	p0 =	sne.s32 s2, $0x0;
	_ =	strace $0x90000051  }
0x9d: {  	s0 =	sadd.s32 @!p0 $0x100000, s0;
	[bflag:$0x2] =	sbarrier.arrive $0xFFFF  }
0x9e: {  	[sflag:s0] =	ssyncadd.tile.s32 @!p0 $0x1;
	_ =	shalt  }
.Lfunc_end2:
_tile_overlayer_lowered:
.L_overlay_start_2:
0x9f: {  	(tag) =	ssettag $0x2  }
0xa0: {  	s0 =	rddreg [dreg:$0x0];
	s2 =	stileid.u32  }
0xa1: {  	s1 =	rddreg [dreg:$0x1];
	p0 =	sne.s32 s2, $0x0  }
0xa2: {  	s3 =	rddreg [dreg:$0x2];
	[bflag:$0x3] =	sbarrier.arrive $0xFFFF;
	s2 =	simm.s32 @!p0 $0x1C03  }
0xa3: {  	[timem:s3], [sflag:s2] =	dma.local @!p0 [hbm:s0], s1  }
0xa4: {  	s0 =	simm.s32 @!p0 $0x3  }
0xa5: {  	_ =	swait.ge @!p0 [sflag:s0], s1  }
0xa6: {  	s1 =	ssub.s32 @!p0 $0x0, s1;
	[sflag:s0] =	ssyncset.done @!p0 $0x0  }
0xa7: {  	[sflag:s0] =	ssyncadd.s32 @!p0 s1  }
0xa8: {  	[bflag:$0x3] =	sbarrier.arrive $0xFFFF  }
0xa9: {  	_ =	shalt  }

// kernel: kernel.19.cloned.1.call-start
scs
__scs_entry_jumppad:
0x0: {  	(pc) =	sbr.rel $0x88, $3  }
0x1: {  	(tag) =	ssettag $0x0;
	lr =	simm.s32 $0x1  }
0x2: {  	[smem:$0x3F99] =	sst lr;
	_ =	strace $0xD0000000  }
0x3: {  	_ = 	snop  }
0x4: {  	_ = 	snop  }
0x5: {  	_ = 	snop  }
0x6: {  	_ = 	snop  }
0x7: {  	_ = 	snop  }
__scs_overlays_trampoline_lowered:
0x8: {  	[smem:$0x3FA8] =	sst s0  }
0x9: {  	[smem:$0x3FA9] =	sst s1  }
0xa: {  	[smem:$0x3FAA] =	sst s2  }
0xb: {  	[smem:$0x3FAB] =	sst s3  }
0xc: {  	[smem:$0x3FAC] =	sst s4  }
0xd: {  	[smem:$0x3FAD] =	sst s5  }
0xe: {  	[smem:$0x3FAE] =	sst s6  }
0xf: {  	[smem:$0x3FAF] =	sst s7  }
0x10: {  	[smem:$0x3FB0] =	sst s8  }
0x11: {  	[smem:$0x3FB1] =	sst s9;
	s0 =	simm.s32 @!p0 $0x0  }
0x12: {  	s1 =	sld [smem:$0x3F97];
	s0 =	simm.s32 @p0 $0x1  }
0x13: {  	[smem:$0x3FB2] =	sst s0;
	s0 =	simm.s32 @!p1 $0x0  }
0x14: {  	s2 =	sld [smem:$0x3F96];
	s0 =	simm.s32 @p1 $0x1  }
0x15: {  	[smem:$0x3FB3] =	sst s0;
	s0 =	simm.s32 @!p2 $0x0  }
0x16: {  	s3 =	sld [smem:$0x3FDB];
	s0 =	simm.s32 @p2 $0x1  }
0x17: {  	s4 =	simm.s32 $0x1BF5;
	[smem:$0x3FB5] =	sst s0  }
0x18: {  	s0 =	sld [smem:$0x3F98];
	_ =	swait.ge [sflag:s4], $0x0  }
0x19: {  	s7 =	sld [smem:$0x3F99]  }
0x1a: {  	s8 =	sadd.s32 $0xFFFFE003, lr  }
0x1b: {  	s9 =	sadd.s32 $0xFFFFFEF7, lr;
	s5 =	simm.s32 $0xFFFFFFFF;
	p2 =	slt.u32 s8, $0xFFFFF086  }
0x1c: {  	p1 =	slt.u32 s9, $0xF7A;
	s5 =	simm.s32 @!p2 $0x0  }
0x1d: {  	s5 =	simm.s32 @p1 $0x1;
	p0 =	seq.s32 s7, s2  }
0x1e: {  	s7 =	smul.u32 @!p0 $0xF7A, s2;
	p2 =	seq.s32 @!p0 s5, $0x0  }
0x1f: {  	s9 =	smul.u32 $0xF7A, s1;
	s8 =	simm.s32 @!p0 $0x1BF5;
	p2 =	por !p2, p0  }
0x20: {  	[sflag:s8] =	ssyncset.s32 @!p0 $0xFFFFF086;
	s6 =	sadd.s32 @!p0 s3, s7;
	s7 =	simm.s32 @!p0 $0x108  }
0x21: {  	s3 =	sadd.s32 s3, s9;
	s6 =	sadd.s32 @!p0 $0x88, s6;
	s7 =	simm.s32 @p2 $0x1082  }
0x22: {  	[simem:s7], [sflag:s8] =	dma.local @!p0 [hbm:s6], $0xF7A  }
0x23: {  	s9 =	sor.u32 $0xD0000000, s2;
	s6 =	simm.s32 $0x108;
	_ =	swait.ge @!p0 [sflag:s8], $0x0  }
0x24: {  	s3 =	sadd.s32 $0x88, s3;
	s6 =	simm.s32 @!p1 $0x1082;
	[sflag:s4] =	ssyncset.s32 $0xFFFFF086  }
0x25: {  	[simem:s6], [sflag:s4] =	dma.local [hbm:s3], $0xF7A  }
0x26: {  	[smem:$0x3F99] =	sst s1;
	(tag) =	ssettag s2;
	_ =	strace s9  }
0x27: {  	s1 =	sld [smem:$0x3FA9]  }
0x28: {  	s2 =	sld [smem:$0x3FAA]  }
0x29: {  	s4 =	sld [smem:$0x3FAC]  }
0x2a: {  	p0 =	seq.s32 s5, $0x0;
	s5 =	sld [smem:$0x3FAD]  }
0x2b: {  	s6 =	sld [smem:$0x3FAE]  }
0x2c: {  	s7 =	sld [smem:$0x3FAF]  }
0x2d: {  	s3 =	simm.s32 $0x108;
	s8 =	sld [smem:$0x3FB0]  }
0x2e: {  	s3 =	simm.s32 @!p0 $0x1082;
	s9 =	sld [smem:$0x3FB1]  }
0x2f: {  	lr =	sadd.s32 s0, s3;
	s0 =	sld [smem:$0x3FA8]  }
0x30: {  	s3 =	sld [smem:$0x3FAB]  }
0x31: {  	[smem:$0x3FB4] =	sst s10  }
0x32: {  	s10 =	sld [smem:$0x3FB2];
	_ =	sdelay $0x3  }
0x33: {  	p0 =	seq.s32 s10, $0x1;
	s10 =	sld [smem:$0x3FB4];
	_ =	sdelay $0x3  }
0x34: {  	[smem:$0x3FB4] =	sst s10  }
0x35: {  	s10 =	sld [smem:$0x3FB3];
	_ =	sdelay $0x3  }
0x36: {  	p1 =	seq.s32 s10, $0x1;
	s10 =	sld [smem:$0x3FB4];
	_ =	sdelay $0x3  }
0x37: {  	[smem:$0x3FB4] =	sst s10  }
0x38: {  	s10 =	sld [smem:$0x3FB5]  }
0x39: {  	_ = 	snop;
	(pc) =	sbr.ind lr, $3  }
0x3a: {  	_ = 	snop  }
0x3b: {  	_ = 	snop  }
0x3c: {  	p2 =	seq.s32 s10, $0x1;
	s10 =	sld [smem:$0x3FB4]  }
0x3d: {  	_ =	shalt  }
0x3e: {  	_ =	shalt  }
0x3f: {  	_ =	shalt  }
0x40: {  	_ =	shalt  }
0x41: {  	_ =	shalt  }
0x42: {  	_ =	shalt  }
0x43: {  	_ =	shalt  }
0x44: {  	_ =	shalt  }
0x45: {  	_ =	shalt  }
0x46: {  	_ =	shalt  }
0x47: {  	_ =	shalt  }
0x48: {  	_ =	shalt  }
0x49: {  	_ =	shalt  }
0x4a: {  	_ =	shalt  }
0x4b: {  	_ =	shalt  }
0x4c: {  	_ =	shalt  }
0x4d: {  	_ =	shalt  }
0x4e: {  	_ =	shalt  }
0x4f: {  	_ =	shalt  }
0x50: {  	_ =	shalt  }
0x51: {  	_ =	shalt  }
0x52: {  	_ =	shalt  }
0x53: {  	_ =	shalt  }
0x54: {  	_ =	shalt  }
0x55: {  	_ =	shalt  }
0x56: {  	_ =	shalt  }
0x57: {  	_ =	shalt  }
0x58: {  	_ =	shalt  }
0x59: {  	_ =	shalt  }
0x5a: {  	_ =	shalt  }
0x5b: {  	_ =	shalt  }
0x5c: {  	_ =	shalt  }
0x5d: {  	_ =	shalt  }
0x5e: {  	_ =	shalt  }
0x5f: {  	_ =	shalt  }
0x60: {  	_ =	shalt  }
0x61: {  	_ =	shalt  }
0x62: {  	_ =	shalt  }
0x63: {  	_ =	shalt  }
0x64: {  	_ =	shalt  }
0x65: {  	_ =	shalt  }
0x66: {  	_ =	shalt  }
0x67: {  	_ =	shalt  }
0x68: {  	_ =	shalt  }
0x69: {  	_ =	shalt  }
0x6a: {  	_ =	shalt  }
0x6b: {  	_ =	shalt  }
0x6c: {  	_ =	shalt  }
0x6d: {  	_ =	shalt  }
0x6e: {  	_ =	shalt  }
0x6f: {  	_ =	shalt  }
0x70: {  	_ =	shalt  }
0x71: {  	_ =	shalt  }
0x72: {  	_ =	shalt  }
0x73: {  	_ =	shalt  }
0x74: {  	_ =	shalt  }
0x75: {  	_ =	shalt  }
0x76: {  	_ =	shalt  }
0x77: {  	_ =	shalt  }
0x78: {  	_ =	shalt  }
0x79: {  	_ =	shalt  }
0x7a: {  	_ =	shalt  }
0x7b: {  	_ =	shalt  }
0x7c: {  	_ =	shalt  }
0x7d: {  	_ =	shalt  }
0x7e: {  	_ =	shalt  }
0x7f: {  	_ =	shalt  }
0x80: {  	_ =	shalt  }
0x81: {  	_ =	shalt  }
0x82: {  	_ =	shalt  }
0x83: {  	_ =	shalt  }
0x84: {  	_ =	shalt  }
0x85: {  	_ =	shalt  }
0x86: {  	_ =	shalt  }
0x87: {  	_ =	shalt  }
.Lfunc_end0:
.L_simem_size_0:
called_computation.3_lowered:
.L_overlay_start_0:
0x88: {  	s2 =	sld [smem:$0x3FD9]  }
0x89: {  	s3 =	sld [smem:$0x3FFE];
	_ =	sdelay $0x1  }
0x8a: {  	s1 =	srdreg.scid  }
0x8b: {  	s0 =	sand.u32 $0x1, s1  }
0x8c: {  	s17 =	sshll.u32 s0, $0xA;
	s2 =	sadd.s32 s3, s2  }
0x8d: {  	s2 =	sadd.s32 s2, s17  }
0x8e: {  	[smem:$0x3FC0] =	sst s2  }
0x8f: {  	_ = 	snop  }
0x90: {  	s2 =	sld [smem:$0x3FD0];
	(tm) =	ssettm $0x1  }
0x91: {  	s18 =	sld [smem:$0x3FFB];
	_ =	sdelay $0x3  }
0x92: {  	_ =	strace s18  }
0x93: {  	s3 =	sld [smem:$0x3FFC];
	_ =	sdelay $0x3  }
0x94: {  	_ =	strace s3  }
0x95: {  	s3 =	sld [smem:$0x3FFD];
	_ =	sdelay $0x3  }
0x96: {  	_ =	strace s3  }
0x97: {  	_ =	strace $0x8FFFFFFF  }
0x98: {  	s19 =	sld [smem:$0x3FDB];
	_ =	sdelay $0x1  }
0x99: {  	s4 =	simm.s32 $_scs_section_size  }
0x9a: {  	s5 =	simm.s32 $_size__tile_overlayer_lowered;
	s6 =	simm.s32 $_tile_overlayer_lowered  }
0x9b: {  	s22 =	simm.s32 $0x1BFF;
	s21 =	sshll.u32 s6, $0x1;
	s3 =	sadd.s32 s4, s19  }
0x9c: {  	s7 =	simm.s32 $0x0;
	s20 =	sshll.u32 s5, $0x1;
	s5 =	sadd.s32 s21, s3  }
0x9d: {  	[timem:s7], [sflag:s22] =	dma.local [hbm:s5], s20  }
0x9e: {  	_ =	swait.ge [sflag:s22], s20  }
0x9f: {  	s4 =	ssub.s32 $0x0, s20;
	[sflag:s22] =	ssyncset.done $0x0  }
0xa0: {  	[sflag:s22] =	ssyncadd.s32 s4;
	_ =	sdelay $0x1  }
0xa1: {  	s23 =	simm.s32 $0x1B8B  }
0xa2: {  	_ =	swait.ge [sflag:s23], $0x1  }
0xa3: {  	[sflag:s23] =	ssyncset.done $0x0  }
0xa4: {  	s25 =	simm.s32 $0x1B8E;
	s24 =	sld [smem:$0x3FFE];
	[sflag:s23] =	ssyncadd.s32 $0xFFFFFFFF  }
0xa5: {  	s26 =	simm.s32 $execute0_lowered;
	[smem:$0x3FD2] =	sst s25  }
0xa6: {  	s5 =	sshll.u32 s26, $0x1;
	_ =	strace $0x80000057;
	[dreg:$0x1] =	wrdreg $0xFFFFFFFF  }
0xa7: {  	s28 =	simm.s32 $_size_execute0_lowered;
	s3 =	sadd.s32 s3, s5;
	[dreg:$0x0] =	wrdreg $0x0  }
0xa8: {  	s5 =	sshll.u32 s28, $0x1;
	[dreg:$0x2] =	wrdreg s3  }
0xa9: {  	[dreg:$0x3] =	wrdreg s5  }
0xaa: {  	[dreg:$0x4] =	wrdreg $0xC0  }
0xab: {  	_ =	task [dreg:s7], $0x5FFFF  }
0xac: {  	[dreg:$0x1] =	wrdreg $0xFFFFFFFF  }
0xad: {  	[dreg:$0x0] =	wrdreg $0x60  }
0xae: {  	[dreg:$0x2] =	wrdreg s24  }
0xaf: {  	[dreg:$0x3] =	wrdreg s2  }
0xb0: {  	[dreg:$0x4] =	wrdreg $0x58000  }
0xb1: {  	[dreg:$0x5] =	wrdreg $0x9  }
0xb2: {  	_ =	task.clear_ibuf [dreg:s7], $0x6FFFF;
	_ =	strace $0x90000057  }
0xb3: {  	s29 =	simm.s32 $0x9;
	_ =	strace $0x8000005D  }
0xb4: {  	_ =	swait.ge [sflag:s29], $0x1  }
0xb5: {  	[sflag:s29] =	ssyncadd.s32 $0xFFFFFFFF  }
0xb6: {  	_ =	strace $0x9000005D  }
0xb7: {  	_ =	sfence  }
0xb8: {  	s30 =	sld [smem:$0x0];
	_ =	sdelay $0x2  }
0xb9: {  	s31 =	sshll.u32 s1, $0xD;
	s1 =	sshrl.u32 s1, $0x2  }
0xba: {  	s3 =	sand.u32 $0x4000, s31;
	s1 =	sadd.s32 s1, s30  }
0xbb: {  	s0 =	sor.u32 s3, s0;
	s1 =	sshll.u32 s1, $0x11  }
0xbc: {  	s0 =	sor.u32 s1, s0  }
0xbd: {  	s0 =	sadd.s32 $0x8F2B, s0  }
0xbe: {  	[sflag:s0] =	ssyncadd.remote.s32 $0x1  }
0xbf: {  	_ =	sfence.sel $0xFFFF  }
0xc0: {  	[dreg:$0x0] =	wrdreg $0xFFFFFFFF;
	(pc) =	sbr.abs _section_cstart, $3  }
0xc1: {  	[dreg:$0x1] =	wrdreg $0xFFFFFFFF  }
0xc2: {  	_ =	task.clear_ibuf [dreg:s7], $0x2FFFF;
	_ =	strace $0x9FFFFFFF  }
0xc3: {  	(tm) =	ssettm $0x7FFFFFFF  }
tec
execute0_lowered:
.L_overlay_start_1:
0x0: {  	(tag) =	ssettag $0x1  }
0x1: {  	s6 =	rddreg [dreg:$0x0]  }
0x2: {  	s9 =	rddreg [dreg:$0x1]  }
0x3: {  	s1 =	rddreg [dreg:$0x2]  }
0x4: {  	s0 =	rddreg [dreg:$0x3];
	s3 =	simm.s32 $0x0  }
0x5: {  	s4 =	srdreg.scid;
	s2 =	stileid.u32;
	s16 =	simm.s32 $0x80  }
0x6: {  	s17 =	simm.s32 $0x2800;
	s18 =	simm.s32 $0x4000;
	s19 =	simm.s32 $0x1  }
0x7: {  	s20 =	simm.s32 $0x2;
	s21 =	simm.s32 $0x2700;
	s22 =	simm.s32 $0x2780  }
0x8: {  	s23 =	simm.s32 $0x0;
	[smem:$0x7FF] =	sst s3;
	s7 =	sand.u32 $0x1, s4  }
0x9: {  	s8 =	smul.u32 $0x7800, s2;
	s4 =	sadd.s32 $0x16400, s6;
	s12 =	sadd.s32 $0xC400, s6  }
0xa: {  	s5 =	sadd.s32 $0x2400, s6;
	s10 =	smul.u32 $0x78000, s7;
	s11 =	sshll.u32 s7, $0x4  }
0xb: {  	s31 =	sshll.u32 s2, $0x6;
	_ =	strace $0x80000058;
	s11 =	sor.u32 s2, s11  }
0xc: {  	s7 =	ssub.s32 $0x2, s7;
	s10 =	sadd.s32 s8, s10;
	s13 =	smul.u32 $0x2800, s11  }
0xd: {  	s14 =	sshrl.u32 s7, $0x1;
	s11 =	smul.u32 $0x500, s11;
	s10 =	sshrl.u32 s10, $0x3  }
0xe: {  	s30 =	sadd.s32 s8, s1;
	s14 =	ssub.s32 s7, s14;
	s10 =	sadd.s32 s10, s6  }
0xf: {  	s29 =	sshrl.u32 s13, $0x3;
	s6 =	sadd.s32 s12, s11;
	s7 =	sadd.s32 s9, s11  }
0x10: {  	s11 =	smax.u32 s14, $0x1;
	s13 =	sshrl.u32 s30, $0x3;
	s15 =	sadd.s32 $0x280, s29  }
0x11: {  	s14 =	simm.s32 $0x3;
	s10 =	sadd.s32 $0x25400, s10;
	s8 =	sadd.s32 s12, s15  }
0x12: {  	s9 =	sadd.s32 s9, s15;
	s12 =	sor.u32 $0x1C03, s31;
	s15 =	simm.s32 $0x1400  }
.LBB2_1:
0x13: {  	_ =	strace $0x80000059  }
0x14: {  	[spmem:s13], [sflag:s12] =	dma.local [hbm:s5], $0xF00  }
0x15: {  	_ =	swait.ge [sflag:s14], $0xF00  }
0x16: {  	[sflag:s14] =	ssyncset.done $0x0  }
0x17: {  	[sflag:s14] =	ssyncadd.s32 $0xFFFFF100  }
0x18: {  	[bflag:$0x0] =	sbarrier.arrive $0xFFFF  }
0x19: {  	_ =	strace $0x90000059  }
0x1a: {  	[tilespmem:s3], [sflag:$0x3] =	stream.linear.gather [hbm4b:s6+s3], $0x1400, $0x38;
	[tilespmem:$0xD000] =	vst v63  }
0x1b: {  	_ =	swait.ge [sflag:s14], $0x1400  }
0x1c: {  	[sflag:s14] =	ssyncset.done $0x0  }
0x1d: {  	[sflag:s14] =	ssyncadd.s32 $0xFFFFEC00  }
0x1e: {  	[tilespmem:s15], [sflag:$0x3] =	stream.linear.gather [hbm4b:s7+s3], $0x1400, $0x38;
	[tilespmem:$0xD000] =	vst v63  }
0x1f: {  	_ =	swait.ge [sflag:s14], $0x1400  }
0x20: {  	[sflag:s14] =	ssyncset.done $0x0  }
0x21: {  	[sflag:s14] =	ssyncadd.s32 $0xFFFFEC00  }
0x22: {  	[tilespmem:s17], [sflag:$0x1] =	stream.indirect.gather [hbm4b:s4+s16], $0x30, s3, s16, $0xb8;
	[tilespmem:$0xD000] =	vst v63  }
0x23: {  	_ = 	snop  }
0x24: {  	[tilespmem:s18], [sflag:$0x2] =	stream.indirect.gather [hbm4b:s4+s16], $0x30, s16, s16, $0xb8;
	[tilespmem:$0xD000] =	vst v63  }
0x25: {  	_ =	strace $0x8000005A  }
0x26: {  	_ =	swait.ge [sflag:s19], $0x1800  }
0x27: {  	[sflag:s19] =	ssyncset.done $0x0  }
0x28: {  	s24 =	simm.s32 $0x1400;
	[sflag:s19] =	ssyncadd.s32 $0xFFFFE800  }
0x29: {  	[spmem:s1] =	stream.indirect.scatter.add.f32 [tilespmem:s17], [sflag:$0x3], $0x30, s24, s16, $0x2000b8;
	[tilespmem:$0xD000] =	vst v63  }
0x2a: {  	_ =	swait.ge [sflag:s14], $0x1800  }
0x2b: {  	[sflag:s14] =	ssyncset.done $0x0  }
0x2c: {  	s30 =	simm.s32 $0x100;
	[sflag:s14] =	ssyncadd.s32 $0xFFFFE800  }
0x2d: {  	[tilespmem:s17], [sflag:$0x1] =	stream.indirect.gather [hbm4b:s4+s16], $0x30, s30, s16, $0x2000b8;
	[tilespmem:$0xD000] =	vst v63  }
0x2e: {  	_ =	swait.ge [sflag:s20], $0x1800  }
0x2f: {  	[sflag:s20] =	ssyncset.done $0x0  }
0x30: {  	s31 =	simm.s32 $0x1480;
	[sflag:s20] =	ssyncadd.s32 $0xFFFFE800  }
0x31: {  	[spmem:s1] =	stream.indirect.scatter.add.f32 [tilespmem:s18], [sflag:$0x3], $0x30, s31, s16, $0x2000b8;
	[tilespmem:$0xD000] =	vst v63  }
0x32: {  	_ =	swait.ge [sflag:s14], $0x1800  }
0x33: {  	[sflag:s14] =	ssyncset.done $0x0  }
0x34: {  	s25 =	simm.s32 $0x180;
	s24 =	simm.s32 $0x400;
	[sflag:s14] =	ssyncadd.s32 $0xFFFFE800  }
.LBB2_2:
0x35: {  	[tilespmem:s18], [sflag:$0x2] =	stream.indirect.gather [hbm4b:s4+s16], $0x30, s25, s16, $0x2000b8;
	[tilespmem:$0xD000] =	vst v63  }
0x36: {  	s25 =	smov.u32 s24  }
0x37: {  	p0 =	sne.s32 s24, $0x4800;
	s24 =	sadd.s32 $0x400, s24;
	_ =	swait.ge [sflag:s19], $0x1800  }
0x38: {  	s25 =	sshra.s32 s25, $0x2;
	[sflag:s19] =	ssyncset.done $0x0  }
0x39: {  	s26 =	sadd.s32 $0x1400, s25;
	[sflag:s19] =	ssyncadd.s32 $0xFFFFE800  }
0x3a: {  	[spmem:s1] =	stream.indirect.scatter.add.f32 [tilespmem:s17], [sflag:$0x3], $0x30, s26, s16, $0x2000b8;
	[tilespmem:$0xD000] =	vst v63  }
0x3b: {  	_ =	swait.ge [sflag:s14], $0x1800  }
0x3c: {  	[sflag:s14] =	ssyncset.done $0x0  }
0x3d: {  	s26 =	sadd.s32 $0x100, s25;
	[sflag:s14] =	ssyncadd.s32 $0xFFFFE800  }
0x3e: {  	[tilespmem:s17], [sflag:$0x1] =	stream.indirect.gather [hbm4b:s4+s16], $0x30, s26, s16, $0x2000b8;
	[tilespmem:$0xD000] =	vst v63  }
0x3f: {  	_ =	swait.ge [sflag:s20], $0x1800  }
0x40: {  	[sflag:s20] =	ssyncset.done $0x0  }
.Ltmp0:
0x41: {  	s26 =	sadd.s32 $0x1480, s25;
	[sflag:s20] =	ssyncadd.s32 $0xFFFFE800;
	(pc) =	sbr.rel @p0 .LBB2_2-.Ltmp0, $4  }
0x42: {  	[spmem:s1] =	stream.indirect.scatter.add.f32 [tilespmem:s18], [sflag:$0x3], $0x30, s26, s16, $0x2000b8;
	[tilespmem:$0xD000] =	vst v63  }
0x43: {  	_ =	swait.ge [sflag:s14], $0x1800  }
0x44: {  	[sflag:s14] =	ssyncset.done $0x0  }
0x45: {  	s25 =	sadd.s32 $0x180, s25;
	[sflag:s14] =	ssyncadd.s32 $0xFFFFE800  }
0x46: {  	[tilespmem:s18], [sflag:$0x2] =	stream.indirect.gather [hbm4b:s4+s16], $0x30, s25, s16, $0x2000b8;
	[tilespmem:$0xD000] =	vst v63  }
0x47: {  	_ =	strace $0x9000005A  }
0x48: {  	_ =	swait.ge [sflag:s19], $0x1800  }
0x49: {  	[sflag:s19] =	ssyncset.done $0x0  }
0x4a: {  	[sflag:s19] =	ssyncadd.s32 $0xFFFFE800  }
0x4b: {  	[spmem:s1] =	stream.indirect.scatter.add.f32 [tilespmem:s17], [sflag:$0x3], $0x30, s21, s16, $0xb8;
	[tilespmem:$0xD000] =	vst v63  }
0x4c: {  	_ =	swait.ge [sflag:s14], $0x1800  }
0x4d: {  	[sflag:s14] =	ssyncset.done $0x0  }
0x4e: {  	[sflag:s14] =	ssyncadd.s32 $0xFFFFE800  }
0x4f: {  	_ =	swait.ge [sflag:s20], $0x1800  }
0x50: {  	[sflag:s20] =	ssyncset.done $0x0  }
0x51: {  	[sflag:s20] =	ssyncadd.s32 $0xFFFFE800  }
0x52: {  	[spmem:s1] =	stream.indirect.scatter.add.f32 [tilespmem:s18], [sflag:$0x3], $0x30, s22, s16, $0xb8;
	[tilespmem:$0xD000] =	vst v63  }
0x53: {  	_ =	swait.ge [sflag:s14], $0x1800  }
0x54: {  	[sflag:s14] =	ssyncset.done $0x0  }
0x55: {  	s24 =	simm.s32 $0x0;
	[sflag:s14] =	ssyncadd.s32 $0xFFFFE800  }
0x56: {  	[tilespmem:s24], [sflag:$0x3] =	stream.linear.gather [hbm4b:s8+s24], $0x1400, $0x38;
	[tilespmem:$0xD000] =	vst v63  }
0x57: {  	_ =	swait.ge [sflag:s14], $0x1400  }
0x58: {  	[sflag:s14] =	ssyncset.done $0x0  }
0x59: {  	[sflag:s14] =	ssyncadd.s32 $0xFFFFEC00  }
0x5a: {  	[tilespmem:s15], [sflag:$0x3] =	stream.linear.gather [hbm4b:s9+s24], $0x1400, $0x38;
	[tilespmem:$0xD000] =	vst v63  }
0x5b: {  	_ =	swait.ge [sflag:s14], $0x1400  }
0x5c: {  	[sflag:s14] =	ssyncset.done $0x0  }
0x5d: {  	[sflag:s14] =	ssyncadd.s32 $0xFFFFEC00  }
0x5e: {  	[tilespmem:s17], [sflag:$0x1] =	stream.indirect.gather [hbm4b:s4+s16], $0x30, s24, s16, $0xb8;
	[tilespmem:$0xD000] =	vst v63  }
0x5f: {  	_ = 	snop  }
0x60: {  	[tilespmem:s18], [sflag:$0x2] =	stream.indirect.gather [hbm4b:s4+s16], $0x30, s16, s16, $0xb8;
	[tilespmem:$0xD000] =	vst v63  }
0x61: {  	_ =	strace $0x8000005B  }
0x62: {  	_ =	swait.ge [sflag:s19], $0x1800  }
0x63: {  	[sflag:s19] =	ssyncset.done $0x0  }
0x64: {  	s29 =	simm.s32 $0x1400;
	[sflag:s19] =	ssyncadd.s32 $0xFFFFE800  }
0x65: {  	[spmem:s1] =	stream.indirect.scatter.add.f32 [tilespmem:s17], [sflag:$0x3], $0x30, s29, s16, $0x2000b8;
	[tilespmem:$0xD000] =	vst v63  }
0x66: {  	_ =	swait.ge [sflag:s14], $0x1800  }
0x67: {  	[sflag:s14] =	ssyncset.done $0x0  }
0x68: {  	s30 =	simm.s32 $0x100;
	[sflag:s14] =	ssyncadd.s32 $0xFFFFE800  }
0x69: {  	[tilespmem:s17], [sflag:$0x1] =	stream.indirect.gather [hbm4b:s4+s16], $0x30, s30, s16, $0x2000b8;
	[tilespmem:$0xD000] =	vst v63  }
0x6a: {  	_ =	swait.ge [sflag:s20], $0x1800  }
0x6b: {  	[sflag:s20] =	ssyncset.done $0x0  }
0x6c: {  	s31 =	simm.s32 $0x1480;
	[sflag:s20] =	ssyncadd.s32 $0xFFFFE800  }
0x6d: {  	[spmem:s1] =	stream.indirect.scatter.add.f32 [tilespmem:s18], [sflag:$0x3], $0x30, s31, s16, $0x2000b8;
	[tilespmem:$0xD000] =	vst v63  }
0x6e: {  	_ =	swait.ge [sflag:s14], $0x1800  }
0x6f: {  	[sflag:s14] =	ssyncset.done $0x0  }
0x70: {  	s25 =	simm.s32 $0x180;
	s24 =	simm.s32 $0x400;
	[sflag:s14] =	ssyncadd.s32 $0xFFFFE800  }
.LBB2_4:
0x71: {  	[tilespmem:s18], [sflag:$0x2] =	stream.indirect.gather [hbm4b:s4+s16], $0x30, s25, s16, $0x2000b8;
	[tilespmem:$0xD000] =	vst v63  }
0x72: {  	s25 =	smov.u32 s24  }
0x73: {  	p0 =	sne.s32 s24, $0x4800;
	s24 =	sadd.s32 $0x400, s24;
	_ =	swait.ge [sflag:s19], $0x1800  }
0x74: {  	s25 =	sshra.s32 s25, $0x2;
	[sflag:s19] =	ssyncset.done $0x0  }
0x75: {  	s26 =	sadd.s32 $0x1400, s25;
	[sflag:s19] =	ssyncadd.s32 $0xFFFFE800  }
0x76: {  	[spmem:s1] =	stream.indirect.scatter.add.f32 [tilespmem:s17], [sflag:$0x3], $0x30, s26, s16, $0x2000b8;
	[tilespmem:$0xD000] =	vst v63  }
0x77: {  	_ =	swait.ge [sflag:s14], $0x1800  }
0x78: {  	[sflag:s14] =	ssyncset.done $0x0  }
0x79: {  	s26 =	sadd.s32 $0x100, s25;
	[sflag:s14] =	ssyncadd.s32 $0xFFFFE800  }
0x7a: {  	[tilespmem:s17], [sflag:$0x1] =	stream.indirect.gather [hbm4b:s4+s16], $0x30, s26, s16, $0x2000b8;
	[tilespmem:$0xD000] =	vst v63  }
0x7b: {  	_ =	swait.ge [sflag:s20], $0x1800  }
0x7c: {  	[sflag:s20] =	ssyncset.done $0x0  }
.Ltmp1:
0x7d: {  	s26 =	sadd.s32 $0x1480, s25;
	[sflag:s20] =	ssyncadd.s32 $0xFFFFE800;
	(pc) =	sbr.rel @p0 .LBB2_4-.Ltmp1, $4  }
0x7e: {  	[spmem:s1] =	stream.indirect.scatter.add.f32 [tilespmem:s18], [sflag:$0x3], $0x30, s26, s16, $0x2000b8;
	[tilespmem:$0xD000] =	vst v63  }
0x7f: {  	_ =	swait.ge [sflag:s14], $0x1800  }
0x80: {  	[sflag:s14] =	ssyncset.done $0x0  }
0x81: {  	s25 =	sadd.s32 $0x180, s25;
	[sflag:s14] =	ssyncadd.s32 $0xFFFFE800  }
0x82: {  	[tilespmem:s18], [sflag:$0x2] =	stream.indirect.gather [hbm4b:s4+s16], $0x30, s25, s16, $0x2000b8;
	[tilespmem:$0xD000] =	vst v63  }
0x83: {  	_ =	strace $0x9000005B  }
0x84: {  	_ =	swait.ge [sflag:s19], $0x1800  }
0x85: {  	[sflag:s19] =	ssyncset.done $0x0  }
0x86: {  	[sflag:s19] =	ssyncadd.s32 $0xFFFFE800  }
0x87: {  	[spmem:s1] =	stream.indirect.scatter.add.f32 [tilespmem:s17], [sflag:$0x3], $0x30, s21, s16, $0xb8;
	[tilespmem:$0xD000] =	vst v63  }
0x88: {  	_ =	swait.ge [sflag:s14], $0x1800  }
0x89: {  	[sflag:s14] =	ssyncset.done $0x0  }
0x8a: {  	[sflag:s14] =	ssyncadd.s32 $0xFFFFE800  }
0x8b: {  	_ =	swait.ge [sflag:s20], $0x1800  }
0x8c: {  	[sflag:s20] =	ssyncset.done $0x0  }
0x8d: {  	[sflag:s20] =	ssyncadd.s32 $0xFFFFE800  }
0x8e: {  	[spmem:s1] =	stream.indirect.scatter.add.f32 [tilespmem:s18], [sflag:$0x3], $0x30, s22, s16, $0xb8;
	[tilespmem:$0xD000] =	vst v63  }
0x8f: {  	_ =	swait.ge [sflag:s14], $0x1800  }
0x90: {  	[sflag:s14] =	ssyncset.done $0x0  }
0x91: {  	[sflag:s14] =	ssyncadd.s32 $0xFFFFE800  }
0x92: {  	s23 =	sadd.s32 $0x1, s23;
	_ =	strace $0x8000005C  }
0x93: {  	p0 =	sne.s32 s23, s11;
	[bflag:$0x0] =	sbarrier.arrive $0xFFFF  }
0x94: {  	[hbm:s10], [sflag:s12] =	dma.local [spmem:s13], $0xF00  }
.Ltmp2:
0x95: {  	_ = 	snop;
	(pc) =	sbr.rel @p0 .LBB2_1-.Ltmp2, $4  }
0x96: {  	_ =	swait.ge [sflag:s14], $0xF00  }
0x97: {  	[sflag:s14] =	ssyncset.done $0x0  }
0x98: {  	[sflag:s14] =	ssyncadd.s32 $0xFFFFF100  }
0x99: {  	_ =	strace $0x9000005C  }
0x9a: {  	_ =	sfence.sel $0x180000  }
0x9b: {  	[bflag:$0x0] =	sbarrier.arrive $0xFFFF  }
0x9c: {  	p0 =	sne.s32 s2, $0x0;
	_ =	strace $0x90000058  }
0x9d: {  	s0 =	sadd.s32 @!p0 $0x100000, s0;
	[bflag:$0x2] =	sbarrier.arrive $0xFFFF  }
0x9e: {  	[sflag:s0] =	ssyncadd.tile.s32 @!p0 $0x1;
	_ =	shalt  }
.Lfunc_end2:
_tile_overlayer_lowered:
.L_overlay_start_2:
0x9f: {  	(tag) =	ssettag $0x2  }
0xa0: {  	s0 =	rddreg [dreg:$0x0];
	s2 =	stileid.u32  }
0xa1: {  	s1 =	rddreg [dreg:$0x1];
	p0 =	sne.s32 s2, $0x0  }
0xa2: {  	s3 =	rddreg [dreg:$0x2];
	[bflag:$0x3] =	sbarrier.arrive $0xFFFF;
	s2 =	simm.s32 @!p0 $0x1C03  }
0xa3: {  	[timem:s3], [sflag:s2] =	dma.local @!p0 [hbm:s0], s1  }
0xa4: {  	s0 =	simm.s32 @!p0 $0x3  }
0xa5: {  	_ =	swait.ge @!p0 [sflag:s0], s1  }
0xa6: {  	s1 =	ssub.s32 @!p0 $0x0, s1;
	[sflag:s0] =	ssyncset.done @!p0 $0x0  }
0xa7: {  	[sflag:s0] =	ssyncadd.s32 @!p0 s1  }
0xa8: {  	[bflag:$0x3] =	sbarrier.arrive $0xFFFF  }
0xa9: {  	_ =	shalt  }

</sc_bundles>
